<compile_context>
chip_gen: v7x
topology: tpu7x:2x2x1
jax: 0.10.2.dev20260603
libtpu: 0.0.44.dev20260713+nightly
codegen_flags: <defaults>
</compile_context>

<pallas_src>
import jax
import jax.numpy as jnp
from jax import lax
from jax.experimental import pallas as pl
from jax.experimental.pallas import tpu as pltpu
from jax.experimental.pallas import tpu_sc as plsc

_STEPS = 32


def _unit(x_hbm, o_hbm, ib, ob, isem, osem, wid, t, do_wait_out):
    g = wid * 64 + t
    b = lax.div(g, 1024)
    ho = lax.rem(lax.div(g, 32), 32)
    wo = lax.rem(g, 32)

    def in_copy(bb, hh, ww, sem):
        return pltpu.make_async_copy(
            x_hbm.at[bb, :, pl.ds(2 * hh, 2), pl.ds(2 * ww, 2)], ib, sem
        )

    in_copy(b, ho, wo, isem).wait()

    @pl.when(do_wait_out)
    def _():
        pltpu.make_async_copy(ob, o_hbm.at[b, ho, wo], osem).wait()

    lane = lax.iota(jnp.int32, 16)
    row_pat = 4 * (lane // 8) + 2 * ((lane // 4) % 2) + (lane // 2) % 2
    col_pat = lane % 2
    flat = ib.reshape(256, 64)
    rows = [row_pat + 8 * k for k in range(32)]

    @plsc.parallel_loop(0, 32, unroll=8)
    def _(zo):
        col = col_pat + 2 * zo
        for k in range(32):
            vec = plsc.load_gather(flat, [rows[k], col])
            ob[zo, pl.ds(16 * k, 16)] = vec

    pltpu.make_async_copy(ob, o_hbm.at[b, ho, wo], osem).start()

    t2 = t + 2

    @pl.when(t2 < 64)
    def _():
        g2 = wid * 64 + t2
        in_copy(
            lax.div(g2, 1024), lax.rem(lax.div(g2, 32), 32), lax.rem(g2, 32),
            isem,
        ).start()


def _sc_body(x_hbm, o_hbm, ib0, ib1, ob0, ob1, is0, is1, os0, os1):
    wid = lax.axis_index("s") * 2 + lax.axis_index("c")
    g0 = wid * 64

    pltpu.make_async_copy(
        x_hbm.at[lax.div(g0, 1024), :,
                 pl.ds(2 * lax.rem(lax.div(g0, 32), 32), 2),
                 pl.ds(2 * lax.rem(g0, 32), 2)],
        ib0, is0,
    ).start()
    g1 = g0 + 1
    pltpu.make_async_copy(
        x_hbm.at[lax.div(g1, 1024), :,
                 pl.ds(2 * lax.rem(lax.div(g1, 32), 32), 2),
                 pl.ds(2 * lax.rem(g1, 32), 2)],
        ib1, is1,
    ).start()

    @pl.loop(0, _STEPS)
    def _(j):
        t = 2 * j
        _unit(x_hbm, o_hbm, ib0, ob0, is0, os0, wid, t, j >= 1)
        _unit(x_hbm, o_hbm, ib1, ob1, is1, os1, wid, t + 1, j >= 1)

    gl = wid * 64 + 62
    bl = lax.div(gl, 1024)
    hl = lax.rem(lax.div(gl, 32), 32)
    pltpu.make_async_copy(ob0, o_hbm.at[bl, hl, lax.rem(gl, 32)], os0).wait()
    pltpu.make_async_copy(
        ob1, o_hbm.at[bl, hl, lax.rem(gl + 1, 32)], os1
    ).wait()


def kernel(x):
    B, C, H, W, Z = x.shape
    r = 2
    mesh = plsc.VectorSubcoreMesh(core_axis_name="c", subcore_axis_name="s")
    f = pl.kernel(
        _sc_body,
        out_type=jax.ShapeDtypeStruct(
            (B, H // r, W // r, Z // r, C * r**3), x.dtype
        ),
        mesh=mesh,
        compiler_params=pltpu.CompilerParams(needs_layout_passes=False),
        scratch_types=[
            pltpu.VMEM((C, r, r, Z), x.dtype),
            pltpu.VMEM((C, r, r, Z), x.dtype),
            pltpu.VMEM((Z // r, C * r**3), x.dtype),
            pltpu.VMEM((Z // r, C * r**3), x.dtype),
            pltpu.SemaphoreType.DMA,
            pltpu.SemaphoreType.DMA,
            pltpu.SemaphoreType.DMA,
            pltpu.SemaphoreType.DMA,
        ],
    )
    out = f(x)
    return jnp.transpose(out, (0, 4, 1, 2, 3))

# --- scband reference (transcript-rebuilt; emitter-appended) ---
"""Pipeline reference for scband-interleaver-8804682957047 (READ-ONLY COPY).

The authoritative reference and input builder live on the scoring server;
editing this copy changes nothing except your own understanding.
"""

import jax, jax.numpy as jnp
import numpy as np

R = 2

def setup_inputs(seed: int = 0) -> dict:
    key = jax.random.key(seed)
    x = jax.random.normal(key, (2, 64, 64, 64, 64), dtype=jnp.float32)
    return {"x": x}

def reference(x):
    r = R
    B, C, H, W, Z = x.shape
    assert H % r == 0 and W % r == 0 and Z % r == 0
    x = x.reshape(B, C, H // r, r, W // r, r, Z // r, r)
    x = jnp.transpose(x, (0, 1, 3, 5, 7, 2, 4, 6))
    return x.reshape(B, C * r ** 3, H // r, W // r, Z // r)

if __name__ == "__main__":
    import jax
    _d = setup_inputs()
    print(jax.jit(kernel)(*tuple(_d.values())))

</pallas_src>

<mosaic_0001>
#map = affine_map<(d0, d1) -> (0, 0, 0, 0, 0)>
module attributes {stable_mosaic.version = 14 : i64} {
  func.func @_sc_body(%arg0: i32, %arg1: i32, %arg2: memref<2x64x64x64x64xf32, #tpu.memory_space<hbm>>, %arg3: memref<2x32x32x32x512xf32, #tpu.memory_space<hbm>>, %arg4: memref<64x2x2x64xf32, #tpu.memory_space<vmem>>, %arg5: memref<64x2x2x64xf32, #tpu.memory_space<vmem>>, %arg6: memref<32x512xf32, #tpu.memory_space<vmem>>, %arg7: memref<32x512xf32, #tpu.memory_space<vmem>>, %arg8: memref<!tpu.dma_semaphore, #tpu.memory_space<semaphore_mem>>, %arg9: memref<!tpu.dma_semaphore, #tpu.memory_space<semaphore_mem>>, %arg10: memref<!tpu.dma_semaphore, #tpu.memory_space<semaphore_mem>>, %arg11: memref<!tpu.dma_semaphore, #tpu.memory_space<semaphore_mem>>) attributes {dimension_semantics = [#tpu.dimension_semantics<core_parallel>, #tpu.dimension_semantics<subcore_parallel>], iteration_bounds = array<i64: 2, 16>, scalar_prefetch = 0 : i64, scratch_operands = 8 : i64, tpu.core_type = #tpu.core_type<sc_vector_subcore>, window_params = [{transform_indices = #map}, {transform_indices = #map}]} {
    %mul3A = arith.constant 2 : i32
    %mul3A_0 = arith.muli %arg1, %mul3A : i32
    %add3A = arith.addi %mul3A_0, %arg0 : i32
    %mul3A_1 = arith.constant 64 : i32
    %mul3A_2 = arith.muli %add3A, %mul3A_1 : i32
    %div3A = arith.constant 1024 : i32
    %div3A_3 = arith.divsi %mul3A_2, %div3A : i32
    %div3A_4 = arith.constant 32 : i32
    %div3A_5 = arith.divsi %mul3A_2, %div3A_4 : i32
    %rem3A = arith.constant 32 : i32
    %rem3A_6 = arith.remsi %div3A_5, %rem3A : i32
    %mul3A_7 = arith.constant 2 : i32
    %mul3A_8 = arith.muli %mul3A_7, %rem3A_6 : i32
    %rem3A_9 = arith.constant 32 : i32
    %rem3A_10 = arith.remsi %mul3A_2, %rem3A_9 : i32
    %mul3A_11 = arith.constant 2 : i32
    %mul3A_12 = arith.muli %mul3A_11, %rem3A_10 : i32
    %dma_start3A = arith.constant 0 : i32
    %dma_start3A_13 = arith.constant 0 : i32
    %dma_start3A_14 = tpu.memref_slice %arg2[%div3A_3, %dma_start3A, %mul3A_8, %mul3A_12, %dma_start3A_13] : memref<2x64x64x64x64xf32, #tpu.memory_space<hbm>> -> memref<1x64x2x2x64xf32, #tpu.memory_space<hbm>>
    %dma_start3A_15 = tpu.memref_squeeze %dma_start3A_14 : memref<1x64x2x2x64xf32, #tpu.memory_space<hbm>> -> memref<64x2x2x64xf32, #tpu.memory_space<hbm>>
    %dma_start3A_16 = arith.constant 0 : i32
    %dma_start3A_17 = arith.constant 0 : i32
    %dma_start3A_18 = tpu.memref_slice %arg2[%div3A_3, %dma_start3A_16, %mul3A_8, %mul3A_12, %dma_start3A_17] : memref<2x64x64x64x64xf32, #tpu.memory_space<hbm>> -> memref<1x64x2x2x64xf32, #tpu.memory_space<hbm>>
    %dma_start3A_19 = tpu.memref_squeeze %dma_start3A_18 : memref<1x64x2x2x64xf32, #tpu.memory_space<hbm>> -> memref<64x2x2x64xf32, #tpu.memory_space<hbm>>
    tpu.enqueue_dma source(%dma_start3A_19 : memref<64x2x2x64xf32, #tpu.memory_space<hbm>>) target(%arg4 : memref<64x2x2x64xf32, #tpu.memory_space<vmem>>) target_semaphore(%arg8 : memref<!tpu.dma_semaphore, #tpu.memory_space<semaphore_mem>>)
    %add3A_20 = arith.constant 1 : i32
    %add3A_21 = arith.addi %mul3A_2, %add3A_20 : i32
    %div3A_22 = arith.constant 1024 : i32
    %div3A_23 = arith.divsi %add3A_21, %div3A_22 : i32
    %div3A_24 = arith.constant 32 : i32
    %div3A_25 = arith.divsi %add3A_21, %div3A_24 : i32
    %rem3A_26 = arith.constant 32 : i32
    %rem3A_27 = arith.remsi %div3A_25, %rem3A_26 : i32
    %mul3A_28 = arith.constant 2 : i32
    %mul3A_29 = arith.muli %mul3A_28, %rem3A_27 : i32
    %rem3A_30 = arith.constant 32 : i32
    %rem3A_31 = arith.remsi %add3A_21, %rem3A_30 : i32
    %mul3A_32 = arith.constant 2 : i32
    %mul3A_33 = arith.muli %mul3A_32, %rem3A_31 : i32
    %dma_start3A_34 = arith.constant 0 : i32
    %dma_start3A_35 = arith.constant 0 : i32
    %dma_start3A_36 = tpu.memref_slice %arg2[%div3A_23, %dma_start3A_34, %mul3A_29, %mul3A_33, %dma_start3A_35] : memref<2x64x64x64x64xf32, #tpu.memory_space<hbm>> -> memref<1x64x2x2x64xf32, #tpu.memory_space<hbm>>
    %dma_start3A_37 = tpu.memref_squeeze %dma_start3A_36 : memref<1x64x2x2x64xf32, #tpu.memory_space<hbm>> -> memref<64x2x2x64xf32, #tpu.memory_space<hbm>>
    %dma_start3A_38 = arith.constant 0 : i32
    %dma_start3A_39 = arith.constant 0 : i32
    %dma_start3A_40 = tpu.memref_slice %arg2[%div3A_23, %dma_start3A_38, %mul3A_29, %mul3A_33, %dma_start3A_39] : memref<2x64x64x64x64xf32, #tpu.memory_space<hbm>> -> memref<1x64x2x2x64xf32, #tpu.memory_space<hbm>>
    %dma_start3A_41 = tpu.memref_squeeze %dma_start3A_40 : memref<1x64x2x2x64xf32, #tpu.memory_space<hbm>> -> memref<64x2x2x64xf32, #tpu.memory_space<hbm>>
    tpu.enqueue_dma source(%dma_start3A_41 : memref<64x2x2x64xf32, #tpu.memory_space<hbm>>) target(%arg5 : memref<64x2x2x64xf32, #tpu.memory_space<vmem>>) target_semaphore(%arg9 : memref<!tpu.dma_semaphore, #tpu.memory_space<semaphore_mem>>)
    %scan3A = arith.constant 0 : i32
    %scan3A_42 = arith.constant 32 : i32
    %scan3A_43 = arith.addi %scan3A, %scan3A_42 : i32
    %scan3A_44 = arith.constant 1 : i32
    scf.for %scan3A_77 = %scan3A to %scan3A_43 step %scan3A_44  : i32 {
      %mul3A_78 = arith.constant 1 : i32
      %mul3A_79 = arith.muli %scan3A_77, %mul3A_78 : i32
      %add3A_80 = arith.constant 0 : i32
      %add3A_81 = arith.addi %add3A_80, %mul3A_79 : i32
      %mul3A_82 = arith.constant 2 : i32
      %mul3A_83 = arith.muli %mul3A_82, %add3A_81 : i32
      %ge3A = arith.constant 1 : i32
      %ge3A_84 = arith.cmpi sge, %add3A_81, %ge3A : i32
      %mul3A_85 = arith.constant 64 : i32
      %mul3A_86 = arith.muli %add3A, %mul3A_85 : i32
      %add3A_87 = arith.addi %mul3A_86, %mul3A_83 : i32
      %div3A_88 = arith.constant 1024 : i32
      %div3A_89 = arith.divsi %add3A_87, %div3A_88 : i32
      %div3A_90 = arith.constant 32 : i32
      %div3A_91 = arith.divsi %add3A_87, %div3A_90 : i32
      %rem3A_92 = arith.constant 32 : i32
      %rem3A_93 = arith.remsi %div3A_91, %rem3A_92 : i32
      %rem3A_94 = arith.constant 32 : i32
      %rem3A_95 = arith.remsi %add3A_87, %rem3A_94 : i32
      %mul3A_96 = arith.constant 2 : i32
      %mul3A_97 = arith.muli %mul3A_96, %rem3A_93 : i32
      %mul3A_98 = arith.constant 2 : i32
      %mul3A_99 = arith.muli %mul3A_98, %rem3A_95 : i32
      %dma_wait3A_100 = arith.constant 0 : i32
      %dma_wait3A_101 = arith.constant 0 : i32
      %dma_wait3A_102 = tpu.memref_slice %arg2[%div3A_89, %dma_wait3A_100, %mul3A_97, %mul3A_99, %dma_wait3A_101] : memref<2x64x64x64x64xf32, #tpu.memory_space<hbm>> -> memref<1x64x2x2x64xf32, #tpu.memory_space<hbm>>
      %dma_wait3A_103 = tpu.memref_squeeze %dma_wait3A_102 : memref<1x64x2x2x64xf32, #tpu.memory_space<hbm>> -> memref<64x2x2x64xf32, #tpu.memory_space<hbm>>
      %dma_wait3A_104 = arith.constant 0 : i32
      %dma_wait3A_105 = arith.constant 0 : i32
      %dma_wait3A_106 = tpu.memref_slice %arg2[%div3A_89, %dma_wait3A_104, %mul3A_97, %mul3A_99, %dma_wait3A_105] : memref<2x64x64x64x64xf32, #tpu.memory_space<hbm>> -> memref<1x64x2x2x64xf32, #tpu.memory_space<hbm>>
      %dma_wait3A_107 = tpu.memref_squeeze %dma_wait3A_106 : memref<1x64x2x2x64xf32, #tpu.memory_space<hbm>> -> memref<64x2x2x64xf32, #tpu.memory_space<hbm>>
      tpu.wait_dma2 semaphore(%arg8 : memref<!tpu.dma_semaphore, #tpu.memory_space<semaphore_mem>>) src(%dma_wait3A_107 : memref<64x2x2x64xf32, #tpu.memory_space<hbm>>) dst(%arg4 : memref<64x2x2x64xf32, #tpu.memory_space<vmem>>)
      %convert_element_type3A = arith.extui %ge3A_84 : i1 to i32
      %cond3A = arith.constant 0 : i32
      %cond3A_108 = arith.cmpi ne, %convert_element_type3A, %cond3A : i32
      scf.if %cond3A_108 {
        %dma_wait3A_693 = arith.constant 0 : i32
        %dma_wait3A_694 = arith.constant 0 : i32
        %dma_wait3A_695 = tpu.memref_slice %arg3[%div3A_89, %rem3A_93, %rem3A_95, %dma_wait3A_693, %dma_wait3A_694] : memref<2x32x32x32x512xf32, #tpu.memory_space<hbm>> -> memref<1x1x1x32x512xf32, #tpu.memory_space<hbm>>
        %dma_wait3A_696 = tpu.memref_squeeze %dma_wait3A_695 : memref<1x1x1x32x512xf32, #tpu.memory_space<hbm>> -> memref<32x512xf32, #tpu.memory_space<hbm>>
        %dma_wait3A_697 = arith.constant 0 : i32
        %dma_wait3A_698 = arith.constant 0 : i32
        %dma_wait3A_699 = tpu.memref_slice %arg3[%div3A_89, %rem3A_93, %rem3A_95, %dma_wait3A_697, %dma_wait3A_698] : memref<2x32x32x32x512xf32, #tpu.memory_space<hbm>> -> memref<1x1x1x32x512xf32, #tpu.memory_space<hbm>>
        %dma_wait3A_700 = tpu.memref_squeeze %dma_wait3A_699 : memref<1x1x1x32x512xf32, #tpu.memory_space<hbm>> -> memref<32x512xf32, #tpu.memory_space<hbm>>
        tpu.wait_dma2 semaphore(%arg10 : memref<!tpu.dma_semaphore, #tpu.memory_space<semaphore_mem>>) src(%arg6 : memref<32x512xf32, #tpu.memory_space<vmem>>) dst(%dma_wait3A_700 : memref<32x512xf32, #tpu.memory_space<hbm>>)
      } else {
      }
      %iota3A = tpu.iota {dimensions = array<i32: 0>} : vector<16xi32>
      %jit3A = arith.constant 8 : i32
      %div3A_109 = vector.broadcast %jit3A : i32 to vector<16xi32>
      %div3A_110 = arith.divsi %iota3A, %div3A_109 : vector<16xi32>
      %sign3A = arith.constant 0 : i32
      %sign3A_111 = vector.broadcast %sign3A : i32 to vector<16xi32>
      %sign3A_112 = arith.cmpi sgt, %iota3A, %sign3A_111 : vector<16xi32>
      %sign3A_113 = arith.extui %sign3A_112 : vector<16xi1> to vector<16xi32>
      %sign3A_114 = arith.constant 0 : i32
      %sign3A_115 = vector.broadcast %sign3A_114 : i32 to vector<16xi32>
      %sign3A_116 = arith.cmpi slt, %iota3A, %sign3A_115 : vector<16xi32>
      %sign3A_117 = arith.extui %sign3A_116 : vector<16xi1> to vector<16xi32>
      %sign3A_118 = arith.subi %sign3A_113, %sign3A_117 : vector<16xi32>
      %sign3A_119 = arith.constant 0 : i32
      %sign3A_120 = arith.cmpi sgt, %jit3A, %sign3A_119 : i32
      %sign3A_121 = arith.extui %sign3A_120 : i1 to i32
      %sign3A_122 = arith.constant 0 : i32
      %sign3A_123 = arith.cmpi slt, %jit3A, %sign3A_122 : i32
      %sign3A_124 = arith.extui %sign3A_123 : i1 to i32
      %sign3A_125 = arith.subi %sign3A_121, %sign3A_124 : i32
      %ne3A = vector.broadcast %sign3A_125 : i32 to vector<16xi32>
      %ne3A_126 = arith.cmpi ne, %sign3A_118, %ne3A : vector<16xi32>
      %rem3A_127 = vector.broadcast %jit3A : i32 to vector<16xi32>
      %rem3A_128 = arith.remsi %iota3A, %rem3A_127 : vector<16xi32>
      %ne3A_129 = arith.constant 0 : i32
      %ne3A_130 = vector.broadcast %ne3A_129 : i32 to vector<16xi32>
      %ne3A_131 = arith.cmpi ne, %rem3A_128, %ne3A_130 : vector<16xi32>
      %and3A = arith.andi %ne3A_126, %ne3A_131 : vector<16xi1>
      %sub3A = arith.constant 1 : i32
      %sub3A_132 = vector.broadcast %sub3A : i32 to vector<16xi32>
      %sub3A_133 = arith.subi %div3A_110, %sub3A_132 : vector<16xi32>
      %select_n3A = arith.select %and3A, %sub3A_133, %div3A_110 : vector<16xi1>, vector<16xi32>
      %mul3A_134 = arith.constant 4 : i32
      %mul3A_135 = vector.broadcast %mul3A_134 : i32 to vector<16xi32>
      %mul3A_136 = arith.muli %mul3A_135, %select_n3A : vector<16xi32>
      %jit3A_137 = arith.constant 4 : i32
      %div3A_138 = vector.broadcast %jit3A_137 : i32 to vector<16xi32>
      %div3A_139 = arith.divsi %iota3A, %div3A_138 : vector<16xi32>
      %sign3A_140 = arith.constant 0 : i32
      %sign3A_141 = vector.broadcast %sign3A_140 : i32 to vector<16xi32>
      %sign3A_142 = arith.cmpi sgt, %iota3A, %sign3A_141 : vector<16xi32>
      %sign3A_143 = arith.extui %sign3A_142 : vector<16xi1> to vector<16xi32>
      %sign3A_144 = arith.constant 0 : i32
      %sign3A_145 = vector.broadcast %sign3A_144 : i32 to vector<16xi32>
      %sign3A_146 = arith.cmpi slt, %iota3A, %sign3A_145 : vector<16xi32>
      %sign3A_147 = arith.extui %sign3A_146 : vector<16xi1> to vector<16xi32>
      %sign3A_148 = arith.subi %sign3A_143, %sign3A_147 : vector<16xi32>
      %sign3A_149 = arith.constant 0 : i32
      %sign3A_150 = arith.cmpi sgt, %jit3A_137, %sign3A_149 : i32
      %sign3A_151 = arith.extui %sign3A_150 : i1 to i32
      %sign3A_152 = arith.constant 0 : i32
      %sign3A_153 = arith.cmpi slt, %jit3A_137, %sign3A_152 : i32
      %sign3A_154 = arith.extui %sign3A_153 : i1 to i32
      %sign3A_155 = arith.subi %sign3A_151, %sign3A_154 : i32
      %ne3A_156 = vector.broadcast %sign3A_155 : i32 to vector<16xi32>
      %ne3A_157 = arith.cmpi ne, %sign3A_148, %ne3A_156 : vector<16xi32>
      %rem3A_158 = vector.broadcast %jit3A_137 : i32 to vector<16xi32>
      %rem3A_159 = arith.remsi %iota3A, %rem3A_158 : vector<16xi32>
      %ne3A_160 = arith.constant 0 : i32
      %ne3A_161 = vector.broadcast %ne3A_160 : i32 to vector<16xi32>
      %ne3A_162 = arith.cmpi ne, %rem3A_159, %ne3A_161 : vector<16xi32>
      %and3A_163 = arith.andi %ne3A_157, %ne3A_162 : vector<16xi1>
      %sub3A_164 = arith.constant 1 : i32
      %sub3A_165 = vector.broadcast %sub3A_164 : i32 to vector<16xi32>
      %sub3A_166 = arith.subi %div3A_139, %sub3A_165 : vector<16xi32>
      %select_n3A_167 = arith.select %and3A_163, %sub3A_166, %div3A_139 : vector<16xi1>, vector<16xi32>
      %jit3A_168 = arith.constant 2 : i32
      %eq3A = arith.constant 0 : i32
      %eq3A_169 = arith.cmpi eq, %jit3A_168, %eq3A : i32
      %jit3A_170 = arith.constant 1 : i32
      %select_n3A_171 = arith.select %eq3A_169, %jit3A_170, %jit3A_168 : i32
      %rem3A_172 = vector.broadcast %select_n3A_171 : i32 to vector<16xi32>
      %rem3A_173 = arith.remsi %select_n3A_167, %rem3A_172 : vector<16xi32>
      %ne3A_174 = arith.constant 0 : i32
      %ne3A_175 = vector.broadcast %ne3A_174 : i32 to vector<16xi32>
      %ne3A_176 = arith.cmpi ne, %rem3A_173, %ne3A_175 : vector<16xi32>
      %lt3A = arith.constant 0 : i32
      %lt3A_177 = vector.broadcast %lt3A : i32 to vector<16xi32>
      %lt3A_178 = arith.cmpi slt, %rem3A_173, %lt3A_177 : vector<16xi32>
      %lt3A_179 = arith.constant 0 : i32
      %lt3A_180 = arith.cmpi slt, %select_n3A_171, %lt3A_179 : i32
      %ne3A_181 = vector.broadcast %lt3A_180 : i1 to vector<16xi1>
      %ne3A_182 = vector.broadcast %ne3A_181 : vector<16xi1> to vector<16xi1>
      %ne3A_183 = arith.xori %lt3A_178, %ne3A_182 : vector<16xi1>
      %and3A_184 = arith.andi %ne3A_183, %ne3A_176 : vector<16xi1>
      %add3A_185 = vector.broadcast %select_n3A_171 : i32 to vector<16xi32>
      %add3A_186 = arith.addi %rem3A_173, %add3A_185 : vector<16xi32>
      %select_n3A_187 = arith.select %and3A_184, %add3A_186, %rem3A_173 : vector<16xi1>, vector<16xi32>
      %mul3A_188 = arith.constant 2 : i32
      %mul3A_189 = vector.broadcast %mul3A_188 : i32 to vector<16xi32>
      %mul3A_190 = arith.muli %mul3A_189, %select_n3A_187 : vector<16xi32>
      %add3A_191 = arith.addi %mul3A_136, %mul3A_190 : vector<16xi32>
      %jit3A_192 = arith.constant 2 : i32
      %div3A_193 = vector.broadcast %jit3A_192 : i32 to vector<16xi32>
      %div3A_194 = arith.divsi %iota3A, %div3A_193 : vector<16xi32>
      %sign3A_195 = arith.constant 0 : i32
      %sign3A_196 = vector.broadcast %sign3A_195 : i32 to vector<16xi32>
      %sign3A_197 = arith.cmpi sgt, %iota3A, %sign3A_196 : vector<16xi32>
      %sign3A_198 = arith.extui %sign3A_197 : vector<16xi1> to vector<16xi32>
      %sign3A_199 = arith.constant 0 : i32
      %sign3A_200 = vector.broadcast %sign3A_199 : i32 to vector<16xi32>
      %sign3A_201 = arith.cmpi slt, %iota3A, %sign3A_200 : vector<16xi32>
      %sign3A_202 = arith.extui %sign3A_201 : vector<16xi1> to vector<16xi32>
      %sign3A_203 = arith.subi %sign3A_198, %sign3A_202 : vector<16xi32>
      %sign3A_204 = arith.constant 0 : i32
      %sign3A_205 = arith.cmpi sgt, %jit3A_192, %sign3A_204 : i32
      %sign3A_206 = arith.extui %sign3A_205 : i1 to i32
      %sign3A_207 = arith.constant 0 : i32
      %sign3A_208 = arith.cmpi slt, %jit3A_192, %sign3A_207 : i32
      %sign3A_209 = arith.extui %sign3A_208 : i1 to i32
      %sign3A_210 = arith.subi %sign3A_206, %sign3A_209 : i32
      %ne3A_211 = vector.broadcast %sign3A_210 : i32 to vector<16xi32>
      %ne3A_212 = arith.cmpi ne, %sign3A_203, %ne3A_211 : vector<16xi32>
      %rem3A_213 = vector.broadcast %jit3A_192 : i32 to vector<16xi32>
      %rem3A_214 = arith.remsi %iota3A, %rem3A_213 : vector<16xi32>
      %ne3A_215 = arith.constant 0 : i32
      %ne3A_216 = vector.broadcast %ne3A_215 : i32 to vector<16xi32>
      %ne3A_217 = arith.cmpi ne, %rem3A_214, %ne3A_216 : vector<16xi32>
      %and3A_218 = arith.andi %ne3A_212, %ne3A_217 : vector<16xi1>
      %sub3A_219 = arith.constant 1 : i32
      %sub3A_220 = vector.broadcast %sub3A_219 : i32 to vector<16xi32>
      %sub3A_221 = arith.subi %div3A_194, %sub3A_220 : vector<16xi32>
      %select_n3A_222 = arith.select %and3A_218, %sub3A_221, %div3A_194 : vector<16xi1>, vector<16xi32>
      %jit3A_223 = arith.constant 2 : i32
      %eq3A_224 = arith.constant 0 : i32
      %eq3A_225 = arith.cmpi eq, %jit3A_223, %eq3A_224 : i32
      %jit3A_226 = arith.constant 1 : i32
      %select_n3A_227 = arith.select %eq3A_225, %jit3A_226, %jit3A_223 : i32
      %rem3A_228 = vector.broadcast %select_n3A_227 : i32 to vector<16xi32>
      %rem3A_229 = arith.remsi %select_n3A_222, %rem3A_228 : vector<16xi32>
      %ne3A_230 = arith.constant 0 : i32
      %ne3A_231 = vector.broadcast %ne3A_230 : i32 to vector<16xi32>
      %ne3A_232 = arith.cmpi ne, %rem3A_229, %ne3A_231 : vector<16xi32>
      %lt3A_233 = arith.constant 0 : i32
      %lt3A_234 = vector.broadcast %lt3A_233 : i32 to vector<16xi32>
      %lt3A_235 = arith.cmpi slt, %rem3A_229, %lt3A_234 : vector<16xi32>
      %lt3A_236 = arith.constant 0 : i32
      %lt3A_237 = arith.cmpi slt, %select_n3A_227, %lt3A_236 : i32
      %ne3A_238 = vector.broadcast %lt3A_237 : i1 to vector<16xi1>
      %ne3A_239 = vector.broadcast %ne3A_238 : vector<16xi1> to vector<16xi1>
      %ne3A_240 = arith.xori %lt3A_235, %ne3A_239 : vector<16xi1>
      %and3A_241 = arith.andi %ne3A_240, %ne3A_232 : vector<16xi1>
      %add3A_242 = vector.broadcast %select_n3A_227 : i32 to vector<16xi32>
      %add3A_243 = arith.addi %rem3A_229, %add3A_242 : vector<16xi32>
      %select_n3A_244 = arith.select %and3A_241, %add3A_243, %rem3A_229 : vector<16xi1>, vector<16xi32>
      %add3A_245 = arith.addi %add3A_191, %select_n3A_244 : vector<16xi32>
      %jit3A_246 = arith.constant 2 : i32
      %eq3A_247 = arith.constant 0 : i32
      %eq3A_248 = arith.cmpi eq, %jit3A_246, %eq3A_247 : i32
      %jit3A_249 = arith.constant 1 : i32
      %select_n3A_250 = arith.select %eq3A_248, %jit3A_249, %jit3A_246 : i32
      %rem3A_251 = vector.broadcast %select_n3A_250 : i32 to vector<16xi32>
      %rem3A_252 = arith.remsi %iota3A, %rem3A_251 : vector<16xi32>
      %ne3A_253 = arith.constant 0 : i32
      %ne3A_254 = vector.broadcast %ne3A_253 : i32 to vector<16xi32>
      %ne3A_255 = arith.cmpi ne, %rem3A_252, %ne3A_254 : vector<16xi32>
      %lt3A_256 = arith.constant 0 : i32
      %lt3A_257 = vector.broadcast %lt3A_256 : i32 to vector<16xi32>
      %lt3A_258 = arith.cmpi slt, %rem3A_252, %lt3A_257 : vector<16xi32>
      %lt3A_259 = arith.constant 0 : i32
      %lt3A_260 = arith.cmpi slt, %select_n3A_250, %lt3A_259 : i32
      %ne3A_261 = vector.broadcast %lt3A_260 : i1 to vector<16xi1>
      %ne3A_262 = vector.broadcast %ne3A_261 : vector<16xi1> to vector<16xi1>
      %ne3A_263 = arith.xori %lt3A_258, %ne3A_262 : vector<16xi1>
      %and3A_264 = arith.andi %ne3A_263, %ne3A_255 : vector<16xi1>
      %add3A_265 = vector.broadcast %select_n3A_250 : i32 to vector<16xi32>
      %add3A_266 = arith.addi %rem3A_252, %add3A_265 : vector<16xi32>
      %select_n3A_267 = arith.select %and3A_264, %add3A_266, %rem3A_252 : vector<16xi1>, vector<16xi32>
      %add3A_268 = arith.constant 0 : i32
      %add3A_269 = vector.broadcast %add3A_268 : i32 to vector<16xi32>
      %add3A_270 = arith.addi %add3A_245, %add3A_269 : vector<16xi32>
      %add3A_271 = arith.constant 8 : i32
      %add3A_272 = vector.broadcast %add3A_271 : i32 to vector<16xi32>
      %add3A_273 = arith.addi %add3A_245, %add3A_272 : vector<16xi32>
      %add3A_274 = arith.constant 16 : i32
      %add3A_275 = vector.broadcast %add3A_274 : i32 to vector<16xi32>
      %add3A_276 = arith.addi %add3A_245, %add3A_275 : vector<16xi32>
      %add3A_277 = arith.constant 24 : i32
      %add3A_278 = vector.broadcast %add3A_277 : i32 to vector<16xi32>
      %add3A_279 = arith.addi %add3A_245, %add3A_278 : vector<16xi32>
      %add3A_280 = arith.constant 32 : i32
      %add3A_281 = vector.broadcast %add3A_280 : i32 to vector<16xi32>
      %add3A_282 = arith.addi %add3A_245, %add3A_281 : vector<16xi32>
      %add3A_283 = arith.constant 40 : i32
      %add3A_284 = vector.broadcast %add3A_283 : i32 to vector<16xi32>
      %add3A_285 = arith.addi %add3A_245, %add3A_284 : vector<16xi32>
      %add3A_286 = arith.constant 48 : i32
      %add3A_287 = vector.broadcast %add3A_286 : i32 to vector<16xi32>
      %add3A_288 = arith.addi %add3A_245, %add3A_287 : vector<16xi32>
      %add3A_289 = arith.constant 56 : i32
      %add3A_290 = vector.broadcast %add3A_289 : i32 to vector<16xi32>
      %add3A_291 = arith.addi %add3A_245, %add3A_290 : vector<16xi32>
      %add3A_292 = arith.constant 64 : i32
      %add3A_293 = vector.broadcast %add3A_292 : i32 to vector<16xi32>
      %add3A_294 = arith.addi %add3A_245, %add3A_293 : vector<16xi32>
      %add3A_295 = arith.constant 72 : i32
      %add3A_296 = vector.broadcast %add3A_295 : i32 to vector<16xi32>
      %add3A_297 = arith.addi %add3A_245, %add3A_296 : vector<16xi32>
      %add3A_298 = arith.constant 80 : i32
      %add3A_299 = vector.broadcast %add3A_298 : i32 to vector<16xi32>
      %add3A_300 = arith.addi %add3A_245, %add3A_299 : vector<16xi32>
      %add3A_301 = arith.constant 88 : i32
      %add3A_302 = vector.broadcast %add3A_301 : i32 to vector<16xi32>
      %add3A_303 = arith.addi %add3A_245, %add3A_302 : vector<16xi32>
      %add3A_304 = arith.constant 96 : i32
      %add3A_305 = vector.broadcast %add3A_304 : i32 to vector<16xi32>
      %add3A_306 = arith.addi %add3A_245, %add3A_305 : vector<16xi32>
      %add3A_307 = arith.constant 104 : i32
      %add3A_308 = vector.broadcast %add3A_307 : i32 to vector<16xi32>
      %add3A_309 = arith.addi %add3A_245, %add3A_308 : vector<16xi32>
      %add3A_310 = arith.constant 112 : i32
      %add3A_311 = vector.broadcast %add3A_310 : i32 to vector<16xi32>
      %add3A_312 = arith.addi %add3A_245, %add3A_311 : vector<16xi32>
      %add3A_313 = arith.constant 120 : i32
      %add3A_314 = vector.broadcast %add3A_313 : i32 to vector<16xi32>
      %add3A_315 = arith.addi %add3A_245, %add3A_314 : vector<16xi32>
      %add3A_316 = arith.constant 128 : i32
      %add3A_317 = vector.broadcast %add3A_316 : i32 to vector<16xi32>
      %add3A_318 = arith.addi %add3A_245, %add3A_317 : vector<16xi32>
      %add3A_319 = arith.constant 136 : i32
      %add3A_320 = vector.broadcast %add3A_319 : i32 to vector<16xi32>
      %add3A_321 = arith.addi %add3A_245, %add3A_320 : vector<16xi32>
      %add3A_322 = arith.constant 144 : i32
      %add3A_323 = vector.broadcast %add3A_322 : i32 to vector<16xi32>
      %add3A_324 = arith.addi %add3A_245, %add3A_323 : vector<16xi32>
      %add3A_325 = arith.constant 152 : i32
      %add3A_326 = vector.broadcast %add3A_325 : i32 to vector<16xi32>
      %add3A_327 = arith.addi %add3A_245, %add3A_326 : vector<16xi32>
      %add3A_328 = arith.constant 160 : i32
      %add3A_329 = vector.broadcast %add3A_328 : i32 to vector<16xi32>
      %add3A_330 = arith.addi %add3A_245, %add3A_329 : vector<16xi32>
      %add3A_331 = arith.constant 168 : i32
      %add3A_332 = vector.broadcast %add3A_331 : i32 to vector<16xi32>
      %add3A_333 = arith.addi %add3A_245, %add3A_332 : vector<16xi32>
      %add3A_334 = arith.constant 176 : i32
      %add3A_335 = vector.broadcast %add3A_334 : i32 to vector<16xi32>
      %add3A_336 = arith.addi %add3A_245, %add3A_335 : vector<16xi32>
      %add3A_337 = arith.constant 184 : i32
      %add3A_338 = vector.broadcast %add3A_337 : i32 to vector<16xi32>
      %add3A_339 = arith.addi %add3A_245, %add3A_338 : vector<16xi32>
      %add3A_340 = arith.constant 192 : i32
      %add3A_341 = vector.broadcast %add3A_340 : i32 to vector<16xi32>
      %add3A_342 = arith.addi %add3A_245, %add3A_341 : vector<16xi32>
      %add3A_343 = arith.constant 200 : i32
      %add3A_344 = vector.broadcast %add3A_343 : i32 to vector<16xi32>
      %add3A_345 = arith.addi %add3A_245, %add3A_344 : vector<16xi32>
      %add3A_346 = arith.constant 208 : i32
      %add3A_347 = vector.broadcast %add3A_346 : i32 to vector<16xi32>
      %add3A_348 = arith.addi %add3A_245, %add3A_347 : vector<16xi32>
      %add3A_349 = arith.constant 216 : i32
      %add3A_350 = vector.broadcast %add3A_349 : i32 to vector<16xi32>
      %add3A_351 = arith.addi %add3A_245, %add3A_350 : vector<16xi32>
      %add3A_352 = arith.constant 224 : i32
      %add3A_353 = vector.broadcast %add3A_352 : i32 to vector<16xi32>
      %add3A_354 = arith.addi %add3A_245, %add3A_353 : vector<16xi32>
      %add3A_355 = arith.constant 232 : i32
      %add3A_356 = vector.broadcast %add3A_355 : i32 to vector<16xi32>
      %add3A_357 = arith.addi %add3A_245, %add3A_356 : vector<16xi32>
      %add3A_358 = arith.constant 240 : i32
      %add3A_359 = vector.broadcast %add3A_358 : i32 to vector<16xi32>
      %add3A_360 = arith.addi %add3A_245, %add3A_359 : vector<16xi32>
      %add3A_361 = arith.constant 248 : i32
      %add3A_362 = vector.broadcast %add3A_361 : i32 to vector<16xi32>
      %add3A_363 = arith.addi %add3A_245, %add3A_362 : vector<16xi32>
      %parallel_loop3A = arith.constant 0 : i32
      %parallel_loop3A_364 = arith.constant 32 : i32
      %parallel_loop3A_365 = arith.constant 1 : i32
      scf.for %parallel_loop3A_693 = %parallel_loop3A to %parallel_loop3A_364 step %parallel_loop3A_365  : i32 {
        %parallel_loop3A_694 = arith.constant 2 : i32
        %parallel_loop3A_695 = arith.muli %parallel_loop3A_694, %parallel_loop3A_693 : i32
        %parallel_loop3A_696 = vector.broadcast %parallel_loop3A_695 : i32 to vector<16xi32>
        %parallel_loop3A_697 = arith.addi %select_n3A_267, %parallel_loop3A_696 : vector<16xi32>
        %parallel_loop3A_698 = tpu.memref_reshape %arg4 : memref<64x2x2x64xf32, #tpu.memory_space<vmem>> -> memref<256x64xf32, #tpu.memory_space<vmem>>
        %parallel_loop3A_699 = tpu.vector_load_idx %parallel_loop3A_698[%add3A_270, %parallel_loop3A_697] : memref<256x64xf32, #tpu.memory_space<vmem>>[vector<16xi32>, vector<16xi32>], vector<16xf32>,
        %parallel_loop3A_700 = arith.index_cast %parallel_loop3A_693 : i32 to index
        %parallel_loop3A_701 = arith.constant 0 : index
        %parallel_loop3A_702 = tpu.vector_load %arg6[%parallel_loop3A_700, %parallel_loop3A_701] {strides = array<i32>} : memref<32x512xf32, #tpu.memory_space<vmem>>, vector<16xf32>,
        tpu.vector_store %arg6[%parallel_loop3A_700, %parallel_loop3A_701], %parallel_loop3A_699 {strides = array<i32>} : memref<32x512xf32, #tpu.memory_space<vmem>>, vector<16xf32>,
        %parallel_loop3A_703 = tpu.memref_reshape %arg4 : memref<64x2x2x64xf32, #tpu.memory_space<vmem>> -> memref<256x64xf32, #tpu.memory_space<vmem>>
        %parallel_loop3A_704 = tpu.vector_load_idx %parallel_loop3A_703[%add3A_273, %parallel_loop3A_697] : memref<256x64xf32, #tpu.memory_space<vmem>>[vector<16xi32>, vector<16xi32>], vector<16xf32>,
        %parallel_loop3A_705 = arith.index_cast %parallel_loop3A_693 : i32 to index
        %parallel_loop3A_706 = arith.constant 16 : index
        %parallel_loop3A_707 = tpu.vector_load %arg6[%parallel_loop3A_705, %parallel_loop3A_706] {strides = array<i32>} : memref<32x512xf32, #tpu.memory_space<vmem>>, vector<16xf32>,
        tpu.vector_store %arg6[%parallel_loop3A_705, %parallel_loop3A_706], %parallel_loop3A_704 {strides = array<i32>} : memref<32x512xf32, #tpu.memory_space<vmem>>, vector<16xf32>,
        %parallel_loop3A_708 = tpu.memref_reshape %arg4 : memref<64x2x2x64xf32, #tpu.memory_space<vmem>> -> memref<256x64xf32, #tpu.memory_space<vmem>>
        %parallel_loop3A_709 = tpu.vector_load_idx %parallel_loop3A_708[%add3A_276, %parallel_loop3A_697] : memref<256x64xf32, #tpu.memory_space<vmem>>[vector<16xi32>, vector<16xi32>], vector<16xf32>,
        %parallel_loop3A_710 = arith.index_cast %parallel_loop3A_693 : i32 to index
        %parallel_loop3A_711 = arith.constant 32 : index
        %parallel_loop3A_712 = tpu.vector_load %arg6[%parallel_loop3A_710, %parallel_loop3A_711] {strides = array<i32>} : memref<32x512xf32, #tpu.memory_space<vmem>>, vector<16xf32>,
        tpu.vector_store %arg6[%parallel_loop3A_710, %parallel_loop3A_711], %parallel_loop3A_709 {strides = array<i32>} : memref<32x512xf32, #tpu.memory_space<vmem>>, vector<16xf32>,
        %parallel_loop3A_713 = tpu.memref_reshape %arg4 : memref<64x2x2x64xf32, #tpu.memory_space<vmem>> -> memref<256x64xf32, #tpu.memory_space<vmem>>
        %parallel_loop3A_714 = tpu.vector_load_idx %parallel_loop3A_713[%add3A_279, %parallel_loop3A_697] : memref<256x64xf32, #tpu.memory_space<vmem>>[vector<16xi32>, vector<16xi32>], vector<16xf32>,
        %parallel_loop3A_715 = arith.index_cast %parallel_loop3A_693 : i32 to index
        %parallel_loop3A_716 = arith.constant 48 : index
        %parallel_loop3A_717 = tpu.vector_load %arg6[%parallel_loop3A_715, %parallel_loop3A_716] {strides = array<i32>} : memref<32x512xf32, #tpu.memory_space<vmem>>, vector<16xf32>,
        tpu.vector_store %arg6[%parallel_loop3A_715, %parallel_loop3A_716], %parallel_loop3A_714 {strides = array<i32>} : memref<32x512xf32, #tpu.memory_space<vmem>>, vector<16xf32>,
        %parallel_loop3A_718 = tpu.memref_reshape %arg4 : memref<64x2x2x64xf32, #tpu.memory_space<vmem>> -> memref<256x64xf32, #tpu.memory_space<vmem>>
        %parallel_loop3A_719 = tpu.vector_load_idx %parallel_loop3A_718[%add3A_282, %parallel_loop3A_697] : memref<256x64xf32, #tpu.memory_space<vmem>>[vector<16xi32>, vector<16xi32>], vector<16xf32>,
        %parallel_loop3A_720 = arith.index_cast %parallel_loop3A_693 : i32 to index
        %parallel_loop3A_721 = arith.constant 64 : index
        %parallel_loop3A_722 = tpu.vector_load %arg6[%parallel_loop3A_720, %parallel_loop3A_721] {strides = array<i32>} : memref<32x512xf32, #tpu.memory_space<vmem>>, vector<16xf32>,
        tpu.vector_store %arg6[%parallel_loop3A_720, %parallel_loop3A_721], %parallel_loop3A_719 {strides = array<i32>} : memref<32x512xf32, #tpu.memory_space<vmem>>, vector<16xf32>,
        %parallel_loop3A_723 = tpu.memref_reshape %arg4 : memref<64x2x2x64xf32, #tpu.memory_space<vmem>> -> memref<256x64xf32, #tpu.memory_space<vmem>>
        %parallel_loop3A_724 = tpu.vector_load_idx %parallel_loop3A_723[%add3A_285, %parallel_loop3A_697] : memref<256x64xf32, #tpu.memory_space<vmem>>[vector<16xi32>, vector<16xi32>], vector<16xf32>,
        %parallel_loop3A_725 = arith.index_cast %parallel_loop3A_693 : i32 to index
        %parallel_loop3A_726 = arith.constant 80 : index
        %parallel_loop3A_727 = tpu.vector_load %arg6[%parallel_loop3A_725, %parallel_loop3A_726] {strides = array<i32>} : memref<32x512xf32, #tpu.memory_space<vmem>>, vector<16xf32>,
        tpu.vector_store %arg6[%parallel_loop3A_725, %parallel_loop3A_726], %parallel_loop3A_724 {strides = array<i32>} : memref<32x512xf32, #tpu.memory_space<vmem>>, vector<16xf32>,
        %parallel_loop3A_728 = tpu.memref_reshape %arg4 : memref<64x2x2x64xf32, #tpu.memory_space<vmem>> -> memref<256x64xf32, #tpu.memory_space<vmem>>
        %parallel_loop3A_729 = tpu.vector_load_idx %parallel_loop3A_728[%add3A_288, %parallel_loop3A_697] : memref<256x64xf32, #tpu.memory_space<vmem>>[vector<16xi32>, vector<16xi32>], vector<16xf32>,
        %parallel_loop3A_730 = arith.index_cast %parallel_loop3A_693 : i32 to index
        %parallel_loop3A_731 = arith.constant 96 : index
        %parallel_loop3A_732 = tpu.vector_load %arg6[%parallel_loop3A_730, %parallel_loop3A_731] {strides = array<i32>} : memref<32x512xf32, #tpu.memory_space<vmem>>, vector<16xf32>,
        tpu.vector_store %arg6[%parallel_loop3A_730, %parallel_loop3A_731], %parallel_loop3A_729 {strides = array<i32>} : memref<32x512xf32, #tpu.memory_space<vmem>>, vector<16xf32>,
        %parallel_loop3A_733 = tpu.memref_reshape %arg4 : memref<64x2x2x64xf32, #tpu.memory_space<vmem>> -> memref<256x64xf32, #tpu.memory_space<vmem>>
        %parallel_loop3A_734 = tpu.vector_load_idx %parallel_loop3A_733[%add3A_291, %parallel_loop3A_697] : memref<256x64xf32, #tpu.memory_space<vmem>>[vector<16xi32>, vector<16xi32>], vector<16xf32>,
        %parallel_loop3A_735 = arith.index_cast %parallel_loop3A_693 : i32 to index
        %parallel_loop3A_736 = arith.constant 112 : index
        %parallel_loop3A_737 = tpu.vector_load %arg6[%parallel_loop3A_735, %parallel_loop3A_736] {strides = array<i32>} : memref<32x512xf32, #tpu.memory_space<vmem>>, vector<16xf32>,
        tpu.vector_store %arg6[%parallel_loop3A_735, %parallel_loop3A_736], %parallel_loop3A_734 {strides = array<i32>} : memref<32x512xf32, #tpu.memory_space<vmem>>, vector<16xf32>,
        %parallel_loop3A_738 = tpu.memref_reshape %arg4 : memref<64x2x2x64xf32, #tpu.memory_space<vmem>> -> memref<256x64xf32, #tpu.memory_space<vmem>>
        %parallel_loop3A_739 = tpu.vector_load_idx %parallel_loop3A_738[%add3A_294, %parallel_loop3A_697] : memref<256x64xf32, #tpu.memory_space<vmem>>[vector<16xi32>, vector<16xi32>], vector<16xf32>,
        %parallel_loop3A_740 = arith.index_cast %parallel_loop3A_693 : i32 to index
        %parallel_loop3A_741 = arith.constant 128 : index
        %parallel_loop3A_742 = tpu.vector_load %arg6[%parallel_loop3A_740, %parallel_loop3A_741] {strides = array<i32>} : memref<32x512xf32, #tpu.memory_space<vmem>>, vector<16xf32>,
        tpu.vector_store %arg6[%parallel_loop3A_740, %parallel_loop3A_741], %parallel_loop3A_739 {strides = array<i32>} : memref<32x512xf32, #tpu.memory_space<vmem>>, vector<16xf32>,
        %parallel_loop3A_743 = tpu.memref_reshape %arg4 : memref<64x2x2x64xf32, #tpu.memory_space<vmem>> -> memref<256x64xf32, #tpu.memory_space<vmem>>
        %parallel_loop3A_744 = tpu.vector_load_idx %parallel_loop3A_743[%add3A_297, %parallel_loop3A_697] : memref<256x64xf32, #tpu.memory_space<vmem>>[vector<16xi32>, vector<16xi32>], vector<16xf32>,
        %parallel_loop3A_745 = arith.index_cast %parallel_loop3A_693 : i32 to index
        %parallel_loop3A_746 = arith.constant 144 : index
        %parallel_loop3A_747 = tpu.vector_load %arg6[%parallel_loop3A_745, %parallel_loop3A_746] {strides = array<i32>} : memref<32x512xf32, #tpu.memory_space<vmem>>, vector<16xf32>,
        tpu.vector_store %arg6[%parallel_loop3A_745, %parallel_loop3A_746], %parallel_loop3A_744 {strides = array<i32>} : memref<32x512xf32, #tpu.memory_space<vmem>>, vector<16xf32>,
        %parallel_loop3A_748 = tpu.memref_reshape %arg4 : memref<64x2x2x64xf32, #tpu.memory_space<vmem>> -> memref<256x64xf32, #tpu.memory_space<vmem>>
        %parallel_loop3A_749 = tpu.vector_load_idx %parallel_loop3A_748[%add3A_300, %parallel_loop3A_697] : memref<256x64xf32, #tpu.memory_space<vmem>>[vector<16xi32>, vector<16xi32>], vector<16xf32>,
        %parallel_loop3A_750 = arith.index_cast %parallel_loop3A_693 : i32 to index
        %parallel_loop3A_751 = arith.constant 160 : index
        %parallel_loop3A_752 = tpu.vector_load %arg6[%parallel_loop3A_750, %parallel_loop3A_751] {strides = array<i32>} : memref<32x512xf32, #tpu.memory_space<vmem>>, vector<16xf32>,
        tpu.vector_store %arg6[%parallel_loop3A_750, %parallel_loop3A_751], %parallel_loop3A_749 {strides = array<i32>} : memref<32x512xf32, #tpu.memory_space<vmem>>, vector<16xf32>,
        %parallel_loop3A_753 = tpu.memref_reshape %arg4 : memref<64x2x2x64xf32, #tpu.memory_space<vmem>> -> memref<256x64xf32, #tpu.memory_space<vmem>>
        %parallel_loop3A_754 = tpu.vector_load_idx %parallel_loop3A_753[%add3A_303, %parallel_loop3A_697] : memref<256x64xf32, #tpu.memory_space<vmem>>[vector<16xi32>, vector<16xi32>], vector<16xf32>,
        %parallel_loop3A_755 = arith.index_cast %parallel_loop3A_693 : i32 to index
        %parallel_loop3A_756 = arith.constant 176 : index
        %parallel_loop3A_757 = tpu.vector_load %arg6[%parallel_loop3A_755, %parallel_loop3A_756] {strides = array<i32>} : memref<32x512xf32, #tpu.memory_space<vmem>>, vector<16xf32>,
        tpu.vector_store %arg6[%parallel_loop3A_755, %parallel_loop3A_756], %parallel_loop3A_754 {strides = array<i32>} : memref<32x512xf32, #tpu.memory_space<vmem>>, vector<16xf32>,
        %parallel_loop3A_758 = tpu.memref_reshape %arg4 : memref<64x2x2x64xf32, #tpu.memory_space<vmem>> -> memref<256x64xf32, #tpu.memory_space<vmem>>
        %parallel_loop3A_759 = tpu.vector_load_idx %parallel_loop3A_758[%add3A_306, %parallel_loop3A_697] : memref<256x64xf32, #tpu.memory_space<vmem>>[vector<16xi32>, vector<16xi32>], vector<16xf32>,
        %parallel_loop3A_760 = arith.index_cast %parallel_loop3A_693 : i32 to index
        %parallel_loop3A_761 = arith.constant 192 : index
        %parallel_loop3A_762 = tpu.vector_load %arg6[%parallel_loop3A_760, %parallel_loop3A_761] {strides = array<i32>} : memref<32x512xf32, #tpu.memory_space<vmem>>, vector<16xf32>,
        tpu.vector_store %arg6[%parallel_loop3A_760, %parallel_loop3A_761], %parallel_loop3A_759 {strides = array<i32>} : memref<32x512xf32, #tpu.memory_space<vmem>>, vector<16xf32>,
        %parallel_loop3A_763 = tpu.memref_reshape %arg4 : memref<64x2x2x64xf32, #tpu.memory_space<vmem>> -> memref<256x64xf32, #tpu.memory_space<vmem>>
        %parallel_loop3A_764 = tpu.vector_load_idx %parallel_loop3A_763[%add3A_309, %parallel_loop3A_697] : memref<256x64xf32, #tpu.memory_space<vmem>>[vector<16xi32>, vector<16xi32>], vector<16xf32>,
        %parallel_loop3A_765 = arith.index_cast %parallel_loop3A_693 : i32 to index
        %parallel_loop3A_766 = arith.constant 208 : index
        %parallel_loop3A_767 = tpu.vector_load %arg6[%parallel_loop3A_765, %parallel_loop3A_766] {strides = array<i32>} : memref<32x512xf32, #tpu.memory_space<vmem>>, vector<16xf32>,
        tpu.vector_store %arg6[%parallel_loop3A_765, %parallel_loop3A_766], %parallel_loop3A_764 {strides = array<i32>} : memref<32x512xf32, #tpu.memory_space<vmem>>, vector<16xf32>,
        %parallel_loop3A_768 = tpu.memref_reshape %arg4 : memref<64x2x2x64xf32, #tpu.memory_space<vmem>> -> memref<256x64xf32, #tpu.memory_space<vmem>>
        %parallel_loop3A_769 = tpu.vector_load_idx %parallel_loop3A_768[%add3A_312, %parallel_loop3A_697] : memref<256x64xf32, #tpu.memory_space<vmem>>[vector<16xi32>, vector<16xi32>], vector<16xf32>,
        %parallel_loop3A_770 = arith.index_cast %parallel_loop3A_693 : i32 to index
        %parallel_loop3A_771 = arith.constant 224 : index
        %parallel_loop3A_772 = tpu.vector_load %arg6[%parallel_loop3A_770, %parallel_loop3A_771] {strides = array<i32>} : memref<32x512xf32, #tpu.memory_space<vmem>>, vector<16xf32>,
        tpu.vector_store %arg6[%parallel_loop3A_770, %parallel_loop3A_771], %parallel_loop3A_769 {strides = array<i32>} : memref<32x512xf32, #tpu.memory_space<vmem>>, vector<16xf32>,
        %parallel_loop3A_773 = tpu.memref_reshape %arg4 : memref<64x2x2x64xf32, #tpu.memory_space<vmem>> -> memref<256x64xf32, #tpu.memory_space<vmem>>
        %parallel_loop3A_774 = tpu.vector_load_idx %parallel_loop3A_773[%add3A_315, %parallel_loop3A_697] : memref<256x64xf32, #tpu.memory_space<vmem>>[vector<16xi32>, vector<16xi32>], vector<16xf32>,
        %parallel_loop3A_775 = arith.index_cast %parallel_loop3A_693 : i32 to index
        %parallel_loop3A_776 = arith.constant 240 : index
        %parallel_loop3A_777 = tpu.vector_load %arg6[%parallel_loop3A_775, %parallel_loop3A_776] {strides = array<i32>} : memref<32x512xf32, #tpu.memory_space<vmem>>, vector<16xf32>,
        tpu.vector_store %arg6[%parallel_loop3A_775, %parallel_loop3A_776], %parallel_loop3A_774 {strides = array<i32>} : memref<32x512xf32, #tpu.memory_space<vmem>>, vector<16xf32>,
        %parallel_loop3A_778 = tpu.memref_reshape %arg4 : memref<64x2x2x64xf32, #tpu.memory_space<vmem>> -> memref<256x64xf32, #tpu.memory_space<vmem>>
        %parallel_loop3A_779 = tpu.vector_load_idx %parallel_loop3A_778[%add3A_318, %parallel_loop3A_697] : memref<256x64xf32, #tpu.memory_space<vmem>>[vector<16xi32>, vector<16xi32>], vector<16xf32>,
        %parallel_loop3A_780 = arith.index_cast %parallel_loop3A_693 : i32 to index
        %parallel_loop3A_781 = arith.constant 256 : index
        %parallel_loop3A_782 = tpu.vector_load %arg6[%parallel_loop3A_780, %parallel_loop3A_781] {strides = array<i32>} : memref<32x512xf32, #tpu.memory_space<vmem>>, vector<16xf32>,
        tpu.vector_store %arg6[%parallel_loop3A_780, %parallel_loop3A_781], %parallel_loop3A_779 {strides = array<i32>} : memref<32x512xf32, #tpu.memory_space<vmem>>, vector<16xf32>,
        %parallel_loop3A_783 = tpu.memref_reshape %arg4 : memref<64x2x2x64xf32, #tpu.memory_space<vmem>> -> memref<256x64xf32, #tpu.memory_space<vmem>>
        %parallel_loop3A_784 = tpu.vector_load_idx %parallel_loop3A_783[%add3A_321, %parallel_loop3A_697] : memref<256x64xf32, #tpu.memory_space<vmem>>[vector<16xi32>, vector<16xi32>], vector<16xf32>,
        %parallel_loop3A_785 = arith.index_cast %parallel_loop3A_693 : i32 to index
        %parallel_loop3A_786 = arith.constant 272 : index
        %parallel_loop3A_787 = tpu.vector_load %arg6[%parallel_loop3A_785, %parallel_loop3A_786] {strides = array<i32>} : memref<32x512xf32, #tpu.memory_space<vmem>>, vector<16xf32>,
        tpu.vector_store %arg6[%parallel_loop3A_785, %parallel_loop3A_786], %parallel_loop3A_784 {strides = array<i32>} : memref<32x512xf32, #tpu.memory_space<vmem>>, vector<16xf32>,
        %parallel_loop3A_788 = tpu.memref_reshape %arg4 : memref<64x2x2x64xf32, #tpu.memory_space<vmem>> -> memref<256x64xf32, #tpu.memory_space<vmem>>
        %parallel_loop3A_789 = tpu.vector_load_idx %parallel_loop3A_788[%add3A_324, %parallel_loop3A_697] : memref<256x64xf32, #tpu.memory_space<vmem>>[vector<16xi32>, vector<16xi32>], vector<16xf32>,
        %parallel_loop3A_790 = arith.index_cast %parallel_loop3A_693 : i32 to index
        %parallel_loop3A_791 = arith.constant 288 : index
        %parallel_loop3A_792 = tpu.vector_load %arg6[%parallel_loop3A_790, %parallel_loop3A_791] {strides = array<i32>} : memref<32x512xf32, #tpu.memory_space<vmem>>, vector<16xf32>,
        tpu.vector_store %arg6[%parallel_loop3A_790, %parallel_loop3A_791], %parallel_loop3A_789 {strides = array<i32>} : memref<32x512xf32, #tpu.memory_space<vmem>>, vector<16xf32>,
        %parallel_loop3A_793 = tpu.memref_reshape %arg4 : memref<64x2x2x64xf32, #tpu.memory_space<vmem>> -> memref<256x64xf32, #tpu.memory_space<vmem>>
        %parallel_loop3A_794 = tpu.vector_load_idx %parallel_loop3A_793[%add3A_327, %parallel_loop3A_697] : memref<256x64xf32, #tpu.memory_space<vmem>>[vector<16xi32>, vector<16xi32>], vector<16xf32>,
        %parallel_loop3A_795 = arith.index_cast %parallel_loop3A_693 : i32 to index
        %parallel_loop3A_796 = arith.constant 304 : index
        %parallel_loop3A_797 = tpu.vector_load %arg6[%parallel_loop3A_795, %parallel_loop3A_796] {strides = array<i32>} : memref<32x512xf32, #tpu.memory_space<vmem>>, vector<16xf32>,
        tpu.vector_store %arg6[%parallel_loop3A_795, %parallel_loop3A_796], %parallel_loop3A_794 {strides = array<i32>} : memref<32x512xf32, #tpu.memory_space<vmem>>, vector<16xf32>,
        %parallel_loop3A_798 = tpu.memref_reshape %arg4 : memref<64x2x2x64xf32, #tpu.memory_space<vmem>> -> memref<256x64xf32, #tpu.memory_space<vmem>>
        %parallel_loop3A_799 = tpu.vector_load_idx %parallel_loop3A_798[%add3A_330, %parallel_loop3A_697] : memref<256x64xf32, #tpu.memory_space<vmem>>[vector<16xi32>, vector<16xi32>], vector<16xf32>,
        %parallel_loop3A_800 = arith.index_cast %parallel_loop3A_693 : i32 to index
        %parallel_loop3A_801 = arith.constant 320 : index
        %parallel_loop3A_802 = tpu.vector_load %arg6[%parallel_loop3A_800, %parallel_loop3A_801] {strides = array<i32>} : memref<32x512xf32, #tpu.memory_space<vmem>>, vector<16xf32>,
        tpu.vector_store %arg6[%parallel_loop3A_800, %parallel_loop3A_801], %parallel_loop3A_799 {strides = array<i32>} : memref<32x512xf32, #tpu.memory_space<vmem>>, vector<16xf32>,
        %parallel_loop3A_803 = tpu.memref_reshape %arg4 : memref<64x2x2x64xf32, #tpu.memory_space<vmem>> -> memref<256x64xf32, #tpu.memory_space<vmem>>
        %parallel_loop3A_804 = tpu.vector_load_idx %parallel_loop3A_803[%add3A_333, %parallel_loop3A_697] : memref<256x64xf32, #tpu.memory_space<vmem>>[vector<16xi32>, vector<16xi32>], vector<16xf32>,
        %parallel_loop3A_805 = arith.index_cast %parallel_loop3A_693 : i32 to index
        %parallel_loop3A_806 = arith.constant 336 : index
        %parallel_loop3A_807 = tpu.vector_load %arg6[%parallel_loop3A_805, %parallel_loop3A_806] {strides = array<i32>} : memref<32x512xf32, #tpu.memory_space<vmem>>, vector<16xf32>,
        tpu.vector_store %arg6[%parallel_loop3A_805, %parallel_loop3A_806], %parallel_loop3A_804 {strides = array<i32>} : memref<32x512xf32, #tpu.memory_space<vmem>>, vector<16xf32>,
        %parallel_loop3A_808 = tpu.memref_reshape %arg4 : memref<64x2x2x64xf32, #tpu.memory_space<vmem>> -> memref<256x64xf32, #tpu.memory_space<vmem>>
        %parallel_loop3A_809 = tpu.vector_load_idx %parallel_loop3A_808[%add3A_336, %parallel_loop3A_697] : memref<256x64xf32, #tpu.memory_space<vmem>>[vector<16xi32>, vector<16xi32>], vector<16xf32>,
        %parallel_loop3A_810 = arith.index_cast %parallel_loop3A_693 : i32 to index
        %parallel_loop3A_811 = arith.constant 352 : index
        %parallel_loop3A_812 = tpu.vector_load %arg6[%parallel_loop3A_810, %parallel_loop3A_811] {strides = array<i32>} : memref<32x512xf32, #tpu.memory_space<vmem>>, vector<16xf32>,
        tpu.vector_store %arg6[%parallel_loop3A_810, %parallel_loop3A_811], %parallel_loop3A_809 {strides = array<i32>} : memref<32x512xf32, #tpu.memory_space<vmem>>, vector<16xf32>,
        %parallel_loop3A_813 = tpu.memref_reshape %arg4 : memref<64x2x2x64xf32, #tpu.memory_space<vmem>> -> memref<256x64xf32, #tpu.memory_space<vmem>>
        %parallel_loop3A_814 = tpu.vector_load_idx %parallel_loop3A_813[%add3A_339, %parallel_loop3A_697] : memref<256x64xf32, #tpu.memory_space<vmem>>[vector<16xi32>, vector<16xi32>], vector<16xf32>,
        %parallel_loop3A_815 = arith.index_cast %parallel_loop3A_693 : i32 to index
        %parallel_loop3A_816 = arith.constant 368 : index
        %parallel_loop3A_817 = tpu.vector_load %arg6[%parallel_loop3A_815, %parallel_loop3A_816] {strides = array<i32>} : memref<32x512xf32, #tpu.memory_space<vmem>>, vector<16xf32>,
        tpu.vector_store %arg6[%parallel_loop3A_815, %parallel_loop3A_816], %parallel_loop3A_814 {strides = array<i32>} : memref<32x512xf32, #tpu.memory_space<vmem>>, vector<16xf32>,
        %parallel_loop3A_818 = tpu.memref_reshape %arg4 : memref<64x2x2x64xf32, #tpu.memory_space<vmem>> -> memref<256x64xf32, #tpu.memory_space<vmem>>
        %parallel_loop3A_819 = tpu.vector_load_idx %parallel_loop3A_818[%add3A_342, %parallel_loop3A_697] : memref<256x64xf32, #tpu.memory_space<vmem>>[vector<16xi32>, vector<16xi32>], vector<16xf32>,
        %parallel_loop3A_820 = arith.index_cast %parallel_loop3A_693 : i32 to index
        %parallel_loop3A_821 = arith.constant 384 : index
        %parallel_loop3A_822 = tpu.vector_load %arg6[%parallel_loop3A_820, %parallel_loop3A_821] {strides = array<i32>} : memref<32x512xf32, #tpu.memory_space<vmem>>, vector<16xf32>,
        tpu.vector_store %arg6[%parallel_loop3A_820, %parallel_loop3A_821], %parallel_loop3A_819 {strides = array<i32>} : memref<32x512xf32, #tpu.memory_space<vmem>>, vector<16xf32>,
        %parallel_loop3A_823 = tpu.memref_reshape %arg4 : memref<64x2x2x64xf32, #tpu.memory_space<vmem>> -> memref<256x64xf32, #tpu.memory_space<vmem>>
        %parallel_loop3A_824 = tpu.vector_load_idx %parallel_loop3A_823[%add3A_345, %parallel_loop3A_697] : memref<256x64xf32, #tpu.memory_space<vmem>>[vector<16xi32>, vector<16xi32>], vector<16xf32>,
        %parallel_loop3A_825 = arith.index_cast %parallel_loop3A_693 : i32 to index
        %parallel_loop3A_826 = arith.constant 400 : index
        %parallel_loop3A_827 = tpu.vector_load %arg6[%parallel_loop3A_825, %parallel_loop3A_826] {strides = array<i32>} : memref<32x512xf32, #tpu.memory_space<vmem>>, vector<16xf32>,
        tpu.vector_store %arg6[%parallel_loop3A_825, %parallel_loop3A_826], %parallel_loop3A_824 {strides = array<i32>} : memref<32x512xf32, #tpu.memory_space<vmem>>, vector<16xf32>,
        %parallel_loop3A_828 = tpu.memref_reshape %arg4 : memref<64x2x2x64xf32, #tpu.memory_space<vmem>> -> memref<256x64xf32, #tpu.memory_space<vmem>>
        %parallel_loop3A_829 = tpu.vector_load_idx %parallel_loop3A_828[%add3A_348, %parallel_loop3A_697] : memref<256x64xf32, #tpu.memory_space<vmem>>[vector<16xi32>, vector<16xi32>], vector<16xf32>,
        %parallel_loop3A_830 = arith.index_cast %parallel_loop3A_693 : i32 to index
        %parallel_loop3A_831 = arith.constant 416 : index
        %parallel_loop3A_832 = tpu.vector_load %arg6[%parallel_loop3A_830, %parallel_loop3A_831] {strides = array<i32>} : memref<32x512xf32, #tpu.memory_space<vmem>>, vector<16xf32>,
        tpu.vector_store %arg6[%parallel_loop3A_830, %parallel_loop3A_831], %parallel_loop3A_829 {strides = array<i32>} : memref<32x512xf32, #tpu.memory_space<vmem>>, vector<16xf32>,
        %parallel_loop3A_833 = tpu.memref_reshape %arg4 : memref<64x2x2x64xf32, #tpu.memory_space<vmem>> -> memref<256x64xf32, #tpu.memory_space<vmem>>
        %parallel_loop3A_834 = tpu.vector_load_idx %parallel_loop3A_833[%add3A_351, %parallel_loop3A_697] : memref<256x64xf32, #tpu.memory_space<vmem>>[vector<16xi32>, vector<16xi32>], vector<16xf32>,
        %parallel_loop3A_835 = arith.index_cast %parallel_loop3A_693 : i32 to index
        %parallel_loop3A_836 = arith.constant 432 : index
        %parallel_loop3A_837 = tpu.vector_load %arg6[%parallel_loop3A_835, %parallel_loop3A_836] {strides = array<i32>} : memref<32x512xf32, #tpu.memory_space<vmem>>, vector<16xf32>,
        tpu.vector_store %arg6[%parallel_loop3A_835, %parallel_loop3A_836], %parallel_loop3A_834 {strides = array<i32>} : memref<32x512xf32, #tpu.memory_space<vmem>>, vector<16xf32>,
        %parallel_loop3A_838 = tpu.memref_reshape %arg4 : memref<64x2x2x64xf32, #tpu.memory_space<vmem>> -> memref<256x64xf32, #tpu.memory_space<vmem>>
        %parallel_loop3A_839 = tpu.vector_load_idx %parallel_loop3A_838[%add3A_354, %parallel_loop3A_697] : memref<256x64xf32, #tpu.memory_space<vmem>>[vector<16xi32>, vector<16xi32>], vector<16xf32>,
        %parallel_loop3A_840 = arith.index_cast %parallel_loop3A_693 : i32 to index
        %parallel_loop3A_841 = arith.constant 448 : index
        %parallel_loop3A_842 = tpu.vector_load %arg6[%parallel_loop3A_840, %parallel_loop3A_841] {strides = array<i32>} : memref<32x512xf32, #tpu.memory_space<vmem>>, vector<16xf32>,
        tpu.vector_store %arg6[%parallel_loop3A_840, %parallel_loop3A_841], %parallel_loop3A_839 {strides = array<i32>} : memref<32x512xf32, #tpu.memory_space<vmem>>, vector<16xf32>,
        %parallel_loop3A_843 = tpu.memref_reshape %arg4 : memref<64x2x2x64xf32, #tpu.memory_space<vmem>> -> memref<256x64xf32, #tpu.memory_space<vmem>>
        %parallel_loop3A_844 = tpu.vector_load_idx %parallel_loop3A_843[%add3A_357, %parallel_loop3A_697] : memref<256x64xf32, #tpu.memory_space<vmem>>[vector<16xi32>, vector<16xi32>], vector<16xf32>,
        %parallel_loop3A_845 = arith.index_cast %parallel_loop3A_693 : i32 to index
        %parallel_loop3A_846 = arith.constant 464 : index
        %parallel_loop3A_847 = tpu.vector_load %arg6[%parallel_loop3A_845, %parallel_loop3A_846] {strides = array<i32>} : memref<32x512xf32, #tpu.memory_space<vmem>>, vector<16xf32>,
        tpu.vector_store %arg6[%parallel_loop3A_845, %parallel_loop3A_846], %parallel_loop3A_844 {strides = array<i32>} : memref<32x512xf32, #tpu.memory_space<vmem>>, vector<16xf32>,
        %parallel_loop3A_848 = tpu.memref_reshape %arg4 : memref<64x2x2x64xf32, #tpu.memory_space<vmem>> -> memref<256x64xf32, #tpu.memory_space<vmem>>
        %parallel_loop3A_849 = tpu.vector_load_idx %parallel_loop3A_848[%add3A_360, %parallel_loop3A_697] : memref<256x64xf32, #tpu.memory_space<vmem>>[vector<16xi32>, vector<16xi32>], vector<16xf32>,
        %parallel_loop3A_850 = arith.index_cast %parallel_loop3A_693 : i32 to index
        %parallel_loop3A_851 = arith.constant 480 : index
        %parallel_loop3A_852 = tpu.vector_load %arg6[%parallel_loop3A_850, %parallel_loop3A_851] {strides = array<i32>} : memref<32x512xf32, #tpu.memory_space<vmem>>, vector<16xf32>,
        tpu.vector_store %arg6[%parallel_loop3A_850, %parallel_loop3A_851], %parallel_loop3A_849 {strides = array<i32>} : memref<32x512xf32, #tpu.memory_space<vmem>>, vector<16xf32>,
        %parallel_loop3A_853 = tpu.memref_reshape %arg4 : memref<64x2x2x64xf32, #tpu.memory_space<vmem>> -> memref<256x64xf32, #tpu.memory_space<vmem>>
        %parallel_loop3A_854 = tpu.vector_load_idx %parallel_loop3A_853[%add3A_363, %parallel_loop3A_697] : memref<256x64xf32, #tpu.memory_space<vmem>>[vector<16xi32>, vector<16xi32>], vector<16xf32>,
        %parallel_loop3A_855 = arith.index_cast %parallel_loop3A_693 : i32 to index
        %parallel_loop3A_856 = arith.constant 496 : index
        %parallel_loop3A_857 = tpu.vector_load %arg6[%parallel_loop3A_855, %parallel_loop3A_856] {strides = array<i32>} : memref<32x512xf32, #tpu.memory_space<vmem>>, vector<16xf32>,
        tpu.vector_store %arg6[%parallel_loop3A_855, %parallel_loop3A_856], %parallel_loop3A_854 {strides = array<i32>} : memref<32x512xf32, #tpu.memory_space<vmem>>, vector<16xf32>,
      } {sc.loop_unroll_factor = 8 : i64, sc.parallel_access}
      %dma_start3A_366 = arith.constant 0 : i32
      %dma_start3A_367 = arith.constant 0 : i32
      %dma_start3A_368 = tpu.memref_slice %arg3[%div3A_89, %rem3A_93, %rem3A_95, %dma_start3A_366, %dma_start3A_367] : memref<2x32x32x32x512xf32, #tpu.memory_space<hbm>> -> memref<1x1x1x32x512xf32, #tpu.memory_space<hbm>>
      %dma_start3A_369 = tpu.memref_squeeze %dma_start3A_368 : memref<1x1x1x32x512xf32, #tpu.memory_space<hbm>> -> memref<32x512xf32, #tpu.memory_space<hbm>>
      %dma_start3A_370 = arith.constant 0 : i32
      %dma_start3A_371 = arith.constant 0 : i32
      %dma_start3A_372 = tpu.memref_slice %arg3[%div3A_89, %rem3A_93, %rem3A_95, %dma_start3A_370, %dma_start3A_371] : memref<2x32x32x32x512xf32, #tpu.memory_space<hbm>> -> memref<1x1x1x32x512xf32, #tpu.memory_space<hbm>>
      %dma_start3A_373 = tpu.memref_squeeze %dma_start3A_372 : memref<1x1x1x32x512xf32, #tpu.memory_space<hbm>> -> memref<32x512xf32, #tpu.memory_space<hbm>>
      tpu.enqueue_dma source(%arg6 : memref<32x512xf32, #tpu.memory_space<vmem>>) target(%dma_start3A_373 : memref<32x512xf32, #tpu.memory_space<hbm>>) target_semaphore(%arg10 : memref<!tpu.dma_semaphore, #tpu.memory_space<semaphore_mem>>)
      %add3A_374 = arith.constant 2 : i32
      %add3A_375 = arith.addi %mul3A_83, %add3A_374 : i32
      %lt3A_376 = arith.constant 64 : i32
      %lt3A_377 = arith.cmpi slt, %add3A_375, %lt3A_376 : i32
      %convert_element_type3A_378 = arith.extui %lt3A_377 : i1 to i32
      %cond3A_379 = arith.constant 0 : i32
      %cond3A_380 = arith.cmpi ne, %convert_element_type3A_378, %cond3A_379 : i32
      scf.if %cond3A_380 {
        %mul3A_693 = arith.constant 64 : i32
        %mul3A_694 = arith.muli %add3A, %mul3A_693 : i32
        %add3A_695 = arith.addi %mul3A_694, %add3A_375 : i32
        %div3A_696 = arith.constant 1024 : i32
        %div3A_697 = arith.divsi %add3A_695, %div3A_696 : i32
        %div3A_698 = arith.constant 32 : i32
        %div3A_699 = arith.divsi %add3A_695, %div3A_698 : i32
        %rem3A_700 = arith.constant 32 : i32
        %rem3A_701 = arith.remsi %div3A_699, %rem3A_700 : i32
        %rem3A_702 = arith.constant 32 : i32
        %rem3A_703 = arith.remsi %add3A_695, %rem3A_702 : i32
        %mul3A_704 = arith.constant 2 : i32
        %mul3A_705 = arith.muli %mul3A_704, %rem3A_701 : i32
        %mul3A_706 = arith.constant 2 : i32
        %mul3A_707 = arith.muli %mul3A_706, %rem3A_703 : i32
        %dma_start3A_708 = arith.constant 0 : i32
        %dma_start3A_709 = arith.constant 0 : i32
        %dma_start3A_710 = tpu.memref_slice %arg2[%div3A_697, %dma_start3A_708, %mul3A_705, %mul3A_707, %dma_start3A_709] : memref<2x64x64x64x64xf32, #tpu.memory_space<hbm>> -> memref<1x64x2x2x64xf32, #tpu.memory_space<hbm>>
        %dma_start3A_711 = tpu.memref_squeeze %dma_start3A_710 : memref<1x64x2x2x64xf32, #tpu.memory_space<hbm>> -> memref<64x2x2x64xf32, #tpu.memory_space<hbm>>
        %dma_start3A_712 = arith.constant 0 : i32
        %dma_start3A_713 = arith.constant 0 : i32
        %dma_start3A_714 = tpu.memref_slice %arg2[%div3A_697, %dma_start3A_712, %mul3A_705, %mul3A_707, %dma_start3A_713] : memref<2x64x64x64x64xf32, #tpu.memory_space<hbm>> -> memref<1x64x2x2x64xf32, #tpu.memory_space<hbm>>
        %dma_start3A_715 = tpu.memref_squeeze %dma_start3A_714 : memref<1x64x2x2x64xf32, #tpu.memory_space<hbm>> -> memref<64x2x2x64xf32, #tpu.memory_space<hbm>>
        tpu.enqueue_dma source(%dma_start3A_715 : memref<64x2x2x64xf32, #tpu.memory_space<hbm>>) target(%arg4 : memref<64x2x2x64xf32, #tpu.memory_space<vmem>>) target_semaphore(%arg8 : memref<!tpu.dma_semaphore, #tpu.memory_space<semaphore_mem>>)
      } else {
      }
      %add3A_381 = arith.constant 1 : i32
      %add3A_382 = arith.addi %mul3A_83, %add3A_381 : i32
      %ge3A_383 = arith.constant 1 : i32
      %ge3A_384 = arith.cmpi sge, %add3A_81, %ge3A_383 : i32
      %mul3A_385 = arith.constant 64 : i32
      %mul3A_386 = arith.muli %add3A, %mul3A_385 : i32
      %add3A_387 = arith.addi %mul3A_386, %add3A_382 : i32
      %div3A_388 = arith.constant 1024 : i32
      %div3A_389 = arith.divsi %add3A_387, %div3A_388 : i32
      %div3A_390 = arith.constant 32 : i32
      %div3A_391 = arith.divsi %add3A_387, %div3A_390 : i32
      %rem3A_392 = arith.constant 32 : i32
      %rem3A_393 = arith.remsi %div3A_391, %rem3A_392 : i32
      %rem3A_394 = arith.constant 32 : i32
      %rem3A_395 = arith.remsi %add3A_387, %rem3A_394 : i32
      %mul3A_396 = arith.constant 2 : i32
      %mul3A_397 = arith.muli %mul3A_396, %rem3A_393 : i32
      %mul3A_398 = arith.constant 2 : i32
      %mul3A_399 = arith.muli %mul3A_398, %rem3A_395 : i32
      %dma_wait3A_400 = arith.constant 0 : i32
      %dma_wait3A_401 = arith.constant 0 : i32
      %dma_wait3A_402 = tpu.memref_slice %arg2[%div3A_389, %dma_wait3A_400, %mul3A_397, %mul3A_399, %dma_wait3A_401] : memref<2x64x64x64x64xf32, #tpu.memory_space<hbm>> -> memref<1x64x2x2x64xf32, #tpu.memory_space<hbm>>
      %dma_wait3A_403 = tpu.memref_squeeze %dma_wait3A_402 : memref<1x64x2x2x64xf32, #tpu.memory_space<hbm>> -> memref<64x2x2x64xf32, #tpu.memory_space<hbm>>
      %dma_wait3A_404 = arith.constant 0 : i32
      %dma_wait3A_405 = arith.constant 0 : i32
      %dma_wait3A_406 = tpu.memref_slice %arg2[%div3A_389, %dma_wait3A_404, %mul3A_397, %mul3A_399, %dma_wait3A_405] : memref<2x64x64x64x64xf32, #tpu.memory_space<hbm>> -> memref<1x64x2x2x64xf32, #tpu.memory_space<hbm>>
      %dma_wait3A_407 = tpu.memref_squeeze %dma_wait3A_406 : memref<1x64x2x2x64xf32, #tpu.memory_space<hbm>> -> memref<64x2x2x64xf32, #tpu.memory_space<hbm>>
      tpu.wait_dma2 semaphore(%arg9 : memref<!tpu.dma_semaphore, #tpu.memory_space<semaphore_mem>>) src(%dma_wait3A_407 : memref<64x2x2x64xf32, #tpu.memory_space<hbm>>) dst(%arg5 : memref<64x2x2x64xf32, #tpu.memory_space<vmem>>)
      %convert_element_type3A_408 = arith.extui %ge3A_384 : i1 to i32
      %cond3A_409 = arith.constant 0 : i32
      %cond3A_410 = arith.cmpi ne, %convert_element_type3A_408, %cond3A_409 : i32
      scf.if %cond3A_410 {
        %dma_wait3A_693 = arith.constant 0 : i32
        %dma_wait3A_694 = arith.constant 0 : i32
        %dma_wait3A_695 = tpu.memref_slice %arg3[%div3A_389, %rem3A_393, %rem3A_395, %dma_wait3A_693, %dma_wait3A_694] : memref<2x32x32x32x512xf32, #tpu.memory_space<hbm>> -> memref<1x1x1x32x512xf32, #tpu.memory_space<hbm>>
        %dma_wait3A_696 = tpu.memref_squeeze %dma_wait3A_695 : memref<1x1x1x32x512xf32, #tpu.memory_space<hbm>> -> memref<32x512xf32, #tpu.memory_space<hbm>>
        %dma_wait3A_697 = arith.constant 0 : i32
        %dma_wait3A_698 = arith.constant 0 : i32
        %dma_wait3A_699 = tpu.memref_slice %arg3[%div3A_389, %rem3A_393, %rem3A_395, %dma_wait3A_697, %dma_wait3A_698] : memref<2x32x32x32x512xf32, #tpu.memory_space<hbm>> -> memref<1x1x1x32x512xf32, #tpu.memory_space<hbm>>
        %dma_wait3A_700 = tpu.memref_squeeze %dma_wait3A_699 : memref<1x1x1x32x512xf32, #tpu.memory_space<hbm>> -> memref<32x512xf32, #tpu.memory_space<hbm>>
        tpu.wait_dma2 semaphore(%arg11 : memref<!tpu.dma_semaphore, #tpu.memory_space<semaphore_mem>>) src(%arg7 : memref<32x512xf32, #tpu.memory_space<vmem>>) dst(%dma_wait3A_700 : memref<32x512xf32, #tpu.memory_space<hbm>>)
      } else {
      }
      %iota3A_411 = tpu.iota {dimensions = array<i32: 0>} : vector<16xi32>
      %jit3A_412 = arith.constant 8 : i32
      %div3A_413 = vector.broadcast %jit3A_412 : i32 to vector<16xi32>
      %div3A_414 = arith.divsi %iota3A_411, %div3A_413 : vector<16xi32>
      %sign3A_415 = arith.constant 0 : i32
      %sign3A_416 = vector.broadcast %sign3A_415 : i32 to vector<16xi32>
      %sign3A_417 = arith.cmpi sgt, %iota3A_411, %sign3A_416 : vector<16xi32>
      %sign3A_418 = arith.extui %sign3A_417 : vector<16xi1> to vector<16xi32>
      %sign3A_419 = arith.constant 0 : i32
      %sign3A_420 = vector.broadcast %sign3A_419 : i32 to vector<16xi32>
      %sign3A_421 = arith.cmpi slt, %iota3A_411, %sign3A_420 : vector<16xi32>
      %sign3A_422 = arith.extui %sign3A_421 : vector<16xi1> to vector<16xi32>
      %sign3A_423 = arith.subi %sign3A_418, %sign3A_422 : vector<16xi32>
      %sign3A_424 = arith.constant 0 : i32
      %sign3A_425 = arith.cmpi sgt, %jit3A_412, %sign3A_424 : i32
      %sign3A_426 = arith.extui %sign3A_425 : i1 to i32
      %sign3A_427 = arith.constant 0 : i32
      %sign3A_428 = arith.cmpi slt, %jit3A_412, %sign3A_427 : i32
      %sign3A_429 = arith.extui %sign3A_428 : i1 to i32
      %sign3A_430 = arith.subi %sign3A_426, %sign3A_429 : i32
      %ne3A_431 = vector.broadcast %sign3A_430 : i32 to vector<16xi32>
      %ne3A_432 = arith.cmpi ne, %sign3A_423, %ne3A_431 : vector<16xi32>
      %rem3A_433 = vector.broadcast %jit3A_412 : i32 to vector<16xi32>
      %rem3A_434 = arith.remsi %iota3A_411, %rem3A_433 : vector<16xi32>
      %ne3A_435 = arith.constant 0 : i32
      %ne3A_436 = vector.broadcast %ne3A_435 : i32 to vector<16xi32>
      %ne3A_437 = arith.cmpi ne, %rem3A_434, %ne3A_436 : vector<16xi32>
      %and3A_438 = arith.andi %ne3A_432, %ne3A_437 : vector<16xi1>
      %sub3A_439 = arith.constant 1 : i32
      %sub3A_440 = vector.broadcast %sub3A_439 : i32 to vector<16xi32>
      %sub3A_441 = arith.subi %div3A_414, %sub3A_440 : vector<16xi32>
      %select_n3A_442 = arith.select %and3A_438, %sub3A_441, %div3A_414 : vector<16xi1>, vector<16xi32>
      %mul3A_443 = arith.constant 4 : i32
      %mul3A_444 = vector.broadcast %mul3A_443 : i32 to vector<16xi32>
      %mul3A_445 = arith.muli %mul3A_444, %select_n3A_442 : vector<16xi32>
      %jit3A_446 = arith.constant 4 : i32
      %div3A_447 = vector.broadcast %jit3A_446 : i32 to vector<16xi32>
      %div3A_448 = arith.divsi %iota3A_411, %div3A_447 : vector<16xi32>
      %sign3A_449 = arith.constant 0 : i32
      %sign3A_450 = vector.broadcast %sign3A_449 : i32 to vector<16xi32>
      %sign3A_451 = arith.cmpi sgt, %iota3A_411, %sign3A_450 : vector<16xi32>
      %sign3A_452 = arith.extui %sign3A_451 : vector<16xi1> to vector<16xi32>
      %sign3A_453 = arith.constant 0 : i32
      %sign3A_454 = vector.broadcast %sign3A_453 : i32 to vector<16xi32>
      %sign3A_455 = arith.cmpi slt, %iota3A_411, %sign3A_454 : vector<16xi32>
      %sign3A_456 = arith.extui %sign3A_455 : vector<16xi1> to vector<16xi32>
      %sign3A_457 = arith.subi %sign3A_452, %sign3A_456 : vector<16xi32>
      %sign3A_458 = arith.constant 0 : i32
      %sign3A_459 = arith.cmpi sgt, %jit3A_446, %sign3A_458 : i32
      %sign3A_460 = arith.extui %sign3A_459 : i1 to i32
      %sign3A_461 = arith.constant 0 : i32
      %sign3A_462 = arith.cmpi slt, %jit3A_446, %sign3A_461 : i32
      %sign3A_463 = arith.extui %sign3A_462 : i1 to i32
      %sign3A_464 = arith.subi %sign3A_460, %sign3A_463 : i32
      %ne3A_465 = vector.broadcast %sign3A_464 : i32 to vector<16xi32>
      %ne3A_466 = arith.cmpi ne, %sign3A_457, %ne3A_465 : vector<16xi32>
      %rem3A_467 = vector.broadcast %jit3A_446 : i32 to vector<16xi32>
      %rem3A_468 = arith.remsi %iota3A_411, %rem3A_467 : vector<16xi32>
      %ne3A_469 = arith.constant 0 : i32
      %ne3A_470 = vector.broadcast %ne3A_469 : i32 to vector<16xi32>
      %ne3A_471 = arith.cmpi ne, %rem3A_468, %ne3A_470 : vector<16xi32>
      %and3A_472 = arith.andi %ne3A_466, %ne3A_471 : vector<16xi1>
      %sub3A_473 = arith.constant 1 : i32
      %sub3A_474 = vector.broadcast %sub3A_473 : i32 to vector<16xi32>
      %sub3A_475 = arith.subi %div3A_448, %sub3A_474 : vector<16xi32>
      %select_n3A_476 = arith.select %and3A_472, %sub3A_475, %div3A_448 : vector<16xi1>, vector<16xi32>
      %jit3A_477 = arith.constant 2 : i32
      %eq3A_478 = arith.constant 0 : i32
      %eq3A_479 = arith.cmpi eq, %jit3A_477, %eq3A_478 : i32
      %jit3A_480 = arith.constant 1 : i32
      %select_n3A_481 = arith.select %eq3A_479, %jit3A_480, %jit3A_477 : i32
      %rem3A_482 = vector.broadcast %select_n3A_481 : i32 to vector<16xi32>
      %rem3A_483 = arith.remsi %select_n3A_476, %rem3A_482 : vector<16xi32>
      %ne3A_484 = arith.constant 0 : i32
      %ne3A_485 = vector.broadcast %ne3A_484 : i32 to vector<16xi32>
      %ne3A_486 = arith.cmpi ne, %rem3A_483, %ne3A_485 : vector<16xi32>
      %lt3A_487 = arith.constant 0 : i32
      %lt3A_488 = vector.broadcast %lt3A_487 : i32 to vector<16xi32>
      %lt3A_489 = arith.cmpi slt, %rem3A_483, %lt3A_488 : vector<16xi32>
      %lt3A_490 = arith.constant 0 : i32
      %lt3A_491 = arith.cmpi slt, %select_n3A_481, %lt3A_490 : i32
      %ne3A_492 = vector.broadcast %lt3A_491 : i1 to vector<16xi1>
      %ne3A_493 = vector.broadcast %ne3A_492 : vector<16xi1> to vector<16xi1>
      %ne3A_494 = arith.xori %lt3A_489, %ne3A_493 : vector<16xi1>
      %and3A_495 = arith.andi %ne3A_494, %ne3A_486 : vector<16xi1>
      %add3A_496 = vector.broadcast %select_n3A_481 : i32 to vector<16xi32>
      %add3A_497 = arith.addi %rem3A_483, %add3A_496 : vector<16xi32>
      %select_n3A_498 = arith.select %and3A_495, %add3A_497, %rem3A_483 : vector<16xi1>, vector<16xi32>
      %mul3A_499 = arith.constant 2 : i32
      %mul3A_500 = vector.broadcast %mul3A_499 : i32 to vector<16xi32>
      %mul3A_501 = arith.muli %mul3A_500, %select_n3A_498 : vector<16xi32>
      %add3A_502 = arith.addi %mul3A_445, %mul3A_501 : vector<16xi32>
      %jit3A_503 = arith.constant 2 : i32
      %div3A_504 = vector.broadcast %jit3A_503 : i32 to vector<16xi32>
      %div3A_505 = arith.divsi %iota3A_411, %div3A_504 : vector<16xi32>
      %sign3A_506 = arith.constant 0 : i32
      %sign3A_507 = vector.broadcast %sign3A_506 : i32 to vector<16xi32>
      %sign3A_508 = arith.cmpi sgt, %iota3A_411, %sign3A_507 : vector<16xi32>
      %sign3A_509 = arith.extui %sign3A_508 : vector<16xi1> to vector<16xi32>
      %sign3A_510 = arith.constant 0 : i32
      %sign3A_511 = vector.broadcast %sign3A_510 : i32 to vector<16xi32>
      %sign3A_512 = arith.cmpi slt, %iota3A_411, %sign3A_511 : vector<16xi32>
      %sign3A_513 = arith.extui %sign3A_512 : vector<16xi1> to vector<16xi32>
      %sign3A_514 = arith.subi %sign3A_509, %sign3A_513 : vector<16xi32>
      %sign3A_515 = arith.constant 0 : i32
      %sign3A_516 = arith.cmpi sgt, %jit3A_503, %sign3A_515 : i32
      %sign3A_517 = arith.extui %sign3A_516 : i1 to i32
      %sign3A_518 = arith.constant 0 : i32
      %sign3A_519 = arith.cmpi slt, %jit3A_503, %sign3A_518 : i32
      %sign3A_520 = arith.extui %sign3A_519 : i1 to i32
      %sign3A_521 = arith.subi %sign3A_517, %sign3A_520 : i32
      %ne3A_522 = vector.broadcast %sign3A_521 : i32 to vector<16xi32>
      %ne3A_523 = arith.cmpi ne, %sign3A_514, %ne3A_522 : vector<16xi32>
      %rem3A_524 = vector.broadcast %jit3A_503 : i32 to vector<16xi32>
      %rem3A_525 = arith.remsi %iota3A_411, %rem3A_524 : vector<16xi32>
      %ne3A_526 = arith.constant 0 : i32
      %ne3A_527 = vector.broadcast %ne3A_526 : i32 to vector<16xi32>
      %ne3A_528 = arith.cmpi ne, %rem3A_525, %ne3A_527 : vector<16xi32>
      %and3A_529 = arith.andi %ne3A_523, %ne3A_528 : vector<16xi1>
      %sub3A_530 = arith.constant 1 : i32
      %sub3A_531 = vector.broadcast %sub3A_530 : i32 to vector<16xi32>
      %sub3A_532 = arith.subi %div3A_505, %sub3A_531 : vector<16xi32>
      %select_n3A_533 = arith.select %and3A_529, %sub3A_532, %div3A_505 : vector<16xi1>, vector<16xi32>
      %jit3A_534 = arith.constant 2 : i32
      %eq3A_535 = arith.constant 0 : i32
      %eq3A_536 = arith.cmpi eq, %jit3A_534, %eq3A_535 : i32
      %jit3A_537 = arith.constant 1 : i32
      %select_n3A_538 = arith.select %eq3A_536, %jit3A_537, %jit3A_534 : i32
      %rem3A_539 = vector.broadcast %select_n3A_538 : i32 to vector<16xi32>
      %rem3A_540 = arith.remsi %select_n3A_533, %rem3A_539 : vector<16xi32>
      %ne3A_541 = arith.constant 0 : i32
      %ne3A_542 = vector.broadcast %ne3A_541 : i32 to vector<16xi32>
      %ne3A_543 = arith.cmpi ne, %rem3A_540, %ne3A_542 : vector<16xi32>
      %lt3A_544 = arith.constant 0 : i32
      %lt3A_545 = vector.broadcast %lt3A_544 : i32 to vector<16xi32>
      %lt3A_546 = arith.cmpi slt, %rem3A_540, %lt3A_545 : vector<16xi32>
      %lt3A_547 = arith.constant 0 : i32
      %lt3A_548 = arith.cmpi slt, %select_n3A_538, %lt3A_547 : i32
      %ne3A_549 = vector.broadcast %lt3A_548 : i1 to vector<16xi1>
      %ne3A_550 = vector.broadcast %ne3A_549 : vector<16xi1> to vector<16xi1>
      %ne3A_551 = arith.xori %lt3A_546, %ne3A_550 : vector<16xi1>
      %and3A_552 = arith.andi %ne3A_551, %ne3A_543 : vector<16xi1>
      %add3A_553 = vector.broadcast %select_n3A_538 : i32 to vector<16xi32>
      %add3A_554 = arith.addi %rem3A_540, %add3A_553 : vector<16xi32>
      %select_n3A_555 = arith.select %and3A_552, %add3A_554, %rem3A_540 : vector<16xi1>, vector<16xi32>
      %add3A_556 = arith.addi %add3A_502, %select_n3A_555 : vector<16xi32>
      %jit3A_557 = arith.constant 2 : i32
      %eq3A_558 = arith.constant 0 : i32
      %eq3A_559 = arith.cmpi eq, %jit3A_557, %eq3A_558 : i32
      %jit3A_560 = arith.constant 1 : i32
      %select_n3A_561 = arith.select %eq3A_559, %jit3A_560, %jit3A_557 : i32
      %rem3A_562 = vector.broadcast %select_n3A_561 : i32 to vector<16xi32>
      %rem3A_563 = arith.remsi %iota3A_411, %rem3A_562 : vector<16xi32>
      %ne3A_564 = arith.constant 0 : i32
      %ne3A_565 = vector.broadcast %ne3A_564 : i32 to vector<16xi32>
      %ne3A_566 = arith.cmpi ne, %rem3A_563, %ne3A_565 : vector<16xi32>
      %lt3A_567 = arith.constant 0 : i32
      %lt3A_568 = vector.broadcast %lt3A_567 : i32 to vector<16xi32>
      %lt3A_569 = arith.cmpi slt, %rem3A_563, %lt3A_568 : vector<16xi32>
      %lt3A_570 = arith.constant 0 : i32
      %lt3A_571 = arith.cmpi slt, %select_n3A_561, %lt3A_570 : i32
      %ne3A_572 = vector.broadcast %lt3A_571 : i1 to vector<16xi1>
      %ne3A_573 = vector.broadcast %ne3A_572 : vector<16xi1> to vector<16xi1>
      %ne3A_574 = arith.xori %lt3A_569, %ne3A_573 : vector<16xi1>
      %and3A_575 = arith.andi %ne3A_574, %ne3A_566 : vector<16xi1>
      %add3A_576 = vector.broadcast %select_n3A_561 : i32 to vector<16xi32>
      %add3A_577 = arith.addi %rem3A_563, %add3A_576 : vector<16xi32>
      %select_n3A_578 = arith.select %and3A_575, %add3A_577, %rem3A_563 : vector<16xi1>, vector<16xi32>
      %add3A_579 = arith.constant 0 : i32
      %add3A_580 = vector.broadcast %add3A_579 : i32 to vector<16xi32>
      %add3A_581 = arith.addi %add3A_556, %add3A_580 : vector<16xi32>
      %add3A_582 = arith.constant 8 : i32
      %add3A_583 = vector.broadcast %add3A_582 : i32 to vector<16xi32>
      %add3A_584 = arith.addi %add3A_556, %add3A_583 : vector<16xi32>
      %add3A_585 = arith.constant 16 : i32
      %add3A_586 = vector.broadcast %add3A_585 : i32 to vector<16xi32>
      %add3A_587 = arith.addi %add3A_556, %add3A_586 : vector<16xi32>
      %add3A_588 = arith.constant 24 : i32
      %add3A_589 = vector.broadcast %add3A_588 : i32 to vector<16xi32>
      %add3A_590 = arith.addi %add3A_556, %add3A_589 : vector<16xi32>
      %add3A_591 = arith.constant 32 : i32
      %add3A_592 = vector.broadcast %add3A_591 : i32 to vector<16xi32>
      %add3A_593 = arith.addi %add3A_556, %add3A_592 : vector<16xi32>
      %add3A_594 = arith.constant 40 : i32
      %add3A_595 = vector.broadcast %add3A_594 : i32 to vector<16xi32>
      %add3A_596 = arith.addi %add3A_556, %add3A_595 : vector<16xi32>
      %add3A_597 = arith.constant 48 : i32
      %add3A_598 = vector.broadcast %add3A_597 : i32 to vector<16xi32>
      %add3A_599 = arith.addi %add3A_556, %add3A_598 : vector<16xi32>
      %add3A_600 = arith.constant 56 : i32
      %add3A_601 = vector.broadcast %add3A_600 : i32 to vector<16xi32>
      %add3A_602 = arith.addi %add3A_556, %add3A_601 : vector<16xi32>
      %add3A_603 = arith.constant 64 : i32
      %add3A_604 = vector.broadcast %add3A_603 : i32 to vector<16xi32>
      %add3A_605 = arith.addi %add3A_556, %add3A_604 : vector<16xi32>
      %add3A_606 = arith.constant 72 : i32
      %add3A_607 = vector.broadcast %add3A_606 : i32 to vector<16xi32>
      %add3A_608 = arith.addi %add3A_556, %add3A_607 : vector<16xi32>
      %add3A_609 = arith.constant 80 : i32
      %add3A_610 = vector.broadcast %add3A_609 : i32 to vector<16xi32>
      %add3A_611 = arith.addi %add3A_556, %add3A_610 : vector<16xi32>
      %add3A_612 = arith.constant 88 : i32
      %add3A_613 = vector.broadcast %add3A_612 : i32 to vector<16xi32>
      %add3A_614 = arith.addi %add3A_556, %add3A_613 : vector<16xi32>
      %add3A_615 = arith.constant 96 : i32
      %add3A_616 = vector.broadcast %add3A_615 : i32 to vector<16xi32>
      %add3A_617 = arith.addi %add3A_556, %add3A_616 : vector<16xi32>
      %add3A_618 = arith.constant 104 : i32
      %add3A_619 = vector.broadcast %add3A_618 : i32 to vector<16xi32>
      %add3A_620 = arith.addi %add3A_556, %add3A_619 : vector<16xi32>
      %add3A_621 = arith.constant 112 : i32
      %add3A_622 = vector.broadcast %add3A_621 : i32 to vector<16xi32>
      %add3A_623 = arith.addi %add3A_556, %add3A_622 : vector<16xi32>
      %add3A_624 = arith.constant 120 : i32
      %add3A_625 = vector.broadcast %add3A_624 : i32 to vector<16xi32>
      %add3A_626 = arith.addi %add3A_556, %add3A_625 : vector<16xi32>
      %add3A_627 = arith.constant 128 : i32
      %add3A_628 = vector.broadcast %add3A_627 : i32 to vector<16xi32>
      %add3A_629 = arith.addi %add3A_556, %add3A_628 : vector<16xi32>
      %add3A_630 = arith.constant 136 : i32
      %add3A_631 = vector.broadcast %add3A_630 : i32 to vector<16xi32>
      %add3A_632 = arith.addi %add3A_556, %add3A_631 : vector<16xi32>
      %add3A_633 = arith.constant 144 : i32
      %add3A_634 = vector.broadcast %add3A_633 : i32 to vector<16xi32>
      %add3A_635 = arith.addi %add3A_556, %add3A_634 : vector<16xi32>
      %add3A_636 = arith.constant 152 : i32
      %add3A_637 = vector.broadcast %add3A_636 : i32 to vector<16xi32>
      %add3A_638 = arith.addi %add3A_556, %add3A_637 : vector<16xi32>
      %add3A_639 = arith.constant 160 : i32
      %add3A_640 = vector.broadcast %add3A_639 : i32 to vector<16xi32>
      %add3A_641 = arith.addi %add3A_556, %add3A_640 : vector<16xi32>
      %add3A_642 = arith.constant 168 : i32
      %add3A_643 = vector.broadcast %add3A_642 : i32 to vector<16xi32>
      %add3A_644 = arith.addi %add3A_556, %add3A_643 : vector<16xi32>
      %add3A_645 = arith.constant 176 : i32
      %add3A_646 = vector.broadcast %add3A_645 : i32 to vector<16xi32>
      %add3A_647 = arith.addi %add3A_556, %add3A_646 : vector<16xi32>
      %add3A_648 = arith.constant 184 : i32
      %add3A_649 = vector.broadcast %add3A_648 : i32 to vector<16xi32>
      %add3A_650 = arith.addi %add3A_556, %add3A_649 : vector<16xi32>
      %add3A_651 = arith.constant 192 : i32
      %add3A_652 = vector.broadcast %add3A_651 : i32 to vector<16xi32>
      %add3A_653 = arith.addi %add3A_556, %add3A_652 : vector<16xi32>
      %add3A_654 = arith.constant 200 : i32
      %add3A_655 = vector.broadcast %add3A_654 : i32 to vector<16xi32>
      %add3A_656 = arith.addi %add3A_556, %add3A_655 : vector<16xi32>
      %add3A_657 = arith.constant 208 : i32
      %add3A_658 = vector.broadcast %add3A_657 : i32 to vector<16xi32>
      %add3A_659 = arith.addi %add3A_556, %add3A_658 : vector<16xi32>
      %add3A_660 = arith.constant 216 : i32
      %add3A_661 = vector.broadcast %add3A_660 : i32 to vector<16xi32>
      %add3A_662 = arith.addi %add3A_556, %add3A_661 : vector<16xi32>
      %add3A_663 = arith.constant 224 : i32
      %add3A_664 = vector.broadcast %add3A_663 : i32 to vector<16xi32>
      %add3A_665 = arith.addi %add3A_556, %add3A_664 : vector<16xi32>
      %add3A_666 = arith.constant 232 : i32
      %add3A_667 = vector.broadcast %add3A_666 : i32 to vector<16xi32>
      %add3A_668 = arith.addi %add3A_556, %add3A_667 : vector<16xi32>
      %add3A_669 = arith.constant 240 : i32
      %add3A_670 = vector.broadcast %add3A_669 : i32 to vector<16xi32>
      %add3A_671 = arith.addi %add3A_556, %add3A_670 : vector<16xi32>
      %add3A_672 = arith.constant 248 : i32
      %add3A_673 = vector.broadcast %add3A_672 : i32 to vector<16xi32>
      %add3A_674 = arith.addi %add3A_556, %add3A_673 : vector<16xi32>
      %parallel_loop3A_675 = arith.constant 0 : i32
      %parallel_loop3A_676 = arith.constant 32 : i32
      %parallel_loop3A_677 = arith.constant 1 : i32
      scf.for %parallel_loop3A_693 = %parallel_loop3A_675 to %parallel_loop3A_676 step %parallel_loop3A_677  : i32 {
        %parallel_loop3A_694 = arith.constant 2 : i32
        %parallel_loop3A_695 = arith.muli %parallel_loop3A_694, %parallel_loop3A_693 : i32
        %parallel_loop3A_696 = vector.broadcast %parallel_loop3A_695 : i32 to vector<16xi32>
        %parallel_loop3A_697 = arith.addi %select_n3A_578, %parallel_loop3A_696 : vector<16xi32>
        %parallel_loop3A_698 = tpu.memref_reshape %arg5 : memref<64x2x2x64xf32, #tpu.memory_space<vmem>> -> memref<256x64xf32, #tpu.memory_space<vmem>>
        %parallel_loop3A_699 = tpu.vector_load_idx %parallel_loop3A_698[%add3A_581, %parallel_loop3A_697] : memref<256x64xf32, #tpu.memory_space<vmem>>[vector<16xi32>, vector<16xi32>], vector<16xf32>,
        %parallel_loop3A_700 = arith.index_cast %parallel_loop3A_693 : i32 to index
        %parallel_loop3A_701 = arith.constant 0 : index
        %parallel_loop3A_702 = tpu.vector_load %arg7[%parallel_loop3A_700, %parallel_loop3A_701] {strides = array<i32>} : memref<32x512xf32, #tpu.memory_space<vmem>>, vector<16xf32>,
        tpu.vector_store %arg7[%parallel_loop3A_700, %parallel_loop3A_701], %parallel_loop3A_699 {strides = array<i32>} : memref<32x512xf32, #tpu.memory_space<vmem>>, vector<16xf32>,
        %parallel_loop3A_703 = tpu.memref_reshape %arg5 : memref<64x2x2x64xf32, #tpu.memory_space<vmem>> -> memref<256x64xf32, #tpu.memory_space<vmem>>
        %parallel_loop3A_704 = tpu.vector_load_idx %parallel_loop3A_703[%add3A_584, %parallel_loop3A_697] : memref<256x64xf32, #tpu.memory_space<vmem>>[vector<16xi32>, vector<16xi32>], vector<16xf32>,
        %parallel_loop3A_705 = arith.index_cast %parallel_loop3A_693 : i32 to index
        %parallel_loop3A_706 = arith.constant 16 : index
        %parallel_loop3A_707 = tpu.vector_load %arg7[%parallel_loop3A_705, %parallel_loop3A_706] {strides = array<i32>} : memref<32x512xf32, #tpu.memory_space<vmem>>, vector<16xf32>,
        tpu.vector_store %arg7[%parallel_loop3A_705, %parallel_loop3A_706], %parallel_loop3A_704 {strides = array<i32>} : memref<32x512xf32, #tpu.memory_space<vmem>>, vector<16xf32>,
        %parallel_loop3A_708 = tpu.memref_reshape %arg5 : memref<64x2x2x64xf32, #tpu.memory_space<vmem>> -> memref<256x64xf32, #tpu.memory_space<vmem>>
        %parallel_loop3A_709 = tpu.vector_load_idx %parallel_loop3A_708[%add3A_587, %parallel_loop3A_697] : memref<256x64xf32, #tpu.memory_space<vmem>>[vector<16xi32>, vector<16xi32>], vector<16xf32>,
        %parallel_loop3A_710 = arith.index_cast %parallel_loop3A_693 : i32 to index
        %parallel_loop3A_711 = arith.constant 32 : index
        %parallel_loop3A_712 = tpu.vector_load %arg7[%parallel_loop3A_710, %parallel_loop3A_711] {strides = array<i32>} : memref<32x512xf32, #tpu.memory_space<vmem>>, vector<16xf32>,
        tpu.vector_store %arg7[%parallel_loop3A_710, %parallel_loop3A_711], %parallel_loop3A_709 {strides = array<i32>} : memref<32x512xf32, #tpu.memory_space<vmem>>, vector<16xf32>,
        %parallel_loop3A_713 = tpu.memref_reshape %arg5 : memref<64x2x2x64xf32, #tpu.memory_space<vmem>> -> memref<256x64xf32, #tpu.memory_space<vmem>>
        %parallel_loop3A_714 = tpu.vector_load_idx %parallel_loop3A_713[%add3A_590, %parallel_loop3A_697] : memref<256x64xf32, #tpu.memory_space<vmem>>[vector<16xi32>, vector<16xi32>], vector<16xf32>,
        %parallel_loop3A_715 = arith.index_cast %parallel_loop3A_693 : i32 to index
        %parallel_loop3A_716 = arith.constant 48 : index
        %parallel_loop3A_717 = tpu.vector_load %arg7[%parallel_loop3A_715, %parallel_loop3A_716] {strides = array<i32>} : memref<32x512xf32, #tpu.memory_space<vmem>>, vector<16xf32>,
        tpu.vector_store %arg7[%parallel_loop3A_715, %parallel_loop3A_716], %parallel_loop3A_714 {strides = array<i32>} : memref<32x512xf32, #tpu.memory_space<vmem>>, vector<16xf32>,
        %parallel_loop3A_718 = tpu.memref_reshape %arg5 : memref<64x2x2x64xf32, #tpu.memory_space<vmem>> -> memref<256x64xf32, #tpu.memory_space<vmem>>
        %parallel_loop3A_719 = tpu.vector_load_idx %parallel_loop3A_718[%add3A_593, %parallel_loop3A_697] : memref<256x64xf32, #tpu.memory_space<vmem>>[vector<16xi32>, vector<16xi32>], vector<16xf32>,
        %parallel_loop3A_720 = arith.index_cast %parallel_loop3A_693 : i32 to index
        %parallel_loop3A_721 = arith.constant 64 : index
        %parallel_loop3A_722 = tpu.vector_load %arg7[%parallel_loop3A_720, %parallel_loop3A_721] {strides = array<i32>} : memref<32x512xf32, #tpu.memory_space<vmem>>, vector<16xf32>,
        tpu.vector_store %arg7[%parallel_loop3A_720, %parallel_loop3A_721], %parallel_loop3A_719 {strides = array<i32>} : memref<32x512xf32, #tpu.memory_space<vmem>>, vector<16xf32>,
        %parallel_loop3A_723 = tpu.memref_reshape %arg5 : memref<64x2x2x64xf32, #tpu.memory_space<vmem>> -> memref<256x64xf32, #tpu.memory_space<vmem>>
        %parallel_loop3A_724 = tpu.vector_load_idx %parallel_loop3A_723[%add3A_596, %parallel_loop3A_697] : memref<256x64xf32, #tpu.memory_space<vmem>>[vector<16xi32>, vector<16xi32>], vector<16xf32>,
        %parallel_loop3A_725 = arith.index_cast %parallel_loop3A_693 : i32 to index
        %parallel_loop3A_726 = arith.constant 80 : index
        %parallel_loop3A_727 = tpu.vector_load %arg7[%parallel_loop3A_725, %parallel_loop3A_726] {strides = array<i32>} : memref<32x512xf32, #tpu.memory_space<vmem>>, vector<16xf32>,
        tpu.vector_store %arg7[%parallel_loop3A_725, %parallel_loop3A_726], %parallel_loop3A_724 {strides = array<i32>} : memref<32x512xf32, #tpu.memory_space<vmem>>, vector<16xf32>,
        %parallel_loop3A_728 = tpu.memref_reshape %arg5 : memref<64x2x2x64xf32, #tpu.memory_space<vmem>> -> memref<256x64xf32, #tpu.memory_space<vmem>>
        %parallel_loop3A_729 = tpu.vector_load_idx %parallel_loop3A_728[%add3A_599, %parallel_loop3A_697] : memref<256x64xf32, #tpu.memory_space<vmem>>[vector<16xi32>, vector<16xi32>], vector<16xf32>,
        %parallel_loop3A_730 = arith.index_cast %parallel_loop3A_693 : i32 to index
        %parallel_loop3A_731 = arith.constant 96 : index
        %parallel_loop3A_732 = tpu.vector_load %arg7[%parallel_loop3A_730, %parallel_loop3A_731] {strides = array<i32>} : memref<32x512xf32, #tpu.memory_space<vmem>>, vector<16xf32>,
        tpu.vector_store %arg7[%parallel_loop3A_730, %parallel_loop3A_731], %parallel_loop3A_729 {strides = array<i32>} : memref<32x512xf32, #tpu.memory_space<vmem>>, vector<16xf32>,
        %parallel_loop3A_733 = tpu.memref_reshape %arg5 : memref<64x2x2x64xf32, #tpu.memory_space<vmem>> -> memref<256x64xf32, #tpu.memory_space<vmem>>
        %parallel_loop3A_734 = tpu.vector_load_idx %parallel_loop3A_733[%add3A_602, %parallel_loop3A_697] : memref<256x64xf32, #tpu.memory_space<vmem>>[vector<16xi32>, vector<16xi32>], vector<16xf32>,
        %parallel_loop3A_735 = arith.index_cast %parallel_loop3A_693 : i32 to index
        %parallel_loop3A_736 = arith.constant 112 : index
        %parallel_loop3A_737 = tpu.vector_load %arg7[%parallel_loop3A_735, %parallel_loop3A_736] {strides = array<i32>} : memref<32x512xf32, #tpu.memory_space<vmem>>, vector<16xf32>,
        tpu.vector_store %arg7[%parallel_loop3A_735, %parallel_loop3A_736], %parallel_loop3A_734 {strides = array<i32>} : memref<32x512xf32, #tpu.memory_space<vmem>>, vector<16xf32>,
        %parallel_loop3A_738 = tpu.memref_reshape %arg5 : memref<64x2x2x64xf32, #tpu.memory_space<vmem>> -> memref<256x64xf32, #tpu.memory_space<vmem>>
        %parallel_loop3A_739 = tpu.vector_load_idx %parallel_loop3A_738[%add3A_605, %parallel_loop3A_697] : memref<256x64xf32, #tpu.memory_space<vmem>>[vector<16xi32>, vector<16xi32>], vector<16xf32>,
        %parallel_loop3A_740 = arith.index_cast %parallel_loop3A_693 : i32 to index
        %parallel_loop3A_741 = arith.constant 128 : index
        %parallel_loop3A_742 = tpu.vector_load %arg7[%parallel_loop3A_740, %parallel_loop3A_741] {strides = array<i32>} : memref<32x512xf32, #tpu.memory_space<vmem>>, vector<16xf32>,
        tpu.vector_store %arg7[%parallel_loop3A_740, %parallel_loop3A_741], %parallel_loop3A_739 {strides = array<i32>} : memref<32x512xf32, #tpu.memory_space<vmem>>, vector<16xf32>,
        %parallel_loop3A_743 = tpu.memref_reshape %arg5 : memref<64x2x2x64xf32, #tpu.memory_space<vmem>> -> memref<256x64xf32, #tpu.memory_space<vmem>>
        %parallel_loop3A_744 = tpu.vector_load_idx %parallel_loop3A_743[%add3A_608, %parallel_loop3A_697] : memref<256x64xf32, #tpu.memory_space<vmem>>[vector<16xi32>, vector<16xi32>], vector<16xf32>,
        %parallel_loop3A_745 = arith.index_cast %parallel_loop3A_693 : i32 to index
        %parallel_loop3A_746 = arith.constant 144 : index
        %parallel_loop3A_747 = tpu.vector_load %arg7[%parallel_loop3A_745, %parallel_loop3A_746] {strides = array<i32>} : memref<32x512xf32, #tpu.memory_space<vmem>>, vector<16xf32>,
        tpu.vector_store %arg7[%parallel_loop3A_745, %parallel_loop3A_746], %parallel_loop3A_744 {strides = array<i32>} : memref<32x512xf32, #tpu.memory_space<vmem>>, vector<16xf32>,
        %parallel_loop3A_748 = tpu.memref_reshape %arg5 : memref<64x2x2x64xf32, #tpu.memory_space<vmem>> -> memref<256x64xf32, #tpu.memory_space<vmem>>
        %parallel_loop3A_749 = tpu.vector_load_idx %parallel_loop3A_748[%add3A_611, %parallel_loop3A_697] : memref<256x64xf32, #tpu.memory_space<vmem>>[vector<16xi32>, vector<16xi32>], vector<16xf32>,
        %parallel_loop3A_750 = arith.index_cast %parallel_loop3A_693 : i32 to index
        %parallel_loop3A_751 = arith.constant 160 : index
        %parallel_loop3A_752 = tpu.vector_load %arg7[%parallel_loop3A_750, %parallel_loop3A_751] {strides = array<i32>} : memref<32x512xf32, #tpu.memory_space<vmem>>, vector<16xf32>,
        tpu.vector_store %arg7[%parallel_loop3A_750, %parallel_loop3A_751], %parallel_loop3A_749 {strides = array<i32>} : memref<32x512xf32, #tpu.memory_space<vmem>>, vector<16xf32>,
        %parallel_loop3A_753 = tpu.memref_reshape %arg5 : memref<64x2x2x64xf32, #tpu.memory_space<vmem>> -> memref<256x64xf32, #tpu.memory_space<vmem>>
        %parallel_loop3A_754 = tpu.vector_load_idx %parallel_loop3A_753[%add3A_614, %parallel_loop3A_697] : memref<256x64xf32, #tpu.memory_space<vmem>>[vector<16xi32>, vector<16xi32>], vector<16xf32>,
        %parallel_loop3A_755 = arith.index_cast %parallel_loop3A_693 : i32 to index
        %parallel_loop3A_756 = arith.constant 176 : index
        %parallel_loop3A_757 = tpu.vector_load %arg7[%parallel_loop3A_755, %parallel_loop3A_756] {strides = array<i32>} : memref<32x512xf32, #tpu.memory_space<vmem>>, vector<16xf32>,
        tpu.vector_store %arg7[%parallel_loop3A_755, %parallel_loop3A_756], %parallel_loop3A_754 {strides = array<i32>} : memref<32x512xf32, #tpu.memory_space<vmem>>, vector<16xf32>,
        %parallel_loop3A_758 = tpu.memref_reshape %arg5 : memref<64x2x2x64xf32, #tpu.memory_space<vmem>> -> memref<256x64xf32, #tpu.memory_space<vmem>>
        %parallel_loop3A_759 = tpu.vector_load_idx %parallel_loop3A_758[%add3A_617, %parallel_loop3A_697] : memref<256x64xf32, #tpu.memory_space<vmem>>[vector<16xi32>, vector<16xi32>], vector<16xf32>,
        %parallel_loop3A_760 = arith.index_cast %parallel_loop3A_693 : i32 to index
        %parallel_loop3A_761 = arith.constant 192 : index
        %parallel_loop3A_762 = tpu.vector_load %arg7[%parallel_loop3A_760, %parallel_loop3A_761] {strides = array<i32>} : memref<32x512xf32, #tpu.memory_space<vmem>>, vector<16xf32>,
        tpu.vector_store %arg7[%parallel_loop3A_760, %parallel_loop3A_761], %parallel_loop3A_759 {strides = array<i32>} : memref<32x512xf32, #tpu.memory_space<vmem>>, vector<16xf32>,
        %parallel_loop3A_763 = tpu.memref_reshape %arg5 : memref<64x2x2x64xf32, #tpu.memory_space<vmem>> -> memref<256x64xf32, #tpu.memory_space<vmem>>
        %parallel_loop3A_764 = tpu.vector_load_idx %parallel_loop3A_763[%add3A_620, %parallel_loop3A_697] : memref<256x64xf32, #tpu.memory_space<vmem>>[vector<16xi32>, vector<16xi32>], vector<16xf32>,
        %parallel_loop3A_765 = arith.index_cast %parallel_loop3A_693 : i32 to index
        %parallel_loop3A_766 = arith.constant 208 : index
        %parallel_loop3A_767 = tpu.vector_load %arg7[%parallel_loop3A_765, %parallel_loop3A_766] {strides = array<i32>} : memref<32x512xf32, #tpu.memory_space<vmem>>, vector<16xf32>,
        tpu.vector_store %arg7[%parallel_loop3A_765, %parallel_loop3A_766], %parallel_loop3A_764 {strides = array<i32>} : memref<32x512xf32, #tpu.memory_space<vmem>>, vector<16xf32>,
        %parallel_loop3A_768 = tpu.memref_reshape %arg5 : memref<64x2x2x64xf32, #tpu.memory_space<vmem>> -> memref<256x64xf32, #tpu.memory_space<vmem>>
        %parallel_loop3A_769 = tpu.vector_load_idx %parallel_loop3A_768[%add3A_623, %parallel_loop3A_697] : memref<256x64xf32, #tpu.memory_space<vmem>>[vector<16xi32>, vector<16xi32>], vector<16xf32>,
        %parallel_loop3A_770 = arith.index_cast %parallel_loop3A_693 : i32 to index
        %parallel_loop3A_771 = arith.constant 224 : index
        %parallel_loop3A_772 = tpu.vector_load %arg7[%parallel_loop3A_770, %parallel_loop3A_771] {strides = array<i32>} : memref<32x512xf32, #tpu.memory_space<vmem>>, vector<16xf32>,
        tpu.vector_store %arg7[%parallel_loop3A_770, %parallel_loop3A_771], %parallel_loop3A_769 {strides = array<i32>} : memref<32x512xf32, #tpu.memory_space<vmem>>, vector<16xf32>,
        %parallel_loop3A_773 = tpu.memref_reshape %arg5 : memref<64x2x2x64xf32, #tpu.memory_space<vmem>> -> memref<256x64xf32, #tpu.memory_space<vmem>>
        %parallel_loop3A_774 = tpu.vector_load_idx %parallel_loop3A_773[%add3A_626, %parallel_loop3A_697] : memref<256x64xf32, #tpu.memory_space<vmem>>[vector<16xi32>, vector<16xi32>], vector<16xf32>,
        %parallel_loop3A_775 = arith.index_cast %parallel_loop3A_693 : i32 to index
        %parallel_loop3A_776 = arith.constant 240 : index
        %parallel_loop3A_777 = tpu.vector_load %arg7[%parallel_loop3A_775, %parallel_loop3A_776] {strides = array<i32>} : memref<32x512xf32, #tpu.memory_space<vmem>>, vector<16xf32>,
        tpu.vector_store %arg7[%parallel_loop3A_775, %parallel_loop3A_776], %parallel_loop3A_774 {strides = array<i32>} : memref<32x512xf32, #tpu.memory_space<vmem>>, vector<16xf32>,
        %parallel_loop3A_778 = tpu.memref_reshape %arg5 : memref<64x2x2x64xf32, #tpu.memory_space<vmem>> -> memref<256x64xf32, #tpu.memory_space<vmem>>
        %parallel_loop3A_779 = tpu.vector_load_idx %parallel_loop3A_778[%add3A_629, %parallel_loop3A_697] : memref<256x64xf32, #tpu.memory_space<vmem>>[vector<16xi32>, vector<16xi32>], vector<16xf32>,
        %parallel_loop3A_780 = arith.index_cast %parallel_loop3A_693 : i32 to index
        %parallel_loop3A_781 = arith.constant 256 : index
        %parallel_loop3A_782 = tpu.vector_load %arg7[%parallel_loop3A_780, %parallel_loop3A_781] {strides = array<i32>} : memref<32x512xf32, #tpu.memory_space<vmem>>, vector<16xf32>,
        tpu.vector_store %arg7[%parallel_loop3A_780, %parallel_loop3A_781], %parallel_loop3A_779 {strides = array<i32>} : memref<32x512xf32, #tpu.memory_space<vmem>>, vector<16xf32>,
        %parallel_loop3A_783 = tpu.memref_reshape %arg5 : memref<64x2x2x64xf32, #tpu.memory_space<vmem>> -> memref<256x64xf32, #tpu.memory_space<vmem>>
        %parallel_loop3A_784 = tpu.vector_load_idx %parallel_loop3A_783[%add3A_632, %parallel_loop3A_697] : memref<256x64xf32, #tpu.memory_space<vmem>>[vector<16xi32>, vector<16xi32>], vector<16xf32>,
        %parallel_loop3A_785 = arith.index_cast %parallel_loop3A_693 : i32 to index
        %parallel_loop3A_786 = arith.constant 272 : index
        %parallel_loop3A_787 = tpu.vector_load %arg7[%parallel_loop3A_785, %parallel_loop3A_786] {strides = array<i32>} : memref<32x512xf32, #tpu.memory_space<vmem>>, vector<16xf32>,
        tpu.vector_store %arg7[%parallel_loop3A_785, %parallel_loop3A_786], %parallel_loop3A_784 {strides = array<i32>} : memref<32x512xf32, #tpu.memory_space<vmem>>, vector<16xf32>,
        %parallel_loop3A_788 = tpu.memref_reshape %arg5 : memref<64x2x2x64xf32, #tpu.memory_space<vmem>> -> memref<256x64xf32, #tpu.memory_space<vmem>>
        %parallel_loop3A_789 = tpu.vector_load_idx %parallel_loop3A_788[%add3A_635, %parallel_loop3A_697] : memref<256x64xf32, #tpu.memory_space<vmem>>[vector<16xi32>, vector<16xi32>], vector<16xf32>,
        %parallel_loop3A_790 = arith.index_cast %parallel_loop3A_693 : i32 to index
        %parallel_loop3A_791 = arith.constant 288 : index
        %parallel_loop3A_792 = tpu.vector_load %arg7[%parallel_loop3A_790, %parallel_loop3A_791] {strides = array<i32>} : memref<32x512xf32, #tpu.memory_space<vmem>>, vector<16xf32>,
        tpu.vector_store %arg7[%parallel_loop3A_790, %parallel_loop3A_791], %parallel_loop3A_789 {strides = array<i32>} : memref<32x512xf32, #tpu.memory_space<vmem>>, vector<16xf32>,
        %parallel_loop3A_793 = tpu.memref_reshape %arg5 : memref<64x2x2x64xf32, #tpu.memory_space<vmem>> -> memref<256x64xf32, #tpu.memory_space<vmem>>
        %parallel_loop3A_794 = tpu.vector_load_idx %parallel_loop3A_793[%add3A_638, %parallel_loop3A_697] : memref<256x64xf32, #tpu.memory_space<vmem>>[vector<16xi32>, vector<16xi32>], vector<16xf32>,
        %parallel_loop3A_795 = arith.index_cast %parallel_loop3A_693 : i32 to index
        %parallel_loop3A_796 = arith.constant 304 : index
        %parallel_loop3A_797 = tpu.vector_load %arg7[%parallel_loop3A_795, %parallel_loop3A_796] {strides = array<i32>} : memref<32x512xf32, #tpu.memory_space<vmem>>, vector<16xf32>,
        tpu.vector_store %arg7[%parallel_loop3A_795, %parallel_loop3A_796], %parallel_loop3A_794 {strides = array<i32>} : memref<32x512xf32, #tpu.memory_space<vmem>>, vector<16xf32>,
        %parallel_loop3A_798 = tpu.memref_reshape %arg5 : memref<64x2x2x64xf32, #tpu.memory_space<vmem>> -> memref<256x64xf32, #tpu.memory_space<vmem>>
        %parallel_loop3A_799 = tpu.vector_load_idx %parallel_loop3A_798[%add3A_641, %parallel_loop3A_697] : memref<256x64xf32, #tpu.memory_space<vmem>>[vector<16xi32>, vector<16xi32>], vector<16xf32>,
        %parallel_loop3A_800 = arith.index_cast %parallel_loop3A_693 : i32 to index
        %parallel_loop3A_801 = arith.constant 320 : index
        %parallel_loop3A_802 = tpu.vector_load %arg7[%parallel_loop3A_800, %parallel_loop3A_801] {strides = array<i32>} : memref<32x512xf32, #tpu.memory_space<vmem>>, vector<16xf32>,
        tpu.vector_store %arg7[%parallel_loop3A_800, %parallel_loop3A_801], %parallel_loop3A_799 {strides = array<i32>} : memref<32x512xf32, #tpu.memory_space<vmem>>, vector<16xf32>,
        %parallel_loop3A_803 = tpu.memref_reshape %arg5 : memref<64x2x2x64xf32, #tpu.memory_space<vmem>> -> memref<256x64xf32, #tpu.memory_space<vmem>>
        %parallel_loop3A_804 = tpu.vector_load_idx %parallel_loop3A_803[%add3A_644, %parallel_loop3A_697] : memref<256x64xf32, #tpu.memory_space<vmem>>[vector<16xi32>, vector<16xi32>], vector<16xf32>,
        %parallel_loop3A_805 = arith.index_cast %parallel_loop3A_693 : i32 to index
        %parallel_loop3A_806 = arith.constant 336 : index
        %parallel_loop3A_807 = tpu.vector_load %arg7[%parallel_loop3A_805, %parallel_loop3A_806] {strides = array<i32>} : memref<32x512xf32, #tpu.memory_space<vmem>>, vector<16xf32>,
        tpu.vector_store %arg7[%parallel_loop3A_805, %parallel_loop3A_806], %parallel_loop3A_804 {strides = array<i32>} : memref<32x512xf32, #tpu.memory_space<vmem>>, vector<16xf32>,
        %parallel_loop3A_808 = tpu.memref_reshape %arg5 : memref<64x2x2x64xf32, #tpu.memory_space<vmem>> -> memref<256x64xf32, #tpu.memory_space<vmem>>
        %parallel_loop3A_809 = tpu.vector_load_idx %parallel_loop3A_808[%add3A_647, %parallel_loop3A_697] : memref<256x64xf32, #tpu.memory_space<vmem>>[vector<16xi32>, vector<16xi32>], vector<16xf32>,
        %parallel_loop3A_810 = arith.index_cast %parallel_loop3A_693 : i32 to index
        %parallel_loop3A_811 = arith.constant 352 : index
        %parallel_loop3A_812 = tpu.vector_load %arg7[%parallel_loop3A_810, %parallel_loop3A_811] {strides = array<i32>} : memref<32x512xf32, #tpu.memory_space<vmem>>, vector<16xf32>,
        tpu.vector_store %arg7[%parallel_loop3A_810, %parallel_loop3A_811], %parallel_loop3A_809 {strides = array<i32>} : memref<32x512xf32, #tpu.memory_space<vmem>>, vector<16xf32>,
        %parallel_loop3A_813 = tpu.memref_reshape %arg5 : memref<64x2x2x64xf32, #tpu.memory_space<vmem>> -> memref<256x64xf32, #tpu.memory_space<vmem>>
        %parallel_loop3A_814 = tpu.vector_load_idx %parallel_loop3A_813[%add3A_650, %parallel_loop3A_697] : memref<256x64xf32, #tpu.memory_space<vmem>>[vector<16xi32>, vector<16xi32>], vector<16xf32>,
        %parallel_loop3A_815 = arith.index_cast %parallel_loop3A_693 : i32 to index
        %parallel_loop3A_816 = arith.constant 368 : index
        %parallel_loop3A_817 = tpu.vector_load %arg7[%parallel_loop3A_815, %parallel_loop3A_816] {strides = array<i32>} : memref<32x512xf32, #tpu.memory_space<vmem>>, vector<16xf32>,
        tpu.vector_store %arg7[%parallel_loop3A_815, %parallel_loop3A_816], %parallel_loop3A_814 {strides = array<i32>} : memref<32x512xf32, #tpu.memory_space<vmem>>, vector<16xf32>,
        %parallel_loop3A_818 = tpu.memref_reshape %arg5 : memref<64x2x2x64xf32, #tpu.memory_space<vmem>> -> memref<256x64xf32, #tpu.memory_space<vmem>>
        %parallel_loop3A_819 = tpu.vector_load_idx %parallel_loop3A_818[%add3A_653, %parallel_loop3A_697] : memref<256x64xf32, #tpu.memory_space<vmem>>[vector<16xi32>, vector<16xi32>], vector<16xf32>,
        %parallel_loop3A_820 = arith.index_cast %parallel_loop3A_693 : i32 to index
        %parallel_loop3A_821 = arith.constant 384 : index
        %parallel_loop3A_822 = tpu.vector_load %arg7[%parallel_loop3A_820, %parallel_loop3A_821] {strides = array<i32>} : memref<32x512xf32, #tpu.memory_space<vmem>>, vector<16xf32>,
        tpu.vector_store %arg7[%parallel_loop3A_820, %parallel_loop3A_821], %parallel_loop3A_819 {strides = array<i32>} : memref<32x512xf32, #tpu.memory_space<vmem>>, vector<16xf32>,
        %parallel_loop3A_823 = tpu.memref_reshape %arg5 : memref<64x2x2x64xf32, #tpu.memory_space<vmem>> -> memref<256x64xf32, #tpu.memory_space<vmem>>
        %parallel_loop3A_824 = tpu.vector_load_idx %parallel_loop3A_823[%add3A_656, %parallel_loop3A_697] : memref<256x64xf32, #tpu.memory_space<vmem>>[vector<16xi32>, vector<16xi32>], vector<16xf32>,
        %parallel_loop3A_825 = arith.index_cast %parallel_loop3A_693 : i32 to index
        %parallel_loop3A_826 = arith.constant 400 : index
        %parallel_loop3A_827 = tpu.vector_load %arg7[%parallel_loop3A_825, %parallel_loop3A_826] {strides = array<i32>} : memref<32x512xf32, #tpu.memory_space<vmem>>, vector<16xf32>,
        tpu.vector_store %arg7[%parallel_loop3A_825, %parallel_loop3A_826], %parallel_loop3A_824 {strides = array<i32>} : memref<32x512xf32, #tpu.memory_space<vmem>>, vector<16xf32>,
        %parallel_loop3A_828 = tpu.memref_reshape %arg5 : memref<64x2x2x64xf32, #tpu.memory_space<vmem>> -> memref<256x64xf32, #tpu.memory_space<vmem>>
        %parallel_loop3A_829 = tpu.vector_load_idx %parallel_loop3A_828[%add3A_659, %parallel_loop3A_697] : memref<256x64xf32, #tpu.memory_space<vmem>>[vector<16xi32>, vector<16xi32>], vector<16xf32>,
        %parallel_loop3A_830 = arith.index_cast %parallel_loop3A_693 : i32 to index
        %parallel_loop3A_831 = arith.constant 416 : index
        %parallel_loop3A_832 = tpu.vector_load %arg7[%parallel_loop3A_830, %parallel_loop3A_831] {strides = array<i32>} : memref<32x512xf32, #tpu.memory_space<vmem>>, vector<16xf32>,
        tpu.vector_store %arg7[%parallel_loop3A_830, %parallel_loop3A_831], %parallel_loop3A_829 {strides = array<i32>} : memref<32x512xf32, #tpu.memory_space<vmem>>, vector<16xf32>,
        %parallel_loop3A_833 = tpu.memref_reshape %arg5 : memref<64x2x2x64xf32, #tpu.memory_space<vmem>> -> memref<256x64xf32, #tpu.memory_space<vmem>>
        %parallel_loop3A_834 = tpu.vector_load_idx %parallel_loop3A_833[%add3A_662, %parallel_loop3A_697] : memref<256x64xf32, #tpu.memory_space<vmem>>[vector<16xi32>, vector<16xi32>], vector<16xf32>,
        %parallel_loop3A_835 = arith.index_cast %parallel_loop3A_693 : i32 to index
        %parallel_loop3A_836 = arith.constant 432 : index
        %parallel_loop3A_837 = tpu.vector_load %arg7[%parallel_loop3A_835, %parallel_loop3A_836] {strides = array<i32>} : memref<32x512xf32, #tpu.memory_space<vmem>>, vector<16xf32>,
        tpu.vector_store %arg7[%parallel_loop3A_835, %parallel_loop3A_836], %parallel_loop3A_834 {strides = array<i32>} : memref<32x512xf32, #tpu.memory_space<vmem>>, vector<16xf32>,
        %parallel_loop3A_838 = tpu.memref_reshape %arg5 : memref<64x2x2x64xf32, #tpu.memory_space<vmem>> -> memref<256x64xf32, #tpu.memory_space<vmem>>
        %parallel_loop3A_839 = tpu.vector_load_idx %parallel_loop3A_838[%add3A_665, %parallel_loop3A_697] : memref<256x64xf32, #tpu.memory_space<vmem>>[vector<16xi32>, vector<16xi32>], vector<16xf32>,
        %parallel_loop3A_840 = arith.index_cast %parallel_loop3A_693 : i32 to index
        %parallel_loop3A_841 = arith.constant 448 : index
        %parallel_loop3A_842 = tpu.vector_load %arg7[%parallel_loop3A_840, %parallel_loop3A_841] {strides = array<i32>} : memref<32x512xf32, #tpu.memory_space<vmem>>, vector<16xf32>,
        tpu.vector_store %arg7[%parallel_loop3A_840, %parallel_loop3A_841], %parallel_loop3A_839 {strides = array<i32>} : memref<32x512xf32, #tpu.memory_space<vmem>>, vector<16xf32>,
        %parallel_loop3A_843 = tpu.memref_reshape %arg5 : memref<64x2x2x64xf32, #tpu.memory_space<vmem>> -> memref<256x64xf32, #tpu.memory_space<vmem>>
        %parallel_loop3A_844 = tpu.vector_load_idx %parallel_loop3A_843[%add3A_668, %parallel_loop3A_697] : memref<256x64xf32, #tpu.memory_space<vmem>>[vector<16xi32>, vector<16xi32>], vector<16xf32>,
        %parallel_loop3A_845 = arith.index_cast %parallel_loop3A_693 : i32 to index
        %parallel_loop3A_846 = arith.constant 464 : index
        %parallel_loop3A_847 = tpu.vector_load %arg7[%parallel_loop3A_845, %parallel_loop3A_846] {strides = array<i32>} : memref<32x512xf32, #tpu.memory_space<vmem>>, vector<16xf32>,
        tpu.vector_store %arg7[%parallel_loop3A_845, %parallel_loop3A_846], %parallel_loop3A_844 {strides = array<i32>} : memref<32x512xf32, #tpu.memory_space<vmem>>, vector<16xf32>,
        %parallel_loop3A_848 = tpu.memref_reshape %arg5 : memref<64x2x2x64xf32, #tpu.memory_space<vmem>> -> memref<256x64xf32, #tpu.memory_space<vmem>>
        %parallel_loop3A_849 = tpu.vector_load_idx %parallel_loop3A_848[%add3A_671, %parallel_loop3A_697] : memref<256x64xf32, #tpu.memory_space<vmem>>[vector<16xi32>, vector<16xi32>], vector<16xf32>,
        %parallel_loop3A_850 = arith.index_cast %parallel_loop3A_693 : i32 to index
        %parallel_loop3A_851 = arith.constant 480 : index
        %parallel_loop3A_852 = tpu.vector_load %arg7[%parallel_loop3A_850, %parallel_loop3A_851] {strides = array<i32>} : memref<32x512xf32, #tpu.memory_space<vmem>>, vector<16xf32>,
        tpu.vector_store %arg7[%parallel_loop3A_850, %parallel_loop3A_851], %parallel_loop3A_849 {strides = array<i32>} : memref<32x512xf32, #tpu.memory_space<vmem>>, vector<16xf32>,
        %parallel_loop3A_853 = tpu.memref_reshape %arg5 : memref<64x2x2x64xf32, #tpu.memory_space<vmem>> -> memref<256x64xf32, #tpu.memory_space<vmem>>
        %parallel_loop3A_854 = tpu.vector_load_idx %parallel_loop3A_853[%add3A_674, %parallel_loop3A_697] : memref<256x64xf32, #tpu.memory_space<vmem>>[vector<16xi32>, vector<16xi32>], vector<16xf32>,
        %parallel_loop3A_855 = arith.index_cast %parallel_loop3A_693 : i32 to index
        %parallel_loop3A_856 = arith.constant 496 : index
        %parallel_loop3A_857 = tpu.vector_load %arg7[%parallel_loop3A_855, %parallel_loop3A_856] {strides = array<i32>} : memref<32x512xf32, #tpu.memory_space<vmem>>, vector<16xf32>,
        tpu.vector_store %arg7[%parallel_loop3A_855, %parallel_loop3A_856], %parallel_loop3A_854 {strides = array<i32>} : memref<32x512xf32, #tpu.memory_space<vmem>>, vector<16xf32>,
      } {sc.loop_unroll_factor = 8 : i64, sc.parallel_access}
      %dma_start3A_678 = arith.constant 0 : i32
      %dma_start3A_679 = arith.constant 0 : i32
      %dma_start3A_680 = tpu.memref_slice %arg3[%div3A_389, %rem3A_393, %rem3A_395, %dma_start3A_678, %dma_start3A_679] : memref<2x32x32x32x512xf32, #tpu.memory_space<hbm>> -> memref<1x1x1x32x512xf32, #tpu.memory_space<hbm>>
      %dma_start3A_681 = tpu.memref_squeeze %dma_start3A_680 : memref<1x1x1x32x512xf32, #tpu.memory_space<hbm>> -> memref<32x512xf32, #tpu.memory_space<hbm>>
      %dma_start3A_682 = arith.constant 0 : i32
      %dma_start3A_683 = arith.constant 0 : i32
      %dma_start3A_684 = tpu.memref_slice %arg3[%div3A_389, %rem3A_393, %rem3A_395, %dma_start3A_682, %dma_start3A_683] : memref<2x32x32x32x512xf32, #tpu.memory_space<hbm>> -> memref<1x1x1x32x512xf32, #tpu.memory_space<hbm>>
      %dma_start3A_685 = tpu.memref_squeeze %dma_start3A_684 : memref<1x1x1x32x512xf32, #tpu.memory_space<hbm>> -> memref<32x512xf32, #tpu.memory_space<hbm>>
      tpu.enqueue_dma source(%arg7 : memref<32x512xf32, #tpu.memory_space<vmem>>) target(%dma_start3A_685 : memref<32x512xf32, #tpu.memory_space<hbm>>) target_semaphore(%arg11 : memref<!tpu.dma_semaphore, #tpu.memory_space<semaphore_mem>>)
      %add3A_686 = arith.constant 2 : i32
      %add3A_687 = arith.addi %add3A_382, %add3A_686 : i32
      %lt3A_688 = arith.constant 64 : i32
      %lt3A_689 = arith.cmpi slt, %add3A_687, %lt3A_688 : i32
      %convert_element_type3A_690 = arith.extui %lt3A_689 : i1 to i32
      %cond3A_691 = arith.constant 0 : i32
      %cond3A_692 = arith.cmpi ne, %convert_element_type3A_690, %cond3A_691 : i32
      scf.if %cond3A_692 {
        %mul3A_693 = arith.constant 64 : i32
        %mul3A_694 = arith.muli %add3A, %mul3A_693 : i32
        %add3A_695 = arith.addi %mul3A_694, %add3A_687 : i32
        %div3A_696 = arith.constant 1024 : i32
        %div3A_697 = arith.divsi %add3A_695, %div3A_696 : i32
        %div3A_698 = arith.constant 32 : i32
        %div3A_699 = arith.divsi %add3A_695, %div3A_698 : i32
        %rem3A_700 = arith.constant 32 : i32
        %rem3A_701 = arith.remsi %div3A_699, %rem3A_700 : i32
        %rem3A_702 = arith.constant 32 : i32
        %rem3A_703 = arith.remsi %add3A_695, %rem3A_702 : i32
        %mul3A_704 = arith.constant 2 : i32
        %mul3A_705 = arith.muli %mul3A_704, %rem3A_701 : i32
        %mul3A_706 = arith.constant 2 : i32
        %mul3A_707 = arith.muli %mul3A_706, %rem3A_703 : i32
        %dma_start3A_708 = arith.constant 0 : i32
        %dma_start3A_709 = arith.constant 0 : i32
        %dma_start3A_710 = tpu.memref_slice %arg2[%div3A_697, %dma_start3A_708, %mul3A_705, %mul3A_707, %dma_start3A_709] : memref<2x64x64x64x64xf32, #tpu.memory_space<hbm>> -> memref<1x64x2x2x64xf32, #tpu.memory_space<hbm>>
        %dma_start3A_711 = tpu.memref_squeeze %dma_start3A_710 : memref<1x64x2x2x64xf32, #tpu.memory_space<hbm>> -> memref<64x2x2x64xf32, #tpu.memory_space<hbm>>
        %dma_start3A_712 = arith.constant 0 : i32
        %dma_start3A_713 = arith.constant 0 : i32
        %dma_start3A_714 = tpu.memref_slice %arg2[%div3A_697, %dma_start3A_712, %mul3A_705, %mul3A_707, %dma_start3A_713] : memref<2x64x64x64x64xf32, #tpu.memory_space<hbm>> -> memref<1x64x2x2x64xf32, #tpu.memory_space<hbm>>
        %dma_start3A_715 = tpu.memref_squeeze %dma_start3A_714 : memref<1x64x2x2x64xf32, #tpu.memory_space<hbm>> -> memref<64x2x2x64xf32, #tpu.memory_space<hbm>>
        tpu.enqueue_dma source(%dma_start3A_715 : memref<64x2x2x64xf32, #tpu.memory_space<hbm>>) target(%arg5 : memref<64x2x2x64xf32, #tpu.memory_space<vmem>>) target_semaphore(%arg9 : memref<!tpu.dma_semaphore, #tpu.memory_space<semaphore_mem>>)
      } else {
      }
    }
    %scan3A_45 = arith.constant 32 : i32
    %mul3A_46 = arith.constant 64 : i32
    %mul3A_47 = arith.muli %add3A, %mul3A_46 : i32
    %add3A_48 = arith.constant 62 : i32
    %add3A_49 = arith.addi %mul3A_47, %add3A_48 : i32
    %div3A_50 = arith.constant 1024 : i32
    %div3A_51 = arith.divsi %add3A_49, %div3A_50 : i32
    %div3A_52 = arith.constant 32 : i32
    %div3A_53 = arith.divsi %add3A_49, %div3A_52 : i32
    %rem3A_54 = arith.constant 32 : i32
    %rem3A_55 = arith.remsi %div3A_53, %rem3A_54 : i32
    %rem3A_56 = arith.constant 32 : i32
    %rem3A_57 = arith.remsi %add3A_49, %rem3A_56 : i32
    %dma_wait3A = arith.constant 0 : i32
    %dma_wait3A_58 = arith.constant 0 : i32
    %dma_wait3A_59 = tpu.memref_slice %arg3[%div3A_51, %rem3A_55, %rem3A_57, %dma_wait3A, %dma_wait3A_58] : memref<2x32x32x32x512xf32, #tpu.memory_space<hbm>> -> memref<1x1x1x32x512xf32, #tpu.memory_space<hbm>>
    %dma_wait3A_60 = tpu.memref_squeeze %dma_wait3A_59 : memref<1x1x1x32x512xf32, #tpu.memory_space<hbm>> -> memref<32x512xf32, #tpu.memory_space<hbm>>
    %dma_wait3A_61 = arith.constant 0 : i32
    %dma_wait3A_62 = arith.constant 0 : i32
    %dma_wait3A_63 = tpu.memref_slice %arg3[%div3A_51, %rem3A_55, %rem3A_57, %dma_wait3A_61, %dma_wait3A_62] : memref<2x32x32x32x512xf32, #tpu.memory_space<hbm>> -> memref<1x1x1x32x512xf32, #tpu.memory_space<hbm>>
    %dma_wait3A_64 = tpu.memref_squeeze %dma_wait3A_63 : memref<1x1x1x32x512xf32, #tpu.memory_space<hbm>> -> memref<32x512xf32, #tpu.memory_space<hbm>>
    tpu.wait_dma2 semaphore(%arg10 : memref<!tpu.dma_semaphore, #tpu.memory_space<semaphore_mem>>) src(%arg6 : memref<32x512xf32, #tpu.memory_space<vmem>>) dst(%dma_wait3A_64 : memref<32x512xf32, #tpu.memory_space<hbm>>)
    %add3A_65 = arith.constant 1 : i32
    %add3A_66 = arith.addi %add3A_49, %add3A_65 : i32
    %rem3A_67 = arith.constant 32 : i32
    %rem3A_68 = arith.remsi %add3A_66, %rem3A_67 : i32
    %dma_wait3A_69 = arith.constant 0 : i32
    %dma_wait3A_70 = arith.constant 0 : i32
    %dma_wait3A_71 = tpu.memref_slice %arg3[%div3A_51, %rem3A_55, %rem3A_68, %dma_wait3A_69, %dma_wait3A_70] : memref<2x32x32x32x512xf32, #tpu.memory_space<hbm>> -> memref<1x1x1x32x512xf32, #tpu.memory_space<hbm>>
    %dma_wait3A_72 = tpu.memref_squeeze %dma_wait3A_71 : memref<1x1x1x32x512xf32, #tpu.memory_space<hbm>> -> memref<32x512xf32, #tpu.memory_space<hbm>>
    %dma_wait3A_73 = arith.constant 0 : i32
    %dma_wait3A_74 = arith.constant 0 : i32
    %dma_wait3A_75 = tpu.memref_slice %arg3[%div3A_51, %rem3A_55, %rem3A_68, %dma_wait3A_73, %dma_wait3A_74] : memref<2x32x32x32x512xf32, #tpu.memory_space<hbm>> -> memref<1x1x1x32x512xf32, #tpu.memory_space<hbm>>
    %dma_wait3A_76 = tpu.memref_squeeze %dma_wait3A_75 : memref<1x1x1x32x512xf32, #tpu.memory_space<hbm>> -> memref<32x512xf32, #tpu.memory_space<hbm>>
    tpu.wait_dma2 semaphore(%arg11 : memref<!tpu.dma_semaphore, #tpu.memory_space<semaphore_mem>>) src(%arg7 : memref<32x512xf32, #tpu.memory_space<vmem>>) dst(%dma_wait3A_76 : memref<32x512xf32, #tpu.memory_space<hbm>>)
    return
  }
}

</mosaic_0001>

<sc_bundles>
// kernel: kernel.3.cloned.1.call-start
scs
__scs_entry_jumppad:
0x0: {  	(pc) =	sbr.rel $0x88, $3  }
0x1: {  	(tag) =	ssettag $0x0;
	lr =	simm.s32 $0x1  }
0x2: {  	[smem:$0x3FA0] =	sst lr;
	_ =	strace $0xD0000000  }
0x3: {  	_ = 	snop  }
0x4: {  	_ = 	snop  }
0x5: {  	_ = 	snop  }
0x6: {  	_ = 	snop  }
0x7: {  	_ = 	snop  }
__scs_overlays_trampoline_lowered:
0x8: {  	[smem:$0x3FAF] =	sst s0  }
0x9: {  	[smem:$0x3FB0] =	sst s1  }
0xa: {  	[smem:$0x3FB1] =	sst s2  }
0xb: {  	[smem:$0x3FB2] =	sst s3  }
0xc: {  	[smem:$0x3FB3] =	sst s4  }
0xd: {  	[smem:$0x3FB4] =	sst s5  }
0xe: {  	[smem:$0x3FB5] =	sst s6  }
0xf: {  	[smem:$0x3FB6] =	sst s7  }
0x10: {  	[smem:$0x3FB7] =	sst s8  }
0x11: {  	[smem:$0x3FB8] =	sst s9;
	s0 =	simm.s32 @!p0 $0x0  }
0x12: {  	s1 =	sld [smem:$0x3F9E];
	s0 =	simm.s32 @p0 $0x1  }
0x13: {  	[smem:$0x3FB9] =	sst s0;
	s0 =	simm.s32 @!p1 $0x0  }
0x14: {  	s2 =	sld [smem:$0x3F9D];
	s0 =	simm.s32 @p1 $0x1  }
0x15: {  	[smem:$0x3FBA] =	sst s0;
	s0 =	simm.s32 @!p2 $0x0  }
0x16: {  	s3 =	sld [smem:$0x3FDB];
	s0 =	simm.s32 @p2 $0x1  }
0x17: {  	s4 =	simm.s32 $0x1BF5;
	[smem:$0x3FBC] =	sst s0  }
0x18: {  	s0 =	sld [smem:$0x3F9F];
	_ =	swait.ge [sflag:s4], $0x0  }
0x19: {  	s7 =	sld [smem:$0x3FA0]  }
0x1a: {  	s8 =	sadd.s32 $0xFFFFE003, lr  }
0x1b: {  	s9 =	sadd.s32 $0xFFFFFEF7, lr;
	s5 =	simm.s32 $0xFFFFFFFF;
	p2 =	slt.u32 s8, $0xFFFFF086  }
0x1c: {  	p1 =	slt.u32 s9, $0xF7A;
	s5 =	simm.s32 @!p2 $0x0  }
0x1d: {  	s5 =	simm.s32 @p1 $0x1;
	p0 =	seq.s32 s7, s2  }
0x1e: {  	s7 =	smul.u32 @!p0 $0xF7A, s2;
	p2 =	seq.s32 @!p0 s5, $0x0  }
0x1f: {  	s9 =	smul.u32 $0xF7A, s1;
	s8 =	simm.s32 @!p0 $0x1BF5;
	p2 =	por !p2, p0  }
0x20: {  	[sflag:s8] =	ssyncset.s32 @!p0 $0xFFFFF086;
	s6 =	sadd.s32 @!p0 s3, s7;
	s7 =	simm.s32 @!p0 $0x108  }
0x21: {  	s3 =	sadd.s32 s3, s9;
	s6 =	sadd.s32 @!p0 $0x88, s6;
	s7 =	simm.s32 @p2 $0x1082  }
0x22: {  	[simem:s7], [sflag:s8] =	dma.local @!p0 [hbm:s6], $0xF7A  }
0x23: {  	s9 =	sor.u32 $0xD0000000, s2;
	s6 =	simm.s32 $0x108;
	_ =	swait.ge @!p0 [sflag:s8], $0x0  }
0x24: {  	s3 =	sadd.s32 $0x88, s3;
	s6 =	simm.s32 @!p1 $0x1082;
	[sflag:s4] =	ssyncset.s32 $0xFFFFF086  }
0x25: {  	[simem:s6], [sflag:s4] =	dma.local [hbm:s3], $0xF7A  }
0x26: {  	[smem:$0x3FA0] =	sst s1;
	(tag) =	ssettag s2;
	_ =	strace s9  }
0x27: {  	s1 =	sld [smem:$0x3FB0]  }
0x28: {  	s2 =	sld [smem:$0x3FB1]  }
0x29: {  	s4 =	sld [smem:$0x3FB3]  }
0x2a: {  	p0 =	seq.s32 s5, $0x0;
	s5 =	sld [smem:$0x3FB4]  }
0x2b: {  	s6 =	sld [smem:$0x3FB5]  }
0x2c: {  	s7 =	sld [smem:$0x3FB6]  }
0x2d: {  	s3 =	simm.s32 $0x108;
	s8 =	sld [smem:$0x3FB7]  }
0x2e: {  	s3 =	simm.s32 @!p0 $0x1082;
	s9 =	sld [smem:$0x3FB8]  }
0x2f: {  	lr =	sadd.s32 s0, s3;
	s0 =	sld [smem:$0x3FAF]  }
0x30: {  	s3 =	sld [smem:$0x3FB2]  }
0x31: {  	[smem:$0x3FBB] =	sst s10  }
0x32: {  	s10 =	sld [smem:$0x3FB9];
	_ =	sdelay $0x3  }
0x33: {  	p0 =	seq.s32 s10, $0x1;
	s10 =	sld [smem:$0x3FBB];
	_ =	sdelay $0x3  }
0x34: {  	[smem:$0x3FBB] =	sst s10  }
0x35: {  	s10 =	sld [smem:$0x3FBA];
	_ =	sdelay $0x3  }
0x36: {  	p1 =	seq.s32 s10, $0x1;
	s10 =	sld [smem:$0x3FBB];
	_ =	sdelay $0x3  }
0x37: {  	[smem:$0x3FBB] =	sst s10  }
0x38: {  	s10 =	sld [smem:$0x3FBC]  }
0x39: {  	_ = 	snop;
	(pc) =	sbr.ind lr, $3  }
0x3a: {  	_ = 	snop  }
0x3b: {  	_ = 	snop  }
0x3c: {  	p2 =	seq.s32 s10, $0x1;
	s10 =	sld [smem:$0x3FBB]  }
0x3d: {  	_ =	shalt  }
0x3e: {  	_ =	shalt  }
0x3f: {  	_ =	shalt  }
0x40: {  	_ =	shalt  }
0x41: {  	_ =	shalt  }
0x42: {  	_ =	shalt  }
0x43: {  	_ =	shalt  }
0x44: {  	_ =	shalt  }
0x45: {  	_ =	shalt  }
0x46: {  	_ =	shalt  }
0x47: {  	_ =	shalt  }
0x48: {  	_ =	shalt  }
0x49: {  	_ =	shalt  }
0x4a: {  	_ =	shalt  }
0x4b: {  	_ =	shalt  }
0x4c: {  	_ =	shalt  }
0x4d: {  	_ =	shalt  }
0x4e: {  	_ =	shalt  }
0x4f: {  	_ =	shalt  }
0x50: {  	_ =	shalt  }
0x51: {  	_ =	shalt  }
0x52: {  	_ =	shalt  }
0x53: {  	_ =	shalt  }
0x54: {  	_ =	shalt  }
0x55: {  	_ =	shalt  }
0x56: {  	_ =	shalt  }
0x57: {  	_ =	shalt  }
0x58: {  	_ =	shalt  }
0x59: {  	_ =	shalt  }
0x5a: {  	_ =	shalt  }
0x5b: {  	_ =	shalt  }
0x5c: {  	_ =	shalt  }
0x5d: {  	_ =	shalt  }
0x5e: {  	_ =	shalt  }
0x5f: {  	_ =	shalt  }
0x60: {  	_ =	shalt  }
0x61: {  	_ =	shalt  }
0x62: {  	_ =	shalt  }
0x63: {  	_ =	shalt  }
0x64: {  	_ =	shalt  }
0x65: {  	_ =	shalt  }
0x66: {  	_ =	shalt  }
0x67: {  	_ =	shalt  }
0x68: {  	_ =	shalt  }
0x69: {  	_ =	shalt  }
0x6a: {  	_ =	shalt  }
0x6b: {  	_ =	shalt  }
0x6c: {  	_ =	shalt  }
0x6d: {  	_ =	shalt  }
0x6e: {  	_ =	shalt  }
0x6f: {  	_ =	shalt  }
0x70: {  	_ =	shalt  }
0x71: {  	_ =	shalt  }
0x72: {  	_ =	shalt  }
0x73: {  	_ =	shalt  }
0x74: {  	_ =	shalt  }
0x75: {  	_ =	shalt  }
0x76: {  	_ =	shalt  }
0x77: {  	_ =	shalt  }
0x78: {  	_ =	shalt  }
0x79: {  	_ =	shalt  }
0x7a: {  	_ =	shalt  }
0x7b: {  	_ =	shalt  }
0x7c: {  	_ =	shalt  }
0x7d: {  	_ =	shalt  }
0x7e: {  	_ =	shalt  }
0x7f: {  	_ =	shalt  }
0x80: {  	_ =	shalt  }
0x81: {  	_ =	shalt  }
0x82: {  	_ =	shalt  }
0x83: {  	_ =	shalt  }
0x84: {  	_ =	shalt  }
0x85: {  	_ =	shalt  }
0x86: {  	_ =	shalt  }
0x87: {  	_ =	shalt  }
.Lfunc_end0:
.L_simem_size_0:
called_computation_lowered:
.L_overlay_start_0:
0x88: {  	s2 =	sld [smem:$0x3FD9]  }
0x89: {  	s3 =	sld [smem:$0x3FFE];
	_ =	sdelay $0x1  }
0x8a: {  	s1 =	srdreg.scid  }
0x8b: {  	s0 =	sand.u32 $0x1, s1  }
0x8c: {  	s18 =	sshll.u32 s0, $0xA;
	s2 =	sadd.s32 s3, s2  }
0x8d: {  	s2 =	sadd.s32 s2, s18  }
0x8e: {  	[smem:$0x3FC7] =	sst s2  }
0x8f: {  	_ = 	snop  }
0x90: {  	s2 =	sld [smem:$0x3FC9]  }
0x91: {  	s19 =	sld [smem:$0x3FD0];
	(tm) =	ssettm $0x1  }
0x92: {  	s4 =	sld [smem:$0x3FFB];
	_ =	sdelay $0x3  }
0x93: {  	_ =	strace s4  }
0x94: {  	s4 =	sld [smem:$0x3FFC];
	_ =	sdelay $0x3  }
0x95: {  	_ =	strace s4  }
0x96: {  	s4 =	sld [smem:$0x3FFD];
	_ =	sdelay $0x3  }
0x97: {  	_ =	strace s4  }
0x98: {  	_ =	strace $0x8FFFFFFF  }
0x99: {  	s20 =	sld [smem:$0x3FDB];
	_ =	sdelay $0x1  }
0x9a: {  	s5 =	simm.s32 $_scs_section_size  }
0x9b: {  	s6 =	simm.s32 $_size__tile_overlayer_lowered;
	s7 =	simm.s32 $_tile_overlayer_lowered  }
0x9c: {  	s23 =	simm.s32 $0x1BFF;
	s22 =	sshll.u32 s7, $0x1;
	s4 =	sadd.s32 s5, s20  }
0x9d: {  	s8 =	simm.s32 $0x0;
	s21 =	sshll.u32 s6, $0x1;
	s6 =	sadd.s32 s22, s4  }
0x9e: {  	[timem:s8], [sflag:s23] =	dma.local [hbm:s6], s21  }
0x9f: {  	_ =	swait.ge [sflag:s23], s21  }
0xa0: {  	s5 =	ssub.s32 $0x0, s21;
	[sflag:s23] =	ssyncset.done $0x0  }
0xa1: {  	[sflag:s23] =	ssyncadd.s32 s5;
	_ =	sdelay $0x1  }
0xa2: {  	s24 =	simm.s32 $0x1B8B  }
0xa3: {  	_ =	swait.ge [sflag:s24], $0x1  }
0xa4: {  	[sflag:s24] =	ssyncset.done $0x0  }
0xa5: {  	s25 =	simm.s32 $0x1B8E;
	[sflag:s24] =	ssyncadd.s32 $0xFFFFFFFF  }
0xa6: {  	s26 =	simm.s32 $execute0_lowered;
	[smem:$0x3FD2] =	sst s25  }
0xa7: {  	s5 =	sshll.u32 s26, $0x1;
	_ =	strace $0x80000046;
	[dreg:$0x1] =	wrdreg $0xFFFFFFFF  }
0xa8: {  	s28 =	simm.s32 $_size_execute0_lowered;
	s4 =	sadd.s32 s4, s5;
	[dreg:$0x0] =	wrdreg $0x0  }
0xa9: {  	s5 =	sshll.u32 s28, $0x1;
	[dreg:$0x2] =	wrdreg s4  }
0xaa: {  	[dreg:$0x3] =	wrdreg s5  }
0xab: {  	[dreg:$0x4] =	wrdreg $0xC0  }
0xac: {  	_ =	task [dreg:s8], $0x5FFFF  }
0xad: {  	[dreg:$0x1] =	wrdreg $0xFFFFFFFF  }
0xae: {  	[dreg:$0x0] =	wrdreg $0x60  }
0xaf: {  	[dreg:$0x2] =	wrdreg s2  }
0xb0: {  	[dreg:$0x3] =	wrdreg s19  }
0xb1: {  	[dreg:$0x4] =	wrdreg $0x9  }
0xb2: {  	_ =	task.clear_ibuf [dreg:s8], $0x5FFFF;
	_ =	strace $0x90000046  }
0xb3: {  	s29 =	simm.s32 $0x9;
	_ =	strace $0x80000048  }
0xb4: {  	_ =	swait.ge [sflag:s29], $0x1  }
0xb5: {  	[sflag:s29] =	ssyncadd.s32 $0xFFFFFFFF  }
0xb6: {  	_ =	strace $0x90000048  }
0xb7: {  	_ =	sfence  }
0xb8: {  	s30 =	sld [smem:$0x0];
	_ =	sdelay $0x2  }
0xb9: {  	s31 =	sshll.u32 s1, $0xD;
	s1 =	sshrl.u32 s1, $0x2  }
0xba: {  	s3 =	sand.u32 $0x4000, s31;
	s1 =	sadd.s32 s1, s30  }
0xbb: {  	s0 =	sor.u32 s3, s0;
	s1 =	sshll.u32 s1, $0x11  }
0xbc: {  	s0 =	sor.u32 s1, s0  }
0xbd: {  	s0 =	sadd.s32 $0x8F2B, s0  }
0xbe: {  	[sflag:s0] =	ssyncadd.remote.s32 $0x1  }
0xbf: {  	_ =	sfence.sel $0xFFFF  }
0xc0: {  	[dreg:$0x0] =	wrdreg $0xFFFFFFFF;
	(pc) =	sbr.abs _section_cstart, $3  }
0xc1: {  	[dreg:$0x1] =	wrdreg $0xFFFFFFFF  }
0xc2: {  	_ =	task.clear_ibuf [dreg:s8], $0x2FFFF;
	_ =	strace $0x9FFFFFFF  }
0xc3: {  	(tm) =	ssettm $0x7FFFFFFF  }
tec
execute0_lowered:
.L_overlay_start_1:
0x0: {  	(tag) =	ssettag $0x1  }
0x1: {  	v0 =	vimm.s32 $0x81800100;
	v1 =	vimm.s32 $0x781  }
0x2: {  	vm14 =	vcmask $0x300;
	vm13 =	vcmask $0x704;
	vm12 =	vcmask $0xB08  }
0x3: {  	vm0 =	vcmask $0xF00;
	vm11 =	vcmask $0xF0C;
	vm10 =	vcmask $0x1310  }
0x4: {  	vm9 =	vcmask $0x1714;
	vm8 =	vcmask $0x1B18;
	vm7 =	vcmask $0x1F1C  }
0x5: {  	vm6 =	vcmask $0x2320;
	vm5 =	vcmask $0x2724;
	vm4 =	vcmask $0x2B28  }
0x6: {  	vm3 =	vcmask $0x2F2C;
	vm2 =	vcmask $0x3330;
	vm1 =	vcmask $0x3734  }
0x7: {  	vm15 =	vcmask $0x3B38;
	v2 =	vimm.s32 $0xB81;
	v3 =	vimm.s32 $0xF81  }
0x8: {  	v4 =	vimm.s32 $0x1381;
	v5 =	vimm.s32 $0x1781;
	v6 =	vimm.s32 $0x1B81  }
0x9: {  	v7 =	vimm.s32 $0x1F81;
	v8 =	vimm.s32 $0x2381;
	v9 =	vimm.s32 $0x2781  }
0xa: {  	v10 =	vimm.s32 $0x2B81;
	v11 =	vimm.s32 $0x2F81;
	v12 =	vimm.s32 $0x3381  }
0xb: {  	v13 =	vimm.s32 $0x3781;
	v14 =	vimm.s32 $0x3B81;
	v15 =	vimm.s32 $0x3F81  }
0xc: {  	v16 =	vimm.s32 $0x4381;
	v17 =	vimm.s32 $0x4781;
	v18 =	vimm.s32 $0x4B81  }
0xd: {  	v19 =	vimm.s32 $0x4F81;
	v20 =	vimm.s32 $0x5381;
	v21 =	vimm.s32 $0x5781  }
0xe: {  	v22 =	vimm.s32 $0x5B81;
	v23 =	vimm.s32 $0x5F81;
	v24 =	vimm.s32 $0x6381  }
0xf: {  	v25 =	vimm.s32 $0x6781;
	v26 =	vimm.s32 $0x6B81;
	v27 =	vimm.s32 $0x6F81  }
0x10: {  	v28 =	vimm.s32 $0x7381;
	v29 =	vimm.s32 $0x7781;
	v30 =	vimm.s32 $0x7B81  }
0x11: {  	v31 =	vimm.s32 $0x7F81;
	v0 =	vunpack.c.0.s8.s32 v0;
	v1 =	vsel vm14, $0x400, v1  }
0x12: {  	v2 =	vsel vm14, $0x800, v2;
	v3 =	vsel vm14, $0xC00, v3;
	v4 =	vsel vm14, $0x1000, v4  }
0x13: {  	v5 =	vsel vm14, $0x1400, v5;
	v6 =	vsel vm14, $0x1800, v6;
	v7 =	vsel vm14, $0x1C00, v7  }
0x14: {  	v8 =	vsel vm14, $0x2000, v8;
	v9 =	vsel vm14, $0x2400, v9;
	v10 =	vsel vm14, $0x2800, v10  }
0x15: {  	v11 =	vsel vm14, $0x2C00, v11;
	v12 =	vsel vm14, $0x3000, v12;
	v13 =	vsel vm14, $0x3400, v13  }
0x16: {  	v14 =	vsel vm14, $0x3800, v14;
	v15 =	vsel vm14, $0x3C00, v15;
	v16 =	vsel vm14, $0x4000, v16  }
0x17: {  	v17 =	vsel vm14, $0x4400, v17;
	v18 =	vsel vm14, $0x4800, v18;
	v19 =	vsel vm14, $0x4C00, v19  }
0x18: {  	v20 =	vsel vm14, $0x5000, v20;
	v21 =	vsel vm14, $0x5400, v21;
	v22 =	vsel vm14, $0x5800, v22  }
0x19: {  	v23 =	vsel vm14, $0x5C00, v23;
	v24 =	vsel vm14, $0x6000, v24;
	v25 =	vsel vm14, $0x6400, v25  }
0x1a: {  	v26 =	vsel vm14, $0x6800, v26;
	v27 =	vsel vm14, $0x6C00, v27;
	v28 =	vsel vm14, $0x7000, v28  }
0x1b: {  	v29 =	vsel vm14, $0x7400, v29;
	v30 =	vsel vm14, $0x7800, v30;
	v31 =	vsel vm14, $0x7C00, v31  }
0x1c: {  	v1 =	vsel vm13, $0x401, v1;
	v2 =	vsel vm13, $0x801, v2;
	v3 =	vsel vm13, $0xC01, v3  }
0x1d: {  	v4 =	vsel vm13, $0x1001, v4;
	v5 =	vsel vm13, $0x1401, v5;
	v6 =	vsel vm13, $0x1801, v6  }
0x1e: {  	v7 =	vsel vm13, $0x1C01, v7;
	v8 =	vsel vm13, $0x2001, v8;
	v9 =	vsel vm13, $0x2401, v9  }
0x1f: {  	v10 =	vsel vm13, $0x2801, v10;
	v11 =	vsel vm13, $0x2C01, v11;
	v12 =	vsel vm13, $0x3001, v12  }
0x20: {  	v13 =	vsel vm13, $0x3401, v13;
	v14 =	vsel vm13, $0x3801, v14;
	v15 =	vsel vm13, $0x3C01, v15  }
0x21: {  	v16 =	vsel vm13, $0x4001, v16;
	v17 =	vsel vm13, $0x4401, v17;
	v18 =	vsel vm13, $0x4801, v18  }
0x22: {  	v19 =	vsel vm13, $0x4C01, v19;
	v20 =	vsel vm13, $0x5001, v20;
	v21 =	vsel vm13, $0x5401, v21  }
0x23: {  	v22 =	vsel vm13, $0x5801, v22;
	v23 =	vsel vm13, $0x5C01, v23;
	v24 =	vsel vm13, $0x6001, v24  }
0x24: {  	v25 =	vsel vm13, $0x6401, v25;
	v26 =	vsel vm13, $0x6801, v26;
	v27 =	vsel vm13, $0x6C01, v27  }
0x25: {  	v28 =	vsel vm13, $0x7001, v28;
	v29 =	vsel vm13, $0x7401, v29;
	v30 =	vsel vm13, $0x7801, v30  }
0x26: {  	v31 =	vsel vm13, $0x7C01, v31;
	v0 =	vand.u32 $0xFF, v0;
	v1 =	vsel vm12, $0x480, v1  }
0x27: {  	v2 =	vsel vm12, $0x880, v2;
	v3 =	vsel vm12, $0xC80, v3;
	v4 =	vsel vm12, $0x1080, v4  }
0x28: {  	v5 =	vsel vm12, $0x1480, v5;
	v6 =	vsel vm12, $0x1880, v6;
	v7 =	vsel vm12, $0x1C80, v7  }
0x29: {  	v8 =	vsel vm12, $0x2080, v8;
	v9 =	vsel vm12, $0x2480, v9;
	v10 =	vsel vm12, $0x2880, v10  }
0x2a: {  	v11 =	vsel vm12, $0x2C80, v11;
	v12 =	vsel vm12, $0x3080, v12;
	v13 =	vsel vm12, $0x3480, v13  }
0x2b: {  	v14 =	vsel vm12, $0x3880, v14;
	v15 =	vsel vm12, $0x3C80, v15;
	v16 =	vsel vm12, $0x4080, v16  }
0x2c: {  	v17 =	vsel vm12, $0x4480, v17;
	v18 =	vsel vm12, $0x4880, v18;
	v19 =	vsel vm12, $0x4C80, v19  }
0x2d: {  	v20 =	vsel vm12, $0x5080, v20;
	v21 =	vsel vm12, $0x5480, v21;
	v22 =	vsel vm12, $0x5880, v22  }
0x2e: {  	v23 =	vsel vm12, $0x5C80, v23;
	v24 =	vsel vm12, $0x6080, v24;
	v25 =	vsel vm12, $0x6480, v25  }
0x2f: {  	v26 =	vsel vm12, $0x6880, v26;
	v27 =	vsel vm12, $0x6C80, v27;
	v28 =	vsel vm12, $0x7080, v28  }
0x30: {  	v29 =	vsel vm12, $0x7480, v29;
	v30 =	vsel vm12, $0x7880, v30;
	v31 =	vsel vm12, $0x7C80, v31  }
0x31: {  	v0 =	vnsel vm0, $0x381, v0;
	v1 =	vsel vm11, $0x481, v1;
	v2 =	vsel vm11, $0x881, v2  }
0x32: {  	v3 =	vsel vm11, $0xC81, v3;
	v4 =	vsel vm11, $0x1081, v4;
	v5 =	vsel vm11, $0x1481, v5  }
0x33: {  	v6 =	vsel vm11, $0x1881, v6;
	v7 =	vsel vm11, $0x1C81, v7;
	v8 =	vsel vm11, $0x2081, v8  }
0x34: {  	v9 =	vsel vm11, $0x2481, v9;
	v10 =	vsel vm11, $0x2881, v10;
	v11 =	vsel vm11, $0x2C81, v11  }
0x35: {  	v12 =	vsel vm11, $0x3081, v12;
	v13 =	vsel vm11, $0x3481, v13;
	v14 =	vsel vm11, $0x3881, v14  }
0x36: {  	v15 =	vsel vm11, $0x3C81, v15;
	v16 =	vsel vm11, $0x4081, v16;
	v17 =	vsel vm11, $0x4481, v17  }
0x37: {  	v18 =	vsel vm11, $0x4881, v18;
	v19 =	vsel vm11, $0x4C81, v19;
	v20 =	vsel vm11, $0x5081, v20  }
0x38: {  	v21 =	vsel vm11, $0x5481, v21;
	v22 =	vsel vm11, $0x5881, v22;
	v23 =	vsel vm11, $0x5C81, v23  }
0x39: {  	v24 =	vsel vm11, $0x6081, v24;
	v25 =	vsel vm11, $0x6481, v25;
	v26 =	vsel vm11, $0x6881, v26  }
0x3a: {  	v27 =	vsel vm11, $0x6C81, v27;
	v28 =	vsel vm11, $0x7081, v28;
	v29 =	vsel vm11, $0x7481, v29  }
0x3b: {  	v30 =	vsel vm11, $0x7881, v30;
	v31 =	vsel vm11, $0x7C81, v31;
	v0 =	vsel vm10, $0x100, v0  }
0x3c: {  	v1 =	vsel vm10, $0x500, v1;
	v2 =	vsel vm10, $0x900, v2;
	v3 =	vsel vm10, $0xD00, v3  }
0x3d: {  	v4 =	vsel vm10, $0x1100, v4;
	v5 =	vsel vm10, $0x1500, v5;
	v6 =	vsel vm10, $0x1900, v6  }
0x3e: {  	v7 =	vsel vm10, $0x1D00, v7;
	v8 =	vsel vm10, $0x2100, v8;
	v9 =	vsel vm10, $0x2500, v9  }
0x3f: {  	v10 =	vsel vm10, $0x2900, v10;
	v11 =	vsel vm10, $0x2D00, v11;
	v12 =	vsel vm10, $0x3100, v12  }
0x40: {  	v13 =	vsel vm10, $0x3500, v13;
	v14 =	vsel vm10, $0x3900, v14;
	v15 =	vsel vm10, $0x3D00, v15  }
0x41: {  	v16 =	vsel vm10, $0x4100, v16;
	v17 =	vsel vm10, $0x4500, v17;
	v18 =	vsel vm10, $0x4900, v18  }
0x42: {  	v19 =	vsel vm10, $0x4D00, v19;
	v20 =	vsel vm10, $0x5100, v20;
	v21 =	vsel vm10, $0x5500, v21  }
0x43: {  	v22 =	vsel vm10, $0x5900, v22;
	v23 =	vsel vm10, $0x5D00, v23;
	v24 =	vsel vm10, $0x6100, v24  }
0x44: {  	v25 =	vsel vm10, $0x6500, v25;
	v26 =	vsel vm10, $0x6900, v26;
	v27 =	vsel vm10, $0x6D00, v27  }
0x45: {  	v28 =	vsel vm10, $0x7100, v28;
	v29 =	vsel vm10, $0x7500, v29;
	v30 =	vsel vm10, $0x7900, v30  }
0x46: {  	v31 =	vsel vm10, $0x7D00, v31;
	v0 =	vsel vm9, $0x101, v0;
	v1 =	vsel vm9, $0x501, v1  }
0x47: {  	v2 =	vsel vm9, $0x901, v2;
	v3 =	vsel vm9, $0xD01, v3;
	v4 =	vsel vm9, $0x1101, v4  }
0x48: {  	v5 =	vsel vm9, $0x1501, v5;
	v6 =	vsel vm9, $0x1901, v6;
	v7 =	vsel vm9, $0x1D01, v7  }
0x49: {  	v8 =	vsel vm9, $0x2101, v8;
	v9 =	vsel vm9, $0x2501, v9;
	v10 =	vsel vm9, $0x2901, v10  }
0x4a: {  	v11 =	vsel vm9, $0x2D01, v11;
	v12 =	vsel vm9, $0x3101, v12;
	v13 =	vsel vm9, $0x3501, v13  }
0x4b: {  	v14 =	vsel vm9, $0x3901, v14;
	v15 =	vsel vm9, $0x3D01, v15;
	v16 =	vsel vm9, $0x4101, v16  }
0x4c: {  	v17 =	vsel vm9, $0x4501, v17;
	v18 =	vsel vm9, $0x4901, v18;
	v19 =	vsel vm9, $0x4D01, v19  }
0x4d: {  	v20 =	vsel vm9, $0x5101, v20;
	v21 =	vsel vm9, $0x5501, v21;
	v22 =	vsel vm9, $0x5901, v22  }
0x4e: {  	v23 =	vsel vm9, $0x5D01, v23;
	v24 =	vsel vm9, $0x6101, v24;
	v25 =	vsel vm9, $0x6501, v25  }
0x4f: {  	v26 =	vsel vm9, $0x6901, v26;
	v27 =	vsel vm9, $0x6D01, v27;
	v28 =	vsel vm9, $0x7101, v28  }
0x50: {  	v29 =	vsel vm9, $0x7501, v29;
	v30 =	vsel vm9, $0x7901, v30;
	v31 =	vsel vm9, $0x7D01, v31  }
0x51: {  	v0 =	vsel vm8, $0x180, v0;
	v1 =	vsel vm8, $0x580, v1;
	v2 =	vsel vm8, $0x980, v2  }
0x52: {  	v3 =	vsel vm8, $0xD80, v3;
	v4 =	vsel vm8, $0x1180, v4;
	v5 =	vsel vm8, $0x1580, v5  }
0x53: {  	v6 =	vsel vm8, $0x1980, v6;
	v7 =	vsel vm8, $0x1D80, v7;
	v8 =	vsel vm8, $0x2180, v8  }
0x54: {  	v9 =	vsel vm8, $0x2580, v9;
	v10 =	vsel vm8, $0x2980, v10;
	v11 =	vsel vm8, $0x2D80, v11  }
0x55: {  	v12 =	vsel vm8, $0x3180, v12;
	v13 =	vsel vm8, $0x3580, v13;
	v14 =	vsel vm8, $0x3980, v14  }
0x56: {  	v15 =	vsel vm8, $0x3D80, v15;
	v16 =	vsel vm8, $0x4180, v16;
	v17 =	vsel vm8, $0x4580, v17  }
0x57: {  	v18 =	vsel vm8, $0x4980, v18;
	v19 =	vsel vm8, $0x4D80, v19;
	v20 =	vsel vm8, $0x5180, v20  }
0x58: {  	v21 =	vsel vm8, $0x5580, v21;
	v22 =	vsel vm8, $0x5980, v22;
	v23 =	vsel vm8, $0x5D80, v23  }
0x59: {  	v24 =	vsel vm8, $0x6180, v24;
	v25 =	vsel vm8, $0x6580, v25;
	v26 =	vsel vm8, $0x6980, v26  }
0x5a: {  	v27 =	vsel vm8, $0x6D80, v27;
	v28 =	vsel vm8, $0x7180, v28;
	v29 =	vsel vm8, $0x7580, v29  }
0x5b: {  	v30 =	vsel vm8, $0x7980, v30;
	v31 =	vsel vm8, $0x7D80, v31;
	v0 =	vsel vm7, $0x181, v0  }
0x5c: {  	v1 =	vsel vm7, $0x581, v1;
	v2 =	vsel vm7, $0x981, v2;
	v3 =	vsel vm7, $0xD81, v3  }
0x5d: {  	v4 =	vsel vm7, $0x1181, v4;
	v5 =	vsel vm7, $0x1581, v5;
	v6 =	vsel vm7, $0x1981, v6  }
0x5e: {  	v7 =	vsel vm7, $0x1D81, v7;
	v8 =	vsel vm7, $0x2181, v8;
	v9 =	vsel vm7, $0x2581, v9  }
0x5f: {  	v10 =	vsel vm7, $0x2981, v10;
	v11 =	vsel vm7, $0x2D81, v11;
	v12 =	vsel vm7, $0x3181, v12  }
0x60: {  	v13 =	vsel vm7, $0x3581, v13;
	v14 =	vsel vm7, $0x3981, v14;
	v15 =	vsel vm7, $0x3D81, v15  }
0x61: {  	v16 =	vsel vm7, $0x4181, v16;
	v17 =	vsel vm7, $0x4581, v17;
	v18 =	vsel vm7, $0x4981, v18  }
0x62: {  	v19 =	vsel vm7, $0x4D81, v19;
	v20 =	vsel vm7, $0x5181, v20;
	v21 =	vsel vm7, $0x5581, v21  }
0x63: {  	v22 =	vsel vm7, $0x5981, v22;
	v23 =	vsel vm7, $0x5D81, v23;
	v24 =	vsel vm7, $0x6181, v24  }
0x64: {  	v25 =	vsel vm7, $0x6581, v25;
	v26 =	vsel vm7, $0x6981, v26;
	v27 =	vsel vm7, $0x6D81, v27  }
0x65: {  	v28 =	vsel vm7, $0x7181, v28;
	v29 =	vsel vm7, $0x7581, v29;
	v30 =	vsel vm7, $0x7981, v30  }
0x66: {  	v31 =	vsel vm7, $0x7D81, v31;
	v0 =	vsel vm6, $0x200, v0;
	v1 =	vsel vm6, $0x600, v1  }
0x67: {  	v2 =	vsel vm6, $0xA00, v2;
	v3 =	vsel vm6, $0xE00, v3;
	v4 =	vsel vm6, $0x1200, v4  }
0x68: {  	v5 =	vsel vm6, $0x1600, v5;
	v6 =	vsel vm6, $0x1A00, v6;
	v7 =	vsel vm6, $0x1E00, v7  }
0x69: {  	v8 =	vsel vm6, $0x2200, v8;
	v9 =	vsel vm6, $0x2600, v9;
	v10 =	vsel vm6, $0x2A00, v10  }
0x6a: {  	v11 =	vsel vm6, $0x2E00, v11;
	v12 =	vsel vm6, $0x3200, v12;
	v13 =	vsel vm6, $0x3600, v13  }
0x6b: {  	v14 =	vsel vm6, $0x3A00, v14;
	v15 =	vsel vm6, $0x3E00, v15;
	v16 =	vsel vm6, $0x4200, v16  }
0x6c: {  	v17 =	vsel vm6, $0x4600, v17;
	v18 =	vsel vm6, $0x4A00, v18;
	v19 =	vsel vm6, $0x4E00, v19  }
0x6d: {  	v20 =	vsel vm6, $0x5200, v20;
	v21 =	vsel vm6, $0x5600, v21;
	v22 =	vsel vm6, $0x5A00, v22  }
0x6e: {  	v23 =	vsel vm6, $0x5E00, v23;
	v24 =	vsel vm6, $0x6200, v24;
	v25 =	vsel vm6, $0x6600, v25  }
0x6f: {  	v26 =	vsel vm6, $0x6A00, v26;
	v27 =	vsel vm6, $0x6E00, v27;
	v28 =	vsel vm6, $0x7200, v28  }
0x70: {  	v29 =	vsel vm6, $0x7600, v29;
	v30 =	vsel vm6, $0x7A00, v30;
	v31 =	vsel vm6, $0x7E00, v31  }
0x71: {  	v0 =	vsel vm5, $0x201, v0;
	v1 =	vsel vm5, $0x601, v1;
	v2 =	vsel vm5, $0xA01, v2  }
0x72: {  	v3 =	vsel vm5, $0xE01, v3;
	v4 =	vsel vm5, $0x1201, v4;
	v5 =	vsel vm5, $0x1601, v5  }
0x73: {  	v6 =	vsel vm5, $0x1A01, v6;
	v7 =	vsel vm5, $0x1E01, v7;
	v8 =	vsel vm5, $0x2201, v8  }
0x74: {  	v9 =	vsel vm5, $0x2601, v9;
	v10 =	vsel vm5, $0x2A01, v10;
	v11 =	vsel vm5, $0x2E01, v11  }
0x75: {  	v12 =	vsel vm5, $0x3201, v12;
	v13 =	vsel vm5, $0x3601, v13;
	v14 =	vsel vm5, $0x3A01, v14  }
0x76: {  	v15 =	vsel vm5, $0x3E01, v15;
	v16 =	vsel vm5, $0x4201, v16;
	v17 =	vsel vm5, $0x4601, v17  }
0x77: {  	v18 =	vsel vm5, $0x4A01, v18;
	v19 =	vsel vm5, $0x4E01, v19;
	v20 =	vsel vm5, $0x5201, v20  }
0x78: {  	v21 =	vsel vm5, $0x5601, v21;
	v22 =	vsel vm5, $0x5A01, v22;
	v23 =	vsel vm5, $0x5E01, v23  }
0x79: {  	v24 =	vsel vm5, $0x6201, v24;
	v25 =	vsel vm5, $0x6601, v25;
	v26 =	vsel vm5, $0x6A01, v26  }
0x7a: {  	v27 =	vsel vm5, $0x6E01, v27;
	v28 =	vsel vm5, $0x7201, v28;
	v29 =	vsel vm5, $0x7601, v29  }
0x7b: {  	v30 =	vsel vm5, $0x7A01, v30;
	v31 =	vsel vm5, $0x7E01, v31;
	v0 =	vsel vm4, $0x280, v0  }
0x7c: {  	v1 =	vsel vm4, $0x680, v1;
	v2 =	vsel vm4, $0xA80, v2;
	v3 =	vsel vm4, $0xE80, v3  }
0x7d: {  	v4 =	vsel vm4, $0x1280, v4;
	v5 =	vsel vm4, $0x1680, v5;
	v6 =	vsel vm4, $0x1A80, v6  }
0x7e: {  	v7 =	vsel vm4, $0x1E80, v7;
	v8 =	vsel vm4, $0x2280, v8;
	v9 =	vsel vm4, $0x2680, v9  }
0x7f: {  	v10 =	vsel vm4, $0x2A80, v10;
	v11 =	vsel vm4, $0x2E80, v11;
	v12 =	vsel vm4, $0x3280, v12  }
0x80: {  	v13 =	vsel vm4, $0x3680, v13;
	v14 =	vsel vm4, $0x3A80, v14;
	v15 =	vsel vm4, $0x3E80, v15  }
0x81: {  	v16 =	vsel vm4, $0x4280, v16;
	v17 =	vsel vm4, $0x4680, v17;
	v18 =	vsel vm4, $0x4A80, v18  }
0x82: {  	v19 =	vsel vm4, $0x4E80, v19;
	v20 =	vsel vm4, $0x5280, v20;
	v21 =	vsel vm4, $0x5680, v21  }
0x83: {  	v22 =	vsel vm4, $0x5A80, v22;
	v23 =	vsel vm4, $0x5E80, v23;
	v24 =	vsel vm4, $0x6280, v24  }
0x84: {  	v25 =	vsel vm4, $0x6680, v25;
	v26 =	vsel vm4, $0x6A80, v26;
	v27 =	vsel vm4, $0x6E80, v27  }
0x85: {  	v28 =	vsel vm4, $0x7280, v28;
	v29 =	vsel vm4, $0x7680, v29;
	v30 =	vsel vm4, $0x7A80, v30  }
0x86: {  	v31 =	vsel vm4, $0x7E80, v31;
	v0 =	vsel vm3, $0x281, v0;
	v1 =	vsel vm3, $0x681, v1  }
0x87: {  	v2 =	vsel vm3, $0xA81, v2;
	v3 =	vsel vm3, $0xE81, v3;
	v4 =	vsel vm3, $0x1281, v4  }
0x88: {  	v5 =	vsel vm3, $0x1681, v5;
	v6 =	vsel vm3, $0x1A81, v6;
	v7 =	vsel vm3, $0x1E81, v7  }
0x89: {  	v8 =	vsel vm3, $0x2281, v8;
	v9 =	vsel vm3, $0x2681, v9;
	v10 =	vsel vm3, $0x2A81, v10  }
0x8a: {  	v11 =	vsel vm3, $0x2E81, v11;
	v12 =	vsel vm3, $0x3281, v12;
	v13 =	vsel vm3, $0x3681, v13  }
0x8b: {  	v14 =	vsel vm3, $0x3A81, v14;
	v15 =	vsel vm3, $0x3E81, v15;
	v16 =	vsel vm3, $0x4281, v16  }
0x8c: {  	v17 =	vsel vm3, $0x4681, v17;
	v18 =	vsel vm3, $0x4A81, v18;
	v19 =	vsel vm3, $0x4E81, v19  }
0x8d: {  	v20 =	vsel vm3, $0x5281, v20;
	v21 =	vsel vm3, $0x5681, v21;
	v22 =	vsel vm3, $0x5A81, v22  }
0x8e: {  	v23 =	vsel vm3, $0x5E81, v23;
	v24 =	vsel vm3, $0x6281, v24;
	v25 =	vsel vm3, $0x6681, v25  }
0x8f: {  	v26 =	vsel vm3, $0x6A81, v26;
	v27 =	vsel vm3, $0x6E81, v27;
	v28 =	vsel vm3, $0x7281, v28  }
0x90: {  	v29 =	vsel vm3, $0x7681, v29;
	v30 =	vsel vm3, $0x7A81, v30;
	v31 =	vsel vm3, $0x7E81, v31  }
0x91: {  	v0 =	vsel vm2, $0x300, v0;
	v1 =	vsel vm2, $0x700, v1;
	v2 =	vsel vm2, $0xB00, v2  }
0x92: {  	v3 =	vsel vm2, $0xF00, v3;
	v4 =	vsel vm2, $0x1300, v4;
	v5 =	vsel vm2, $0x1700, v5  }
0x93: {  	v6 =	vsel vm2, $0x1B00, v6;
	v7 =	vsel vm2, $0x1F00, v7;
	v8 =	vsel vm2, $0x2300, v8  }
0x94: {  	v9 =	vsel vm2, $0x2700, v9;
	v10 =	vsel vm2, $0x2B00, v10;
	v11 =	vsel vm2, $0x2F00, v11  }
0x95: {  	v12 =	vsel vm2, $0x3300, v12;
	v13 =	vsel vm2, $0x3700, v13;
	v14 =	vsel vm2, $0x3B00, v14  }
0x96: {  	v15 =	vsel vm2, $0x3F00, v15;
	v16 =	vsel vm2, $0x4300, v16;
	v17 =	vsel vm2, $0x4700, v17  }
0x97: {  	v18 =	vsel vm2, $0x4B00, v18;
	v19 =	vsel vm2, $0x4F00, v19;
	v20 =	vsel vm2, $0x5300, v20  }
0x98: {  	v21 =	vsel vm2, $0x5700, v21;
	v22 =	vsel vm2, $0x5B00, v22;
	v23 =	vsel vm2, $0x5F00, v23  }
0x99: {  	v24 =	vsel vm2, $0x6300, v24;
	v25 =	vsel vm2, $0x6700, v25;
	v26 =	vsel vm2, $0x6B00, v26  }
0x9a: {  	v27 =	vsel vm2, $0x6F00, v27;
	v28 =	vsel vm2, $0x7300, v28;
	v29 =	vsel vm2, $0x7700, v29  }
0x9b: {  	v30 =	vsel vm2, $0x7B00, v30;
	v31 =	vsel vm2, $0x7F00, v31;
	v0 =	vsel vm1, $0x301, v0  }
0x9c: {  	v1 =	vsel vm1, $0x701, v1;
	v2 =	vsel vm1, $0xB01, v2;
	v3 =	vsel vm1, $0xF01, v3  }
0x9d: {  	v4 =	vsel vm1, $0x1301, v4;
	v5 =	vsel vm1, $0x1701, v5;
	v6 =	vsel vm1, $0x1B01, v6  }
0x9e: {  	v7 =	vsel vm1, $0x1F01, v7;
	v8 =	vsel vm1, $0x2301, v8;
	v9 =	vsel vm1, $0x2701, v9  }
0x9f: {  	v10 =	vsel vm1, $0x2B01, v10;
	v11 =	vsel vm1, $0x2F01, v11;
	v12 =	vsel vm1, $0x3301, v12  }
0xa0: {  	v13 =	vsel vm1, $0x3701, v13;
	v14 =	vsel vm1, $0x3B01, v14;
	v15 =	vsel vm1, $0x3F01, v15  }
0xa1: {  	v16 =	vsel vm1, $0x4301, v16;
	v17 =	vsel vm1, $0x4701, v17;
	v18 =	vsel vm1, $0x4B01, v18  }
0xa2: {  	v19 =	vsel vm1, $0x4F01, v19;
	v20 =	vsel vm1, $0x5301, v20;
	v21 =	vsel vm1, $0x5701, v21  }
0xa3: {  	v22 =	vsel vm1, $0x5B01, v22;
	v23 =	vsel vm1, $0x5F01, v23;
	v24 =	vsel vm1, $0x6301, v24  }
0xa4: {  	v25 =	vsel vm1, $0x6701, v25;
	v26 =	vsel vm1, $0x6B01, v26;
	v27 =	vsel vm1, $0x6F01, v27  }
0xa5: {  	v28 =	vsel vm1, $0x7301, v28;
	v29 =	vsel vm1, $0x7701, v29;
	v30 =	vsel vm1, $0x7B01, v30  }
0xa6: {  	s1 =	srdreg.scid;
	s0 =	stileid.u32;
	s5 =	simm.s32 $0x0;
	v31 =	vsel vm1, $0x7F01, v31;
	v0 =	vsel vm15, $0x380, v0;
	v1 =	vsel vm15, $0x780, v1  }
0xa7: {  	s10 =	simm.s32 $0x100;
	s11 =	simm.s32 $0x2000;
	s12 =	simm.s32 $0x1;
	v2 =	vsel vm15, $0xB80, v2;
	v3 =	vsel vm15, $0xF80, v3;
	v4 =	vsel vm15, $0x1380, v4  }
0xa8: {  	s13 =	simm.s32 $0x10000;
	s14 =	simm.s32 $0x2;
	s15 =	simm.s32 $0x4;
	v5 =	vsel vm15, $0x1780, v5;
	v6 =	vsel vm15, $0x1B80, v6;
	v7 =	vsel vm15, $0x1F80, v7  }
0xa9: {  	s16 =	simm.s32 $0x8000;
	s17 =	simm.s32 $0x14000;
	s3 =	sand.u32 $0x1, s1;
	v8 =	vsel vm15, $0x2380, v8;
	v9 =	vsel vm15, $0x2780, v9;
	v10 =	vsel vm15, $0x2B80, v10  }
0xaa: {  	s18 =	simm.s32 $0x3;
	s2 =	sshll.u32 s0, $0x7;
	s4 =	sshll.u32 s3, $0x6;
	v11 =	vsel vm15, $0x2F80, v11;
	v12 =	vsel vm15, $0x3380, v12;
	v13 =	vsel vm15, $0x3780, v13  }
0xab: {  	s19 =	simm.s32 $0x0;
	s1 =	rddreg [dreg:$0x0];
	s2 =	sor.u32 s4, s2;
	v14 =	vsel vm15, $0x3B80, v14;
	v15 =	vsel vm15, $0x3F80, v15;
	v16 =	vsel vm15, $0x4380, v16  }
0xac: {  	s6 =	sshll.u32 s0, $0x13;
	[smem:$0x7FF] =	sst s5;
	s7 =	sshll.u32 s2, $0x6;
	v17 =	vsel vm15, $0x4780, v17;
	v18 =	vsel vm15, $0x4B80, v18;
	v19 =	vsel vm15, $0x4F80, v19  }
0xad: {  	s8 =	sshll.u32 s0, $0x12;
	s3 =	ssub.s32 $0x2, s3;
	s6 =	sor.u32 s6, s7;
	v20 =	vsel vm15, $0x5380, v20;
	v21 =	vsel vm15, $0x5780, v21;
	v22 =	vsel vm15, $0x5B80, v22  }
0xae: {  	s8 =	sand.u32 $0x200000, s8;
	s31 =	sshrl.u32 s3, $0x1;
	s6 =	sand.u32 $0x40F000, s6;
	v23 =	vsel vm15, $0x5F80, v23;
	v24 =	vsel vm15, $0x6380, v24;
	v25 =	vsel vm15, $0x6780, v25  }
0xaf: {  	s4 =	rddreg [dreg:$0x1];
	s3 =	ssub.s32 s3, s31;
	s6 =	sadd.s32 s1, s6;
	v26 =	vsel vm15, $0x6B80, v26;
	v27 =	vsel vm15, $0x6F80, v27;
	v28 =	vsel vm15, $0x7380, v28  }
0xb0: {  	_ =	strace $0x80000047;
	s9 =	smax.u32 s3, $0x1;
	s7 =	sadd.s32 $0x20, s6;
	v29 =	vsel vm15, $0x7780, v29;
	v30 =	vsel vm15, $0x7B80, v30;
	v31 =	vsel vm15, $0x7F80, v31  }
.LBB2_1:
0xb1: {  	s3 =	simm.s32 $0x800  }
0xb2: {  	s22 =	simm.s32 $0x0;
	s20 =	sadd.s32 $0x10000, s6;
	s21 =	smov.u32 s6  }
.LBB2_2:
0xb3: {  	[tilespmem:s22], [sflag:$0x1] =	stream.strided.gather [hbm4b:s21+s10], $0x200, s11, s10, $0x38;
	[tilespmem:$0x18000] =	vst v63  }
0xb4: {  	s22 =	smov.u32 s3;
	s21 =	smov.u32 s20;
	p0 =	sne.s32 s3, $0x1F800  }
.Ltmp0:
0xb5: {  	s3 =	sadd.s32 $0x800, s3;
	(pc) =	sbr.rel @p0 .LBB2_2-.Ltmp0, $2  }
0xb6: {  	_ =	sdelay $0x2  }
0xb7: {  	s20 =	sadd.s32 $0x10000, s20;
	s22 =	sshra.s32 s22, $0x2  }
0xb8: {  	[tilespmem:s22], [sflag:$0x1] =	stream.strided.gather [hbm4b:s21+s10], $0x200, s11, s10, $0x38;
	[tilespmem:$0x18000] =	vst v63  }
0xb9: {  	s3 =	simm.s32 $0x8000  }
0xba: {  	[tilespmem:s3], [sflag:$0x2] =	stream.strided.gather [hbm4b:s7+s10], $0x200, s11, s10, $0x38;
	[tilespmem:$0x18000] =	vst v63  }
0xbb: {  	s20 =	simm.s32 $0x0;
	s21 =	smov.u32 s7;
	s3 =	simm.s32 $0x800  }
.LBB2_4:
0xbc: {  	p0 =	sne.s32 s3, $0x1F800  }
.Ltmp1:
0xbd: {  	_ = 	snop;
	(pc) =	sbr.rel @p0 .LBB2_4-.Ltmp1, $4  }
0xbe: {  	_ = 	snop  }
0xbf: {  	s22 =	sshra.s32 s3, $0x2;
	s3 =	sadd.s32 $0x800, s3  }
0xc0: {  	s21 =	sadd.s32 $0x10000, s21;
	s22 =	sadd.s32 $0x8000, s22  }
0xc1: {  	[tilespmem:s22], [sflag:$0x2] =	stream.strided.gather [hbm4b:s21+s10], $0x200, s11, s10, $0x38;
	[tilespmem:$0x18000] =	vst v63  }
.Ltmp2:
0xc2: {  	_ = 	snop;
	(pc) =	sbr.rel .LBB2_5-.Ltmp2, $1  }
0xc3: {  	_ =	sdelay $0x3  }
.LBB2_16:
0xc4: {  	s3 =	sadd.s32 $0x3, s21  }
0xc5: {  	s21 =	sadd.s32 s2, s3  }
0xc6: {  	s3 =	sshll.u32 s3, $0x5;
	s22 =	sshll.u32 s21, $0xC;
	s21 =	sshll.u32 s21, $0x6  }
0xc7: {  	s3 =	sand.u32 $0x3E0, s3;
	s22 =	sand.u32 $0xC00000, s22;
	s21 =	sand.u32 $0xF800, s21  }
0xc8: {  	s3 =	sadd.s32 s1, s3;
	s21 =	sor.u32 s21, s22  }
0xc9: {  	s31 =	simm.s32 $0x8000;
	s3 =	sadd.s32 s21, s3;
	s21 =	simm.s32 $0x800  }
0xca: {  	[tilespmem:s31], [sflag:$0x2] =	stream.strided.gather [hbm4b:s3+s10], $0x200, s11, s10, $0x38;
	[tilespmem:$0x18000] =	vst v63  }
.LBB2_17:
0xcb: {  	p0 =	sne.s32 s21, $0x1F800  }
.Ltmp3:
0xcc: {  	_ = 	snop;
	(pc) =	sbr.rel @p0 .LBB2_17-.Ltmp3, $4  }
0xcd: {  	_ = 	snop  }
0xce: {  	s22 =	sshra.s32 s21, $0x2;
	s21 =	sadd.s32 $0x800, s21  }
0xcf: {  	s3 =	sadd.s32 $0x10000, s3;
	s22 =	sadd.s32 $0x8000, s22  }
0xd0: {  	[tilespmem:s22], [sflag:$0x2] =	stream.strided.gather [hbm4b:s3+s10], $0x200, s11, s10, $0x38;
	[tilespmem:$0x18000] =	vst v63  }
0xd1: {  	s20 =	sadd.s32 $0x1, s20  }
.LBB2_5:
0xd2: {  	_ =	swait.ge [sflag:s12], $0x8000  }
0xd3: {  	p0 =	seq.s32 s20, $0x0;
	[sflag:s12] =	ssyncset.done $0x0  }
0xd4: {  	s3 =	simm.s32 @!p0 $0x3;
	[sflag:s12] =	ssyncadd.s32 $0xFFFF8000  }
0xd5: {  	_ =	swait.ge @!p0 [sflag:s3], $0x4000  }
0xd6: {  	s21 =	sshll.u32 s20, $0x1;
	[sflag:s3] =	ssyncset.done @!p0 $0x0  }
0xd7: {  	s23 =	simm.s32 $0x0;
	s22 =	sadd.s32 s2, s21;
	[sflag:s3] =	ssyncadd.s32 @!p0 $0xFFFFC000  }
.LBB2_6:
0xd8: {  	s3 =	sshll.u32 s23, $0x1  }
0xd9: {  	v32 =	vor.u32 s3, v0;
	_ =	sdelay $0x4  }
0xda: {  	v32 =	vld.idx.msk [tilespmem:v32+s5+$0x0], $0xffff  }
0xdb: {  	v33 =	vor.u32 s3, v1;
	_ =	sdelay $0x1  }
0xdc: {  	s24 =	sshll.u32 s23, $0x9  }
0xdd: {  	s24 =	sand.u32 $0x3FFFFE00, s24  }
0xde: {  	[tilespmem:s24+$0x10000] =	vst v32  }
0xdf: {  	v32 =	vld.idx.msk [tilespmem:v33+s5+$0x0], $0xffff  }
0xe0: {  	v43 =	vor.u32 s3, v2;
	_ =	sdelay $0x3  }
0xe1: {  	[tilespmem:s24+$0x10010] =	vst v32  }
0xe2: {  	v32 =	vld.idx.msk [tilespmem:v43+s5+$0x0], $0xffff  }
0xe3: {  	v44 =	vor.u32 s3, v3;
	_ =	sdelay $0x3  }
0xe4: {  	[tilespmem:s24+$0x10020] =	vst v32  }
0xe5: {  	v32 =	vld.idx.msk [tilespmem:v44+s5+$0x0], $0xffff  }
0xe6: {  	v45 =	vor.u32 s3, v4;
	_ =	sdelay $0x3  }
0xe7: {  	[tilespmem:s24+$0x10030] =	vst v32  }
0xe8: {  	v32 =	vld.idx.msk [tilespmem:v45+s5+$0x0], $0xffff  }
0xe9: {  	v46 =	vor.u32 s3, v5;
	_ =	sdelay $0x3  }
0xea: {  	[tilespmem:s24+$0x10040] =	vst v32  }
0xeb: {  	v32 =	vld.idx.msk [tilespmem:v46+s5+$0x0], $0xffff  }
0xec: {  	v47 =	vor.u32 s3, v6;
	s25 =	sor.u32 $0x2, s3  }
0xed: {  	v34 =	vor.u32 s25, v0;
	_ =	sdelay $0x2  }
0xee: {  	[tilespmem:s24+$0x10050] =	vst v32  }
0xef: {  	v32 =	vld.idx.msk [tilespmem:v47+s5+$0x0], $0xffff  }
0xf0: {  	v33 =	vld.idx.msk [tilespmem:v34+s5+$0x0], $0xffff  }
0xf1: {  	v48 =	vor.u32 s25, v1;
	_ =	sdelay $0x3  }
0xf2: {  	[tilespmem:s24+$0x10080] =	vst v33  }
0xf3: {  	v33 =	vld.idx.msk [tilespmem:v48+s5+$0x0], $0xffff  }
0xf4: {  	v49 =	vor.u32 s25, v2;
	_ =	sdelay $0x3  }
0xf5: {  	[tilespmem:s24+$0x10090] =	vst v33  }
0xf6: {  	v33 =	vld.idx.msk [tilespmem:v49+s5+$0x0], $0xffff  }
0xf7: {  	v50 =	vor.u32 s25, v3;
	_ =	sdelay $0x3  }
0xf8: {  	[tilespmem:s24+$0x100A0] =	vst v33  }
0xf9: {  	v33 =	vld.idx.msk [tilespmem:v50+s5+$0x0], $0xffff  }
0xfa: {  	v51 =	vor.u32 s25, v4;
	_ =	sdelay $0x3  }
0xfb: {  	[tilespmem:s24+$0x100B0] =	vst v33  }
0xfc: {  	v33 =	vld.idx.msk [tilespmem:v51+s5+$0x0], $0xffff  }
0xfd: {  	v52 =	vor.u32 s25, v5;
	_ =	sdelay $0x3  }
0xfe: {  	[tilespmem:s24+$0x100C0] =	vst v33  }
0xff: {  	v33 =	vld.idx.msk [tilespmem:v52+s5+$0x0], $0xffff  }
0x100: {  	v53 =	vor.u32 s25, v6;
	_ =	sdelay $0x1  }
0x101: {  	v54 =	vor.u32 s3, v7;
	_ =	sdelay $0x1  }
0x102: {  	[tilespmem:s24+$0x100D0] =	vst v33  }
0x103: {  	v34 =	vld.idx.msk [tilespmem:v53+s5+$0x0], $0xffff  }
0x104: {  	v35 =	vor.u32 s25, v7;
	[tilespmem:s24+$0x10060] =	vst v32  }
0x105: {  	v32 =	vld.idx.msk [tilespmem:v54+s5+$0x0], $0xffff  }
0x106: {  	v55 =	vor.u32 s3, v8;
	_ =	sdelay $0x1  }
0x107: {  	[tilespmem:s24+$0x100E0] =	vst v34  }
0x108: {  	v34 =	vld.idx.msk [tilespmem:v35+s5+$0x0], $0xffff  }
0x109: {  	v56 =	vor.u32 s25, v8;
	[tilespmem:s24+$0x10070] =	vst v32  }
0x10a: {  	v32 =	vld.idx.msk [tilespmem:v55+s5+$0x0], $0xffff  }
0x10b: {  	v57 =	vor.u32 s3, v9;
	_ =	sdelay $0x1  }
0x10c: {  	[tilespmem:s24+$0x100F0] =	vst v34  }
0x10d: {  	v34 =	vld.idx.msk [tilespmem:v56+s5+$0x0], $0xffff  }
0x10e: {  	v58 =	vor.u32 s25, v9;
	[tilespmem:s24+$0x10400] =	vst v32  }
0x10f: {  	v32 =	vld.idx.msk [tilespmem:v57+s5+$0x0], $0xffff  }
0x110: {  	v59 =	vor.u32 s3, v10;
	_ =	sdelay $0x1  }
0x111: {  	[tilespmem:s24+$0x10480] =	vst v34  }
0x112: {  	v34 =	vld.idx.msk [tilespmem:v58+s5+$0x0], $0xffff  }
0x113: {  	v60 =	vor.u32 s25, v10;
	[tilespmem:s24+$0x10410] =	vst v32  }
0x114: {  	v32 =	vld.idx.msk [tilespmem:v59+s5+$0x0], $0xffff  }
0x115: {  	v61 =	vor.u32 s3, v11;
	_ =	sdelay $0x1  }
0x116: {  	[tilespmem:s24+$0x10490] =	vst v34  }
0x117: {  	v34 =	vld.idx.msk [tilespmem:v60+s5+$0x0], $0xffff  }
0x118: {  	v62 =	vor.u32 s25, v11;
	[tilespmem:s24+$0x10420] =	vst v32  }
0x119: {  	v32 =	vld.idx.msk [tilespmem:v61+s5+$0x0], $0xffff  }
0x11a: {  	v63 =	vor.u32 s3, v12;
	_ =	sdelay $0x1  }
0x11b: {  	[tilespmem:s24+$0x104A0] =	vst v34  }
0x11c: {  	v34 =	vld.idx.msk [tilespmem:v62+s5+$0x0], $0xffff  }
0x11d: {  	v36 =	vor.u32 s25, v12;
	[tilespmem:s24+$0x10430] =	vst v32  }
0x11e: {  	v32 =	vld.idx.msk [tilespmem:v63+s5+$0x0], $0xffff  }
0x11f: {  	v37 =	vor.u32 s3, v13;
	_ =	sdelay $0x1  }
0x120: {  	[tilespmem:s24+$0x104B0] =	vst v34  }
0x121: {  	v34 =	vld.idx.msk [tilespmem:v36+s5+$0x0], $0xffff  }
0x122: {  	v38 =	vor.u32 s25, v13;
	[tilespmem:s24+$0x10440] =	vst v32  }
0x123: {  	v32 =	vld.idx.msk [tilespmem:v37+s5+$0x0], $0xffff  }
0x124: {  	v39 =	vor.u32 s3, v14;
	_ =	sdelay $0x1  }
0x125: {  	[tilespmem:s24+$0x104C0] =	vst v34  }
0x126: {  	v34 =	vld.idx.msk [tilespmem:v38+s5+$0x0], $0xffff  }
0x127: {  	v40 =	vor.u32 s25, v14;
	[tilespmem:s24+$0x10450] =	vst v32  }
0x128: {  	v32 =	vld.idx.msk [tilespmem:v39+s5+$0x0], $0xffff  }
0x129: {  	v41 =	vor.u32 s3, v15;
	_ =	sdelay $0x1  }
0x12a: {  	[tilespmem:s24+$0x104D0] =	vst v34  }
0x12b: {  	v34 =	vld.idx.msk [tilespmem:v40+s5+$0x0], $0xffff  }
0x12c: {  	v42 =	vor.u32 s25, v15;
	[tilespmem:s24+$0x10460] =	vst v32  }
0x12d: {  	v32 =	vld.idx.msk [tilespmem:v41+s5+$0x0], $0xffff  }
0x12e: {  	v43 =	vor.u32 s3, v16;
	_ =	sdelay $0x1  }
0x12f: {  	[tilespmem:s24+$0x104E0] =	vst v34  }
0x130: {  	v34 =	vld.idx.msk [tilespmem:v42+s5+$0x0], $0xffff  }
0x131: {  	v44 =	vor.u32 s25, v16;
	[tilespmem:s24+$0x10470] =	vst v32  }
0x132: {  	v32 =	vld.idx.msk [tilespmem:v43+s5+$0x0], $0xffff  }
0x133: {  	v45 =	vor.u32 s3, v17;
	_ =	sdelay $0x1  }
0x134: {  	[tilespmem:s24+$0x104F0] =	vst v34  }
0x135: {  	v34 =	vld.idx.msk [tilespmem:v44+s5+$0x0], $0xffff  }
0x136: {  	v46 =	vor.u32 s25, v17;
	[tilespmem:s24+$0x10800] =	vst v32  }
0x137: {  	v32 =	vld.idx.msk [tilespmem:v45+s5+$0x0], $0xffff  }
0x138: {  	v47 =	vor.u32 s3, v18;
	_ =	sdelay $0x1  }
0x139: {  	[tilespmem:s24+$0x10880] =	vst v34  }
0x13a: {  	v34 =	vld.idx.msk [tilespmem:v46+s5+$0x0], $0xffff  }
0x13b: {  	v48 =	vor.u32 s25, v18;
	[tilespmem:s24+$0x10810] =	vst v32  }
0x13c: {  	v32 =	vld.idx.msk [tilespmem:v47+s5+$0x0], $0xffff  }
0x13d: {  	v49 =	vor.u32 s3, v19;
	_ =	sdelay $0x1  }
0x13e: {  	[tilespmem:s24+$0x10890] =	vst v34  }
0x13f: {  	v34 =	vld.idx.msk [tilespmem:v48+s5+$0x0], $0xffff  }
0x140: {  	v50 =	vor.u32 s25, v19;
	[tilespmem:s24+$0x10820] =	vst v32  }
0x141: {  	v32 =	vld.idx.msk [tilespmem:v49+s5+$0x0], $0xffff  }
0x142: {  	v51 =	vor.u32 s3, v20;
	_ =	sdelay $0x1  }
0x143: {  	[tilespmem:s24+$0x108A0] =	vst v34  }
0x144: {  	v34 =	vld.idx.msk [tilespmem:v50+s5+$0x0], $0xffff  }
0x145: {  	v52 =	vor.u32 s25, v20;
	[tilespmem:s24+$0x10830] =	vst v32  }
0x146: {  	v32 =	vld.idx.msk [tilespmem:v51+s5+$0x0], $0xffff  }
0x147: {  	v53 =	vor.u32 s3, v21;
	_ =	sdelay $0x1  }
0x148: {  	[tilespmem:s24+$0x108B0] =	vst v34  }
0x149: {  	v34 =	vld.idx.msk [tilespmem:v52+s5+$0x0], $0xffff  }
0x14a: {  	v54 =	vor.u32 s25, v21;
	[tilespmem:s24+$0x10840] =	vst v32  }
0x14b: {  	v32 =	vld.idx.msk [tilespmem:v53+s5+$0x0], $0xffff  }
0x14c: {  	v55 =	vor.u32 s3, v22;
	_ =	sdelay $0x1  }
0x14d: {  	[tilespmem:s24+$0x108C0] =	vst v34  }
0x14e: {  	v34 =	vld.idx.msk [tilespmem:v54+s5+$0x0], $0xffff  }
0x14f: {  	v56 =	vor.u32 s25, v22;
	[tilespmem:s24+$0x10850] =	vst v32  }
0x150: {  	v32 =	vld.idx.msk [tilespmem:v55+s5+$0x0], $0xffff  }
0x151: {  	v57 =	vor.u32 s3, v23;
	_ =	sdelay $0x1  }
0x152: {  	[tilespmem:s24+$0x108D0] =	vst v34  }
0x153: {  	v34 =	vld.idx.msk [tilespmem:v56+s5+$0x0], $0xffff  }
0x154: {  	v58 =	vor.u32 s25, v23;
	[tilespmem:s24+$0x10860] =	vst v32  }
0x155: {  	v32 =	vld.idx.msk [tilespmem:v57+s5+$0x0], $0xffff  }
0x156: {  	v59 =	vor.u32 s3, v24;
	_ =	sdelay $0x1  }
0x157: {  	[tilespmem:s24+$0x108E0] =	vst v34  }
0x158: {  	v34 =	vld.idx.msk [tilespmem:v58+s5+$0x0], $0xffff  }
0x159: {  	v60 =	vor.u32 s25, v24;
	[tilespmem:s24+$0x10870] =	vst v32  }
0x15a: {  	v32 =	vld.idx.msk [tilespmem:v59+s5+$0x0], $0xffff  }
0x15b: {  	v61 =	vor.u32 s3, v25;
	_ =	sdelay $0x1  }
0x15c: {  	[tilespmem:s24+$0x108F0] =	vst v34  }
0x15d: {  	v34 =	vld.idx.msk [tilespmem:v60+s5+$0x0], $0xffff  }
0x15e: {  	v62 =	vor.u32 s25, v25;
	[tilespmem:s24+$0x10C00] =	vst v32  }
0x15f: {  	v32 =	vld.idx.msk [tilespmem:v61+s5+$0x0], $0xffff  }
0x160: {  	v63 =	vor.u32 s3, v26;
	_ =	sdelay $0x1  }
0x161: {  	[tilespmem:s24+$0x10C80] =	vst v34  }
0x162: {  	v34 =	vld.idx.msk [tilespmem:v62+s5+$0x0], $0xffff  }
0x163: {  	v36 =	vor.u32 s25, v26;
	[tilespmem:s24+$0x10C10] =	vst v32  }
0x164: {  	v32 =	vld.idx.msk [tilespmem:v63+s5+$0x0], $0xffff  }
0x165: {  	v37 =	vor.u32 s3, v27;
	_ =	sdelay $0x1  }
0x166: {  	[tilespmem:s24+$0x10C90] =	vst v34  }
0x167: {  	v34 =	vld.idx.msk [tilespmem:v36+s5+$0x0], $0xffff  }
0x168: {  	v38 =	vor.u32 s25, v27;
	[tilespmem:s24+$0x10C20] =	vst v32  }
0x169: {  	v32 =	vld.idx.msk [tilespmem:v37+s5+$0x0], $0xffff  }
0x16a: {  	v39 =	vor.u32 s3, v28;
	_ =	sdelay $0x1  }
0x16b: {  	[tilespmem:s24+$0x10CA0] =	vst v34  }
0x16c: {  	v34 =	vld.idx.msk [tilespmem:v38+s5+$0x0], $0xffff  }
0x16d: {  	v40 =	vor.u32 s25, v28;
	[tilespmem:s24+$0x10C30] =	vst v32  }
0x16e: {  	v32 =	vld.idx.msk [tilespmem:v39+s5+$0x0], $0xffff  }
0x16f: {  	v41 =	vor.u32 s3, v29;
	_ =	sdelay $0x1  }
0x170: {  	[tilespmem:s24+$0x10CB0] =	vst v34  }
0x171: {  	v34 =	vld.idx.msk [tilespmem:v40+s5+$0x0], $0xffff  }
0x172: {  	v42 =	vor.u32 s25, v29;
	[tilespmem:s24+$0x10C40] =	vst v32  }
0x173: {  	v32 =	vld.idx.msk [tilespmem:v41+s5+$0x0], $0xffff  }
0x174: {  	s30 =	sor.u32 $0x6, s3;
	v43 =	vor.u32 s3, v30  }
0x175: {  	s31 =	sor.u32 $0x4, s3;
	s26 =	sor.u32 $0x8, s3;
	v37 =	vor.u32 s30, v0  }
0x176: {  	s28 =	sor.u32 $0xA, s3;
	s29 =	sor.u32 $0xC, s3;
	v45 =	vor.u32 s3, v31;
	s3 =	sor.u32 $0xE, s3;
	v36 =	vor.u32 s31, v0;
	[tilespmem:s24+$0x10CC0] =	vst v34  }
0x177: {  	v39 =	vor.u32 s3, v0;
	v34 =	vld.idx.msk [tilespmem:v42+s5+$0x0], $0xffff  }
0x178: {  	v44 =	vor.u32 s25, v30;
	[tilespmem:s24+$0x10C50] =	vst v32  }
0x179: {  	v47 =	vor.u32 s26, v0;
	v32 =	vld.idx.msk [tilespmem:v43+s5+$0x0], $0xffff  }
0x17a: {  	v37 =	vld.idx.msk [tilespmem:v37+s5+$0x0], $0xffff;
	v38 =	vor.u32 s29, v0  }
0x17b: {  	v36 =	vld.idx.msk [tilespmem:v36+s5+$0x0], $0xffff  }
0x17c: {  	v39 =	vld.idx.msk [tilespmem:v39+s5+$0x0], $0xffff;
	v40 =	vor.u32 s31, v1;
	[tilespmem:s24+$0x10CD0] =	vst v34  }
0x17d: {  	v48 =	vor.u32 s28, v0;
	v34 =	vld.idx.msk [tilespmem:v44+s5+$0x0], $0xffff  }
0x17e: {  	v46 =	vor.u32 s25, v31;
	[tilespmem:s24+$0x10C60] =	vst v32;
	v32 =	vld.idx.msk [tilespmem:v47+s5+$0x0], $0xffff  }
0x17f: {  	[tilespmem:s24+$0x10180] =	vst v37;
	v41 =	vor.u32 s30, v1;
	v38 =	vld.idx.msk [tilespmem:v38+s5+$0x0], $0xffff  }
0x180: {  	v51 =	vor.u32 s29, v1;
	v33 =	vld.idx.msk [tilespmem:v45+s5+$0x0], $0xffff;
	[tilespmem:s24+$0x10100] =	vst v36  }
0x181: {  	v52 =	vor.u32 s3, v1;
	[tilespmem:s24+$0x10380] =	vst v39;
	v40 =	vld.idx.msk [tilespmem:v40+s5+$0x0], $0xffff  }
0x182: {  	v49 =	vor.u32 s26, v1;
	[tilespmem:s24+$0x10CE0] =	vst v34;
	v34 =	vld.idx.msk [tilespmem:v48+s5+$0x0], $0xffff  }
0x183: {  	v50 =	vor.u32 s28, v1;
	[tilespmem:s24+$0x10200] =	vst v32;
	v35 =	vld.idx.msk [tilespmem:v46+s5+$0x0], $0xffff  }
0x184: {  	v41 =	vld.idx.msk [tilespmem:v41+s5+$0x0], $0xffff;
	[tilespmem:s24+$0x10300] =	vst v38;
	v42 =	vor.u32 s31, v2  }
0x185: {  	v53 =	vor.u32 s30, v2;
	[tilespmem:s24+$0x10C70] =	vst v33;
	v36 =	vld.idx.msk [tilespmem:v51+s5+$0x0], $0xffff  }
0x186: {  	v56 =	vor.u32 s29, v2;
	v37 =	vld.idx.msk [tilespmem:v52+s5+$0x0], $0xffff;
	[tilespmem:s24+$0x10110] =	vst v40  }
0x187: {  	v57 =	vor.u32 s3, v2;
	v33 =	vld.idx.msk [tilespmem:v49+s5+$0x0], $0xffff;
	[tilespmem:s24+$0x10280] =	vst v34  }
0x188: {  	v54 =	vor.u32 s26, v2;
	[tilespmem:s24+$0x10CF0] =	vst v35;
	v35 =	vld.idx.msk [tilespmem:v50+s5+$0x0], $0xffff  }
0x189: {  	v55 =	vor.u32 s28, v2;
	[tilespmem:s24+$0x10190] =	vst v41;
	v40 =	vld.idx.msk [tilespmem:v42+s5+$0x0], $0xffff  }
0x18a: {  	v58 =	vor.u32 s31, v3;
	v32 =	vld.idx.msk [tilespmem:v53+s5+$0x0], $0xffff;
	[tilespmem:s24+$0x10310] =	vst v36  }
0x18b: {  	v59 =	vor.u32 s30, v3;
	[tilespmem:s24+$0x10390] =	vst v37;
	v39 =	vld.idx.msk [tilespmem:v56+s5+$0x0], $0xffff  }
0x18c: {  	v63 =	vld.idx.msk [tilespmem:v57+s5+$0x0], $0xffff;
	v62 =	vor.u32 s29, v3;
	[tilespmem:s24+$0x10210] =	vst v33  }
0x18d: {  	v46 =	vor.u32 s3, v3;
	v34 =	vld.idx.msk [tilespmem:v54+s5+$0x0], $0xffff;
	[tilespmem:s24+$0x10290] =	vst v35  }
0x18e: {  	v60 =	vor.u32 s26, v3;
	[tilespmem:s24+$0x10120] =	vst v40;
	v38 =	vld.idx.msk [tilespmem:v55+s5+$0x0], $0xffff  }
0x18f: {  	v61 =	vor.u32 s28, v3;
	[tilespmem:s24+$0x101A0] =	vst v32;
	v45 =	vld.idx.msk [tilespmem:v58+s5+$0x0], $0xffff  }
0x190: {  	v47 =	vor.u32 s31, v4;
	v33 =	vld.idx.msk [tilespmem:v59+s5+$0x0], $0xffff;
	[tilespmem:s24+$0x10320] =	vst v39  }
0x191: {  	[tilespmem:s24+$0x103A0] =	vst v63;
	v48 =	vor.u32 s30, v4;
	v37 =	vld.idx.msk [tilespmem:v62+s5+$0x0], $0xffff  }
0x192: {  	v51 =	vor.u32 s29, v4;
	v32 =	vld.idx.msk [tilespmem:v46+s5+$0x0], $0xffff;
	[tilespmem:s24+$0x10220] =	vst v34  }
0x193: {  	v52 =	vor.u32 s3, v4;
	v35 =	vld.idx.msk [tilespmem:v60+s5+$0x0], $0xffff;
	[tilespmem:s24+$0x102A0] =	vst v38  }
0x194: {  	v49 =	vor.u32 s26, v4;
	[tilespmem:s24+$0x10130] =	vst v45;
	v36 =	vld.idx.msk [tilespmem:v61+s5+$0x0], $0xffff  }
0x195: {  	[tilespmem:s24+$0x101B0] =	vst v33;
	v50 =	vor.u32 s28, v4;
	v41 =	vld.idx.msk [tilespmem:v47+s5+$0x0], $0xffff  }
0x196: {  	v53 =	vor.u32 s31, v5;
	[tilespmem:s24+$0x10330] =	vst v37;
	v34 =	vld.idx.msk [tilespmem:v48+s5+$0x0], $0xffff  }
0x197: {  	v54 =	vor.u32 s30, v5;
	v40 =	vld.idx.msk [tilespmem:v51+s5+$0x0], $0xffff;
	[tilespmem:s24+$0x103B0] =	vst v32  }
0x198: {  	v57 =	vor.u32 s29, v5;
	v33 =	vld.idx.msk [tilespmem:v52+s5+$0x0], $0xffff;
	[tilespmem:s24+$0x10230] =	vst v35  }
0x199: {  	v58 =	vor.u32 s3, v5;
	v38 =	vld.idx.msk [tilespmem:v49+s5+$0x0], $0xffff;
	[tilespmem:s24+$0x102B0] =	vst v36  }
0x19a: {  	[tilespmem:s24+$0x10140] =	vst v41;
	v55 =	vor.u32 s26, v5;
	v39 =	vld.idx.msk [tilespmem:v50+s5+$0x0], $0xffff  }
0x19b: {  	v56 =	vor.u32 s28, v5;
	v41 =	vld.idx.msk [tilespmem:v53+s5+$0x0], $0xffff;
	[tilespmem:s24+$0x101C0] =	vst v34  }
0x19c: {  	v59 =	vor.u32 s31, v6;
	[tilespmem:s24+$0x10340] =	vst v40;
	v35 =	vld.idx.msk [tilespmem:v54+s5+$0x0], $0xffff  }
0x19d: {  	v60 =	vor.u32 s30, v6;
	v32 =	vld.idx.msk [tilespmem:v57+s5+$0x0], $0xffff;
	[tilespmem:s24+$0x103C0] =	vst v33  }
0x19e: {  	v63 =	vor.u32 s29, v6;
	v34 =	vld.idx.msk [tilespmem:v58+s5+$0x0], $0xffff;
	[tilespmem:s24+$0x10240] =	vst v38  }
0x19f: {  	v45 =	vor.u32 s3, v6;
	v36 =	vld.idx.msk [tilespmem:v55+s5+$0x0], $0xffff;
	[tilespmem:s24+$0x102C0] =	vst v39  }
0x1a0: {  	[tilespmem:s24+$0x10150] =	vst v41;
	v61 =	vor.u32 s26, v6;
	v37 =	vld.idx.msk [tilespmem:v56+s5+$0x0], $0xffff  }
0x1a1: {  	v62 =	vor.u32 s28, v6;
	v41 =	vld.idx.msk [tilespmem:v59+s5+$0x0], $0xffff;
	[tilespmem:s24+$0x101D0] =	vst v35  }
0x1a2: {  	v46 =	vor.u32 s31, v7;
	[tilespmem:s24+$0x10350] =	vst v32;
	v38 =	vld.idx.msk [tilespmem:v60+s5+$0x0], $0xffff  }
0x1a3: {  	v47 =	vor.u32 s30, v7;
	v33 =	vld.idx.msk [tilespmem:v63+s5+$0x0], $0xffff;
	[tilespmem:s24+$0x103D0] =	vst v34  }
0x1a4: {  	v50 =	vor.u32 s29, v7;
	v35 =	vld.idx.msk [tilespmem:v45+s5+$0x0], $0xffff;
	[tilespmem:s24+$0x10250] =	vst v36  }
0x1a5: {  	v51 =	vor.u32 s3, v7;
	v39 =	vld.idx.msk [tilespmem:v61+s5+$0x0], $0xffff;
	[tilespmem:s24+$0x102D0] =	vst v37  }
0x1a6: {  	v48 =	vor.u32 s26, v7;
	[tilespmem:s24+$0x10160] =	vst v41;
	v40 =	vld.idx.msk [tilespmem:v62+s5+$0x0], $0xffff  }
0x1a7: {  	v49 =	vor.u32 s28, v7;
	v41 =	vld.idx.msk [tilespmem:v46+s5+$0x0], $0xffff;
	[tilespmem:s24+$0x101E0] =	vst v38  }
0x1a8: {  	v52 =	vor.u32 s31, v8;
	[tilespmem:s24+$0x10360] =	vst v33;
	v36 =	vld.idx.msk [tilespmem:v47+s5+$0x0], $0xffff  }
0x1a9: {  	v53 =	vor.u32 s30, v8;
	v34 =	vld.idx.msk [tilespmem:v50+s5+$0x0], $0xffff;
	[tilespmem:s24+$0x103E0] =	vst v35  }
0x1aa: {  	v56 =	vor.u32 s29, v8;
	v38 =	vld.idx.msk [tilespmem:v51+s5+$0x0], $0xffff;
	[tilespmem:s24+$0x10260] =	vst v39  }
0x1ab: {  	v57 =	vor.u32 s3, v8;
	v37 =	vld.idx.msk [tilespmem:v48+s5+$0x0], $0xffff;
	[tilespmem:s24+$0x102E0] =	vst v40  }
0x1ac: {  	v54 =	vor.u32 s26, v8;
	[tilespmem:s24+$0x10170] =	vst v41;
	v32 =	vld.idx.msk [tilespmem:v49+s5+$0x0], $0xffff  }
0x1ad: {  	v55 =	vor.u32 s28, v8;
	v41 =	vld.idx.msk [tilespmem:v52+s5+$0x0], $0xffff;
	[tilespmem:s24+$0x101F0] =	vst v36  }
0x1ae: {  	v58 =	vor.u32 s31, v9;
	v39 =	vld.idx.msk [tilespmem:v53+s5+$0x0], $0xffff;
	[tilespmem:s24+$0x10370] =	vst v34  }
0x1af: {  	v59 =	vor.u32 s30, v9;
	v35 =	vld.idx.msk [tilespmem:v56+s5+$0x0], $0xffff;
	[tilespmem:s24+$0x103F0] =	vst v38  }
0x1b0: {  	v62 =	vor.u32 s29, v9;
	v36 =	vld.idx.msk [tilespmem:v57+s5+$0x0], $0xffff;
	[tilespmem:s24+$0x10270] =	vst v37  }
0x1b1: {  	v63 =	vor.u32 s3, v9;
	v40 =	vld.idx.msk [tilespmem:v54+s5+$0x0], $0xffff;
	[tilespmem:s24+$0x102F0] =	vst v32  }
0x1b2: {  	v60 =	vor.u32 s26, v9;
	[tilespmem:s24+$0x10500] =	vst v41;
	v33 =	vld.idx.msk [tilespmem:v55+s5+$0x0], $0xffff  }
0x1b3: {  	v61 =	vor.u32 s28, v9;
	v41 =	vld.idx.msk [tilespmem:v58+s5+$0x0], $0xffff;
	[tilespmem:s24+$0x10580] =	vst v39  }
0x1b4: {  	v45 =	vor.u32 s31, v10;
	v37 =	vld.idx.msk [tilespmem:v59+s5+$0x0], $0xffff;
	[tilespmem:s24+$0x10700] =	vst v35  }
0x1b5: {  	v46 =	vor.u32 s30, v10;
	v38 =	vld.idx.msk [tilespmem:v62+s5+$0x0], $0xffff;
	[tilespmem:s24+$0x10780] =	vst v36  }
0x1b6: {  	v49 =	vor.u32 s29, v10;
	v39 =	vld.idx.msk [tilespmem:v63+s5+$0x0], $0xffff;
	[tilespmem:s24+$0x10600] =	vst v40  }
0x1b7: {  	v50 =	vor.u32 s3, v10;
	v32 =	vld.idx.msk [tilespmem:v60+s5+$0x0], $0xffff;
	[tilespmem:s24+$0x10680] =	vst v33  }
0x1b8: {  	v47 =	vor.u32 s26, v10;
	[tilespmem:s24+$0x10510] =	vst v41;
	v34 =	vld.idx.msk [tilespmem:v61+s5+$0x0], $0xffff  }
0x1b9: {  	v48 =	vor.u32 s28, v10;
	v41 =	vld.idx.msk [tilespmem:v45+s5+$0x0], $0xffff;
	[tilespmem:s24+$0x10590] =	vst v37  }
0x1ba: {  	v51 =	vor.u32 s31, v11;
	v40 =	vld.idx.msk [tilespmem:v46+s5+$0x0], $0xffff;
	[tilespmem:s24+$0x10710] =	vst v38  }
0x1bb: {  	v52 =	vor.u32 s30, v11;
	v36 =	vld.idx.msk [tilespmem:v49+s5+$0x0], $0xffff;
	[tilespmem:s24+$0x10790] =	vst v39  }
0x1bc: {  	v55 =	vor.u32 s29, v11;
	v37 =	vld.idx.msk [tilespmem:v50+s5+$0x0], $0xffff;
	[tilespmem:s24+$0x10610] =	vst v32  }
0x1bd: {  	v56 =	vor.u32 s3, v11;
	v33 =	vld.idx.msk [tilespmem:v47+s5+$0x0], $0xffff;
	[tilespmem:s24+$0x10690] =	vst v34  }
0x1be: {  	v53 =	vor.u32 s26, v11;
	[tilespmem:s24+$0x10520] =	vst v41;
	v35 =	vld.idx.msk [tilespmem:v48+s5+$0x0], $0xffff  }
0x1bf: {  	v54 =	vor.u32 s28, v11;
	v41 =	vld.idx.msk [tilespmem:v51+s5+$0x0], $0xffff;
	[tilespmem:s24+$0x105A0] =	vst v40  }
0x1c0: {  	v57 =	vor.u32 s31, v12;
	v32 =	vld.idx.msk [tilespmem:v52+s5+$0x0], $0xffff;
	[tilespmem:s24+$0x10720] =	vst v36  }
0x1c1: {  	v58 =	vor.u32 s30, v12;
	v39 =	vld.idx.msk [tilespmem:v55+s5+$0x0], $0xffff;
	[tilespmem:s24+$0x107A0] =	vst v37  }
0x1c2: {  	v61 =	vor.u32 s29, v12;
	v40 =	vld.idx.msk [tilespmem:v56+s5+$0x0], $0xffff;
	[tilespmem:s24+$0x10620] =	vst v33  }
0x1c3: {  	v62 =	vor.u32 s3, v12;
	v34 =	vld.idx.msk [tilespmem:v53+s5+$0x0], $0xffff;
	[tilespmem:s24+$0x106A0] =	vst v35  }
0x1c4: {  	v59 =	vor.u32 s26, v12;
	[tilespmem:s24+$0x10530] =	vst v41;
	v38 =	vld.idx.msk [tilespmem:v54+s5+$0x0], $0xffff  }
0x1c5: {  	v60 =	vor.u32 s28, v12;
	v41 =	vld.idx.msk [tilespmem:v57+s5+$0x0], $0xffff;
	[tilespmem:s24+$0x105B0] =	vst v32  }
0x1c6: {  	v63 =	vor.u32 s31, v13;
	v33 =	vld.idx.msk [tilespmem:v58+s5+$0x0], $0xffff;
	[tilespmem:s24+$0x10730] =	vst v39  }
0x1c7: {  	v45 =	vor.u32 s30, v13;
	v37 =	vld.idx.msk [tilespmem:v61+s5+$0x0], $0xffff;
	[tilespmem:s24+$0x107B0] =	vst v40  }
0x1c8: {  	v48 =	vor.u32 s29, v13;
	v32 =	vld.idx.msk [tilespmem:v62+s5+$0x0], $0xffff;
	[tilespmem:s24+$0x10630] =	vst v34  }
0x1c9: {  	v49 =	vor.u32 s3, v13;
	v35 =	vld.idx.msk [tilespmem:v59+s5+$0x0], $0xffff;
	[tilespmem:s24+$0x106B0] =	vst v38  }
0x1ca: {  	v46 =	vor.u32 s26, v13;
	[tilespmem:s24+$0x10540] =	vst v41;
	v36 =	vld.idx.msk [tilespmem:v60+s5+$0x0], $0xffff  }
0x1cb: {  	v47 =	vor.u32 s28, v13;
	v41 =	vld.idx.msk [tilespmem:v63+s5+$0x0], $0xffff;
	[tilespmem:s24+$0x105C0] =	vst v33  }
0x1cc: {  	v50 =	vor.u32 s31, v14;
	v34 =	vld.idx.msk [tilespmem:v45+s5+$0x0], $0xffff;
	[tilespmem:s24+$0x10740] =	vst v37  }
0x1cd: {  	v51 =	vor.u32 s30, v14;
	v40 =	vld.idx.msk [tilespmem:v48+s5+$0x0], $0xffff;
	[tilespmem:s24+$0x107C0] =	vst v32  }
0x1ce: {  	v54 =	vor.u32 s29, v14;
	v33 =	vld.idx.msk [tilespmem:v49+s5+$0x0], $0xffff;
	[tilespmem:s24+$0x10640] =	vst v35  }
0x1cf: {  	v55 =	vor.u32 s3, v14;
	v38 =	vld.idx.msk [tilespmem:v46+s5+$0x0], $0xffff;
	[tilespmem:s24+$0x106C0] =	vst v36  }
0x1d0: {  	v52 =	vor.u32 s26, v14;
	[tilespmem:s24+$0x10550] =	vst v41;
	v39 =	vld.idx.msk [tilespmem:v47+s5+$0x0], $0xffff  }
0x1d1: {  	v53 =	vor.u32 s28, v14;
	v41 =	vld.idx.msk [tilespmem:v50+s5+$0x0], $0xffff;
	[tilespmem:s24+$0x105D0] =	vst v34  }
0x1d2: {  	v56 =	vor.u32 s31, v15;
	v35 =	vld.idx.msk [tilespmem:v51+s5+$0x0], $0xffff;
	[tilespmem:s24+$0x10750] =	vst v40  }
0x1d3: {  	v57 =	vor.u32 s30, v15;
	v32 =	vld.idx.msk [tilespmem:v54+s5+$0x0], $0xffff;
	[tilespmem:s24+$0x107D0] =	vst v33  }
0x1d4: {  	v60 =	vor.u32 s29, v15;
	v34 =	vld.idx.msk [tilespmem:v55+s5+$0x0], $0xffff;
	[tilespmem:s24+$0x10650] =	vst v38  }
0x1d5: {  	v61 =	vor.u32 s3, v15;
	v36 =	vld.idx.msk [tilespmem:v52+s5+$0x0], $0xffff;
	[tilespmem:s24+$0x106D0] =	vst v39  }
0x1d6: {  	v58 =	vor.u32 s26, v15;
	[tilespmem:s24+$0x10560] =	vst v41;
	v37 =	vld.idx.msk [tilespmem:v53+s5+$0x0], $0xffff  }
0x1d7: {  	v59 =	vor.u32 s28, v15;
	v41 =	vld.idx.msk [tilespmem:v56+s5+$0x0], $0xffff;
	[tilespmem:s24+$0x105E0] =	vst v35  }
0x1d8: {  	v62 =	vor.u32 s31, v16;
	v38 =	vld.idx.msk [tilespmem:v57+s5+$0x0], $0xffff;
	[tilespmem:s24+$0x10760] =	vst v32  }
0x1d9: {  	v63 =	vor.u32 s30, v16;
	v33 =	vld.idx.msk [tilespmem:v60+s5+$0x0], $0xffff;
	[tilespmem:s24+$0x107E0] =	vst v34  }
0x1da: {  	v47 =	vor.u32 s29, v16;
	v35 =	vld.idx.msk [tilespmem:v61+s5+$0x0], $0xffff;
	[tilespmem:s24+$0x10660] =	vst v36  }
0x1db: {  	v48 =	vor.u32 s3, v16;
	v39 =	vld.idx.msk [tilespmem:v58+s5+$0x0], $0xffff;
	[tilespmem:s24+$0x106E0] =	vst v37  }
0x1dc: {  	v45 =	vor.u32 s26, v16;
	[tilespmem:s24+$0x10570] =	vst v41;
	v40 =	vld.idx.msk [tilespmem:v59+s5+$0x0], $0xffff  }
0x1dd: {  	v46 =	vor.u32 s28, v16;
	v41 =	vld.idx.msk [tilespmem:v62+s5+$0x0], $0xffff;
	[tilespmem:s24+$0x105F0] =	vst v38  }
0x1de: {  	v49 =	vor.u32 s31, v17;
	v36 =	vld.idx.msk [tilespmem:v63+s5+$0x0], $0xffff;
	[tilespmem:s24+$0x10770] =	vst v33  }
0x1df: {  	v50 =	vor.u32 s30, v17;
	v34 =	vld.idx.msk [tilespmem:v47+s5+$0x0], $0xffff;
	[tilespmem:s24+$0x107F0] =	vst v35  }
0x1e0: {  	v53 =	vor.u32 s29, v17;
	v38 =	vld.idx.msk [tilespmem:v48+s5+$0x0], $0xffff;
	[tilespmem:s24+$0x10670] =	vst v39  }
0x1e1: {  	v54 =	vor.u32 s3, v17;
	v37 =	vld.idx.msk [tilespmem:v45+s5+$0x0], $0xffff;
	[tilespmem:s24+$0x106F0] =	vst v40  }
0x1e2: {  	v51 =	vor.u32 s26, v17;
	[tilespmem:s24+$0x10900] =	vst v41;
	v32 =	vld.idx.msk [tilespmem:v46+s5+$0x0], $0xffff  }
0x1e3: {  	v52 =	vor.u32 s28, v17;
	v41 =	vld.idx.msk [tilespmem:v49+s5+$0x0], $0xffff;
	[tilespmem:s24+$0x10980] =	vst v36  }
0x1e4: {  	v55 =	vor.u32 s31, v18;
	v39 =	vld.idx.msk [tilespmem:v50+s5+$0x0], $0xffff;
	[tilespmem:s24+$0x10B00] =	vst v34  }
0x1e5: {  	v56 =	vor.u32 s30, v18;
	v35 =	vld.idx.msk [tilespmem:v53+s5+$0x0], $0xffff;
	[tilespmem:s24+$0x10B80] =	vst v38  }
0x1e6: {  	v59 =	vor.u32 s29, v18;
	v36 =	vld.idx.msk [tilespmem:v54+s5+$0x0], $0xffff;
	[tilespmem:s24+$0x10A00] =	vst v37  }
0x1e7: {  	v60 =	vor.u32 s3, v18;
	v40 =	vld.idx.msk [tilespmem:v51+s5+$0x0], $0xffff;
	[tilespmem:s24+$0x10A80] =	vst v32  }
0x1e8: {  	v57 =	vor.u32 s26, v18;
	[tilespmem:s24+$0x10910] =	vst v41;
	v33 =	vld.idx.msk [tilespmem:v52+s5+$0x0], $0xffff  }
0x1e9: {  	v58 =	vor.u32 s28, v18;
	v41 =	vld.idx.msk [tilespmem:v55+s5+$0x0], $0xffff;
	[tilespmem:s24+$0x10990] =	vst v39  }
0x1ea: {  	v61 =	vor.u32 s31, v19;
	v37 =	vld.idx.msk [tilespmem:v56+s5+$0x0], $0xffff;
	[tilespmem:s24+$0x10B10] =	vst v35  }
0x1eb: {  	v62 =	vor.u32 s30, v19;
	v38 =	vld.idx.msk [tilespmem:v59+s5+$0x0], $0xffff;
	[tilespmem:s24+$0x10B90] =	vst v36  }
0x1ec: {  	v46 =	vor.u32 s29, v19;
	v39 =	vld.idx.msk [tilespmem:v60+s5+$0x0], $0xffff;
	[tilespmem:s24+$0x10A10] =	vst v40  }
0x1ed: {  	v47 =	vor.u32 s3, v19;
	v32 =	vld.idx.msk [tilespmem:v57+s5+$0x0], $0xffff;
	[tilespmem:s24+$0x10A90] =	vst v33  }
0x1ee: {  	v63 =	vor.u32 s26, v19;
	[tilespmem:s24+$0x10920] =	vst v41;
	v34 =	vld.idx.msk [tilespmem:v58+s5+$0x0], $0xffff  }
0x1ef: {  	v45 =	vor.u32 s28, v19;
	v41 =	vld.idx.msk [tilespmem:v61+s5+$0x0], $0xffff;
	[tilespmem:s24+$0x109A0] =	vst v37  }
0x1f0: {  	v48 =	vor.u32 s31, v20;
	v40 =	vld.idx.msk [tilespmem:v62+s5+$0x0], $0xffff;
	[tilespmem:s24+$0x10B20] =	vst v38  }
0x1f1: {  	v49 =	vor.u32 s30, v20;
	v36 =	vld.idx.msk [tilespmem:v46+s5+$0x0], $0xffff;
	[tilespmem:s24+$0x10BA0] =	vst v39  }
0x1f2: {  	v52 =	vor.u32 s29, v20;
	v37 =	vld.idx.msk [tilespmem:v47+s5+$0x0], $0xffff;
	[tilespmem:s24+$0x10A20] =	vst v32  }
0x1f3: {  	v53 =	vor.u32 s3, v20;
	v33 =	vld.idx.msk [tilespmem:v63+s5+$0x0], $0xffff;
	[tilespmem:s24+$0x10AA0] =	vst v34  }
0x1f4: {  	v50 =	vor.u32 s26, v20;
	[tilespmem:s24+$0x10930] =	vst v41;
	v35 =	vld.idx.msk [tilespmem:v45+s5+$0x0], $0xffff  }
0x1f5: {  	v51 =	vor.u32 s28, v20;
	v41 =	vld.idx.msk [tilespmem:v48+s5+$0x0], $0xffff;
	[tilespmem:s24+$0x109B0] =	vst v40  }
0x1f6: {  	v54 =	vor.u32 s31, v21;
	v32 =	vld.idx.msk [tilespmem:v49+s5+$0x0], $0xffff;
	[tilespmem:s24+$0x10B30] =	vst v36  }
0x1f7: {  	v55 =	vor.u32 s30, v21;
	v39 =	vld.idx.msk [tilespmem:v52+s5+$0x0], $0xffff;
	[tilespmem:s24+$0x10BB0] =	vst v37  }
0x1f8: {  	v58 =	vor.u32 s29, v21;
	v40 =	vld.idx.msk [tilespmem:v53+s5+$0x0], $0xffff;
	[tilespmem:s24+$0x10A30] =	vst v33  }
0x1f9: {  	v59 =	vor.u32 s3, v21;
	v34 =	vld.idx.msk [tilespmem:v50+s5+$0x0], $0xffff;
	[tilespmem:s24+$0x10AB0] =	vst v35  }
0x1fa: {  	v56 =	vor.u32 s26, v21;
	[tilespmem:s24+$0x10940] =	vst v41;
	v38 =	vld.idx.msk [tilespmem:v51+s5+$0x0], $0xffff  }
0x1fb: {  	v57 =	vor.u32 s28, v21;
	v41 =	vld.idx.msk [tilespmem:v54+s5+$0x0], $0xffff;
	[tilespmem:s24+$0x109C0] =	vst v32  }
0x1fc: {  	v60 =	vor.u32 s31, v22;
	v33 =	vld.idx.msk [tilespmem:v55+s5+$0x0], $0xffff;
	[tilespmem:s24+$0x10B40] =	vst v39  }
0x1fd: {  	v61 =	vor.u32 s30, v22;
	v37 =	vld.idx.msk [tilespmem:v58+s5+$0x0], $0xffff;
	[tilespmem:s24+$0x10BC0] =	vst v40  }
0x1fe: {  	v45 =	vor.u32 s29, v22;
	v32 =	vld.idx.msk [tilespmem:v59+s5+$0x0], $0xffff;
	[tilespmem:s24+$0x10A40] =	vst v34  }
0x1ff: {  	v46 =	vor.u32 s3, v22;
	v35 =	vld.idx.msk [tilespmem:v56+s5+$0x0], $0xffff;
	[tilespmem:s24+$0x10AC0] =	vst v38  }
0x200: {  	v62 =	vor.u32 s26, v22;
	[tilespmem:s24+$0x10950] =	vst v41;
	v36 =	vld.idx.msk [tilespmem:v57+s5+$0x0], $0xffff  }
0x201: {  	v63 =	vor.u32 s28, v22;
	v41 =	vld.idx.msk [tilespmem:v60+s5+$0x0], $0xffff;
	[tilespmem:s24+$0x109D0] =	vst v33  }
0x202: {  	v47 =	vor.u32 s31, v23;
	v34 =	vld.idx.msk [tilespmem:v61+s5+$0x0], $0xffff;
	[tilespmem:s24+$0x10B50] =	vst v37  }
0x203: {  	v48 =	vor.u32 s30, v23;
	v40 =	vld.idx.msk [tilespmem:v45+s5+$0x0], $0xffff;
	[tilespmem:s24+$0x10BD0] =	vst v32  }
0x204: {  	v51 =	vor.u32 s29, v23;
	v33 =	vld.idx.msk [tilespmem:v46+s5+$0x0], $0xffff;
	[tilespmem:s24+$0x10A50] =	vst v35  }
0x205: {  	v52 =	vor.u32 s3, v23;
	v38 =	vld.idx.msk [tilespmem:v62+s5+$0x0], $0xffff;
	[tilespmem:s24+$0x10AD0] =	vst v36  }
0x206: {  	v49 =	vor.u32 s26, v23;
	[tilespmem:s24+$0x10960] =	vst v41;
	v39 =	vld.idx.msk [tilespmem:v63+s5+$0x0], $0xffff  }
0x207: {  	v50 =	vor.u32 s28, v23;
	v41 =	vld.idx.msk [tilespmem:v47+s5+$0x0], $0xffff;
	[tilespmem:s24+$0x109E0] =	vst v34  }
0x208: {  	v53 =	vor.u32 s31, v24;
	v35 =	vld.idx.msk [tilespmem:v48+s5+$0x0], $0xffff;
	[tilespmem:s24+$0x10B60] =	vst v40  }
0x209: {  	v54 =	vor.u32 s30, v24;
	v32 =	vld.idx.msk [tilespmem:v51+s5+$0x0], $0xffff;
	[tilespmem:s24+$0x10BE0] =	vst v33  }
0x20a: {  	v57 =	vor.u32 s29, v24;
	v34 =	vld.idx.msk [tilespmem:v52+s5+$0x0], $0xffff;
	[tilespmem:s24+$0x10A60] =	vst v38  }
0x20b: {  	v58 =	vor.u32 s3, v24;
	v36 =	vld.idx.msk [tilespmem:v49+s5+$0x0], $0xffff;
	[tilespmem:s24+$0x10AE0] =	vst v39  }
0x20c: {  	v55 =	vor.u32 s26, v24;
	[tilespmem:s24+$0x10970] =	vst v41;
	v37 =	vld.idx.msk [tilespmem:v50+s5+$0x0], $0xffff  }
0x20d: {  	v56 =	vor.u32 s28, v24;
	v41 =	vld.idx.msk [tilespmem:v53+s5+$0x0], $0xffff;
	[tilespmem:s24+$0x109F0] =	vst v35  }
0x20e: {  	v59 =	vor.u32 s31, v25;
	v38 =	vld.idx.msk [tilespmem:v54+s5+$0x0], $0xffff;
	[tilespmem:s24+$0x10B70] =	vst v32  }
0x20f: {  	v60 =	vor.u32 s30, v25;
	v33 =	vld.idx.msk [tilespmem:v57+s5+$0x0], $0xffff;
	[tilespmem:s24+$0x10BF0] =	vst v34  }
0x210: {  	v63 =	vor.u32 s29, v25;
	v35 =	vld.idx.msk [tilespmem:v58+s5+$0x0], $0xffff;
	[tilespmem:s24+$0x10A70] =	vst v36  }
0x211: {  	v45 =	vor.u32 s3, v25;
	v39 =	vld.idx.msk [tilespmem:v55+s5+$0x0], $0xffff;
	[tilespmem:s24+$0x10AF0] =	vst v37  }
0x212: {  	v61 =	vor.u32 s26, v25;
	[tilespmem:s24+$0x10D00] =	vst v41;
	v40 =	vld.idx.msk [tilespmem:v56+s5+$0x0], $0xffff  }
0x213: {  	v62 =	vor.u32 s28, v25;
	v41 =	vld.idx.msk [tilespmem:v59+s5+$0x0], $0xffff;
	[tilespmem:s24+$0x10D80] =	vst v38  }
0x214: {  	v46 =	vor.u32 s31, v26;
	v36 =	vld.idx.msk [tilespmem:v60+s5+$0x0], $0xffff;
	[tilespmem:s24+$0x10F00] =	vst v33  }
0x215: {  	v47 =	vor.u32 s30, v26;
	v34 =	vld.idx.msk [tilespmem:v63+s5+$0x0], $0xffff;
	[tilespmem:s24+$0x10F80] =	vst v35  }
0x216: {  	v50 =	vor.u32 s29, v26;
	v38 =	vld.idx.msk [tilespmem:v45+s5+$0x0], $0xffff;
	[tilespmem:s24+$0x10E00] =	vst v39  }
0x217: {  	v51 =	vor.u32 s3, v26;
	v37 =	vld.idx.msk [tilespmem:v61+s5+$0x0], $0xffff;
	[tilespmem:s24+$0x10E80] =	vst v40  }
0x218: {  	v48 =	vor.u32 s26, v26;
	[tilespmem:s24+$0x10D10] =	vst v41;
	v32 =	vld.idx.msk [tilespmem:v62+s5+$0x0], $0xffff  }
0x219: {  	v49 =	vor.u32 s28, v26;
	v41 =	vld.idx.msk [tilespmem:v46+s5+$0x0], $0xffff;
	[tilespmem:s24+$0x10D90] =	vst v36  }
0x21a: {  	v52 =	vor.u32 s31, v27;
	v39 =	vld.idx.msk [tilespmem:v47+s5+$0x0], $0xffff;
	[tilespmem:s24+$0x10F10] =	vst v34  }
0x21b: {  	v53 =	vor.u32 s30, v27;
	v35 =	vld.idx.msk [tilespmem:v50+s5+$0x0], $0xffff;
	[tilespmem:s24+$0x10F90] =	vst v38  }
0x21c: {  	v56 =	vor.u32 s29, v27;
	v36 =	vld.idx.msk [tilespmem:v51+s5+$0x0], $0xffff;
	[tilespmem:s24+$0x10E10] =	vst v37  }
0x21d: {  	v57 =	vor.u32 s3, v27;
	v40 =	vld.idx.msk [tilespmem:v48+s5+$0x0], $0xffff;
	[tilespmem:s24+$0x10E90] =	vst v32  }
0x21e: {  	v54 =	vor.u32 s26, v27;
	[tilespmem:s24+$0x10D20] =	vst v41;
	v33 =	vld.idx.msk [tilespmem:v49+s5+$0x0], $0xffff  }
0x21f: {  	v55 =	vor.u32 s28, v27;
	v41 =	vld.idx.msk [tilespmem:v52+s5+$0x0], $0xffff;
	[tilespmem:s24+$0x10DA0] =	vst v39  }
0x220: {  	v58 =	vor.u32 s31, v28;
	v37 =	vld.idx.msk [tilespmem:v53+s5+$0x0], $0xffff;
	[tilespmem:s24+$0x10F20] =	vst v35  }
0x221: {  	v59 =	vor.u32 s30, v28;
	v38 =	vld.idx.msk [tilespmem:v56+s5+$0x0], $0xffff;
	[tilespmem:s24+$0x10FA0] =	vst v36  }
0x222: {  	v62 =	vor.u32 s29, v28;
	v39 =	vld.idx.msk [tilespmem:v57+s5+$0x0], $0xffff;
	[tilespmem:s24+$0x10E20] =	vst v40  }
0x223: {  	v63 =	vor.u32 s3, v28;
	v32 =	vld.idx.msk [tilespmem:v54+s5+$0x0], $0xffff;
	[tilespmem:s24+$0x10EA0] =	vst v33  }
0x224: {  	v60 =	vor.u32 s26, v28;
	[tilespmem:s24+$0x10D30] =	vst v41;
	v34 =	vld.idx.msk [tilespmem:v55+s5+$0x0], $0xffff  }
0x225: {  	v61 =	vor.u32 s28, v28;
	v41 =	vld.idx.msk [tilespmem:v58+s5+$0x0], $0xffff;
	[tilespmem:s24+$0x10DB0] =	vst v37  }
0x226: {  	v45 =	vor.u32 s31, v29;
	v40 =	vld.idx.msk [tilespmem:v59+s5+$0x0], $0xffff;
	[tilespmem:s24+$0x10F30] =	vst v38  }
0x227: {  	v46 =	vor.u32 s30, v29;
	v36 =	vld.idx.msk [tilespmem:v62+s5+$0x0], $0xffff;
	[tilespmem:s24+$0x10FB0] =	vst v39  }
0x228: {  	v49 =	vor.u32 s29, v29;
	v37 =	vld.idx.msk [tilespmem:v63+s5+$0x0], $0xffff;
	[tilespmem:s24+$0x10E30] =	vst v32  }
0x229: {  	v50 =	vor.u32 s3, v29;
	v33 =	vld.idx.msk [tilespmem:v60+s5+$0x0], $0xffff;
	[tilespmem:s24+$0x10EB0] =	vst v34  }
0x22a: {  	v47 =	vor.u32 s26, v29;
	[tilespmem:s24+$0x10D40] =	vst v41;
	v35 =	vld.idx.msk [tilespmem:v61+s5+$0x0], $0xffff  }
0x22b: {  	v48 =	vor.u32 s28, v29;
	v41 =	vld.idx.msk [tilespmem:v45+s5+$0x0], $0xffff;
	[tilespmem:s24+$0x10DC0] =	vst v40  }
0x22c: {  	v51 =	vor.u32 s31, v30;
	v32 =	vld.idx.msk [tilespmem:v46+s5+$0x0], $0xffff;
	[tilespmem:s24+$0x10F40] =	vst v36  }
0x22d: {  	v52 =	vor.u32 s30, v30;
	v39 =	vld.idx.msk [tilespmem:v49+s5+$0x0], $0xffff;
	[tilespmem:s24+$0x10FC0] =	vst v37  }
0x22e: {  	v55 =	vor.u32 s29, v30;
	v40 =	vld.idx.msk [tilespmem:v50+s5+$0x0], $0xffff;
	[tilespmem:s24+$0x10E40] =	vst v33  }
0x22f: {  	v56 =	vor.u32 s3, v30;
	v34 =	vld.idx.msk [tilespmem:v47+s5+$0x0], $0xffff;
	[tilespmem:s24+$0x10EC0] =	vst v35  }
0x230: {  	v53 =	vor.u32 s26, v30;
	[tilespmem:s24+$0x10D50] =	vst v41;
	v38 =	vld.idx.msk [tilespmem:v48+s5+$0x0], $0xffff  }
0x231: {  	v54 =	vor.u32 s28, v30;
	v41 =	vld.idx.msk [tilespmem:v51+s5+$0x0], $0xffff;
	[tilespmem:s24+$0x10DD0] =	vst v32  }
0x232: {  	v57 =	vor.u32 s31, v31;
	v33 =	vld.idx.msk [tilespmem:v52+s5+$0x0], $0xffff;
	[tilespmem:s24+$0x10F50] =	vst v39  }
0x233: {  	v58 =	vor.u32 s30, v31;
	[tilespmem:s24+$0x10FD0] =	vst v40;
	v37 =	vld.idx.msk [tilespmem:v55+s5+$0x0], $0xffff  }
0x234: {  	v61 =	vor.u32 s29, v31;
	v32 =	vld.idx.msk [tilespmem:v56+s5+$0x0], $0xffff;
	[tilespmem:s24+$0x10E50] =	vst v34  }
0x235: {  	v62 =	vor.u32 s3, v31;
	v35 =	vld.idx.msk [tilespmem:v53+s5+$0x0], $0xffff;
	[tilespmem:s24+$0x10ED0] =	vst v38  }
0x236: {  	v59 =	vor.u32 s26, v31;
	[tilespmem:s24+$0x10D60] =	vst v41;
	v36 =	vld.idx.msk [tilespmem:v54+s5+$0x0], $0xffff  }
0x237: {  	v60 =	vor.u32 s28, v31;
	v41 =	vld.idx.msk [tilespmem:v57+s5+$0x0], $0xffff;
	[tilespmem:s24+$0x10DE0] =	vst v33  }
0x238: {  	v34 =	vld.idx.msk [tilespmem:v58+s5+$0x0], $0xffff;
	[tilespmem:s24+$0x10F60] =	vst v37  }
0x239: {  	[tilespmem:s24+$0x10FE0] =	vst v32;
	v63 =	vld.idx.msk [tilespmem:v61+s5+$0x0], $0xffff  }
0x23a: {  	v33 =	vld.idx.msk [tilespmem:v62+s5+$0x0], $0xffff;
	[tilespmem:s24+$0x10E60] =	vst v35  }
0x23b: {  	v35 =	vld.idx.msk [tilespmem:v59+s5+$0x0], $0xffff;
	[tilespmem:s24+$0x10EE0] =	vst v36  }
0x23c: {  	p1 =	slt.u32 s23, $0x18;
	[tilespmem:s24+$0x10D70] =	vst v41;
	v36 =	vld.idx.msk [tilespmem:v60+s5+$0x0], $0xffff  }
.Ltmp4:
0x23d: {  	[tilespmem:s24+$0x10DF0] =	vst v34;
	(pc) =	sbr.rel @p1 .LBB2_6-.Ltmp4, $4  }
0x23e: {  	[tilespmem:s24+$0x10F70] =	vst v63  }
0x23f: {  	[tilespmem:s24+$0x10FF0] =	vst v33  }
0x240: {  	s31 =	sadd.s32 $0x8, s23;
	[tilespmem:s24+$0x10E70] =	vst v35  }
0x241: {  	s23 =	smov.u32 s31;
	[tilespmem:s24+$0x10EF0] =	vst v36  }
0x242: {  	p1 =	sne.s32 s20, $0x1F  }
.Ltmp5:
0x243: {  	s3 =	sshll.u32 s22, $0xB;
	s30 =	sshll.u32 s20, $0xC;
	(pc) =	sbr.rel @p1 .LBB2_9-.Ltmp5, $4  }
0x244: {  	s3 =	sand.u32 $0x1F0000, s3;
	s23 =	sand.u32 $0xF000, s30  }
0x245: {  	s22 =	sor.u32 s8, s3;
	s31 =	sadd.s32 s4, s23  }
0x246: {  	s3 =	sadd.s32 s22, s31  }
0x247: {  	[hbm4b:s3+s5] =	stream.linear.scatter [tilespmem:s13], [sflag:$0x3], $0x4000, $0x38;
	[tilespmem:$0x18000] =	vst v63  }
.Ltmp6:
0x248: {  	(pc) =	sbr.rel .LBB2_12-.Ltmp6, $4  }
0x249: {  	_ = 	snop  }
0x24a: {  	_ =	swait.ge [sflag:s14], $0x8000  }
0x24b: {  	[sflag:s14] =	ssyncset.done $0x0  }
0x24c: {  	[sflag:s14] =	ssyncadd.s32 $0xFFFF8000  }
.LBB2_9:
0x24d: {  	s3 =	sadd.s32 $0x2, s21  }
0x24e: {  	s24 =	sadd.s32 s2, s3  }
0x24f: {  	s3 =	sshll.u32 s3, $0x5;
	s25 =	sshll.u32 s24, $0xC;
	s24 =	sshll.u32 s24, $0x6  }
0x250: {  	s3 =	sand.u32 $0x3C0, s3;
	s25 =	sand.u32 $0xC00000, s25;
	s24 =	sand.u32 $0xF800, s24  }
0x251: {  	s3 =	sadd.s32 s1, s3;
	s24 =	sor.u32 s24, s25  }
0x252: {  	s3 =	sadd.s32 s24, s3  }
0x253: {  	s26 =	simm.s32 $0x0;
	s24 =	simm.s32 $0x800;
	s25 =	sadd.s32 $0x10000, s3  }
.LBB2_10:
0x254: {  	[tilespmem:s26], [sflag:$0x1] =	stream.strided.gather [hbm4b:s3+s10], $0x200, s11, s10, $0x38;
	[tilespmem:$0x18000] =	vst v63  }
0x255: {  	s26 =	smov.u32 s24;
	s3 =	smov.u32 s25;
	p1 =	sne.s32 s24, $0x1F800  }
.Ltmp7:
0x256: {  	s24 =	sadd.s32 $0x800, s24;
	(pc) =	sbr.rel @p1 .LBB2_10-.Ltmp7, $2  }
0x257: {  	_ =	sdelay $0x2  }
0x258: {  	s25 =	sadd.s32 $0x10000, s25;
	s26 =	sshra.s32 s26, $0x2  }
.Ltmp8:
0x259: {  	(pc) =	sbr.rel @p0 .LBB2_13-.Ltmp8, $4  }
0x25a: {  	[tilespmem:s26], [sflag:$0x1] =	stream.strided.gather [hbm4b:s3+s10], $0x200, s11, s10, $0x38;
	[tilespmem:$0x18000] =	vst v63  }
0x25b: {  	_ =	swait.ge [sflag:s14], $0x8000  }
0x25c: {  	[sflag:s14] =	ssyncset.done $0x0  }
0x25d: {  	[sflag:s14] =	ssyncadd.s32 $0xFFFF8000  }
.LBB2_12:
0x25e: {  	_ =	swait.ge [sflag:s15], $0x4000  }
0x25f: {  	[sflag:s15] =	ssyncset.done $0x0  }
0x260: {  	[sflag:s15] =	ssyncadd.s32 $0xFFFFC000  }
.LBB2_13:
0x261: {  	s24 =	simm.s32 $0x0  }
.LBB2_14:
0x262: {  	s26 =	sshll.u32 s24, $0x1  }
0x263: {  	v32 =	vor.u32 s26, v0;
	_ =	sdelay $0x4  }
0x264: {  	v32 =	vld.idx.msk [tilespmem:v32+s16+$0x0], $0xffff  }
0x265: {  	v33 =	vor.u32 s26, v1;
	_ =	sdelay $0x1  }
0x266: {  	s3 =	sshll.u32 s24, $0x9  }
0x267: {  	s25 =	sand.u32 $0x3FFFFE00, s3  }
0x268: {  	[tilespmem:s25+$0x14000] =	vst v32  }
0x269: {  	v32 =	vld.idx.msk [tilespmem:v33+s16+$0x0], $0xffff  }
0x26a: {  	v43 =	vor.u32 s26, v2;
	_ =	sdelay $0x3  }
0x26b: {  	[tilespmem:s25+$0x14010] =	vst v32  }
0x26c: {  	v32 =	vld.idx.msk [tilespmem:v43+s16+$0x0], $0xffff  }
0x26d: {  	v44 =	vor.u32 s26, v3;
	_ =	sdelay $0x3  }
0x26e: {  	[tilespmem:s25+$0x14020] =	vst v32  }
0x26f: {  	v32 =	vld.idx.msk [tilespmem:v44+s16+$0x0], $0xffff  }
0x270: {  	v45 =	vor.u32 s26, v4;
	_ =	sdelay $0x3  }
0x271: {  	[tilespmem:s25+$0x14030] =	vst v32  }
0x272: {  	v32 =	vld.idx.msk [tilespmem:v45+s16+$0x0], $0xffff  }
0x273: {  	v46 =	vor.u32 s26, v5;
	_ =	sdelay $0x3  }
0x274: {  	[tilespmem:s25+$0x14040] =	vst v32  }
0x275: {  	v32 =	vld.idx.msk [tilespmem:v46+s16+$0x0], $0xffff  }
0x276: {  	v47 =	vor.u32 s26, v6;
	s30 =	sor.u32 $0x2, s26  }
0x277: {  	v34 =	vor.u32 s30, v0;
	_ =	sdelay $0x2  }
0x278: {  	[tilespmem:s25+$0x14050] =	vst v32  }
0x279: {  	v32 =	vld.idx.msk [tilespmem:v47+s16+$0x0], $0xffff  }
0x27a: {  	v33 =	vld.idx.msk [tilespmem:v34+s16+$0x0], $0xffff  }
0x27b: {  	v48 =	vor.u32 s30, v1;
	_ =	sdelay $0x3  }
0x27c: {  	[tilespmem:s25+$0x14080] =	vst v33  }
0x27d: {  	v33 =	vld.idx.msk [tilespmem:v48+s16+$0x0], $0xffff  }
0x27e: {  	v49 =	vor.u32 s30, v2;
	_ =	sdelay $0x3  }
0x27f: {  	[tilespmem:s25+$0x14090] =	vst v33  }
0x280: {  	v33 =	vld.idx.msk [tilespmem:v49+s16+$0x0], $0xffff  }
0x281: {  	v50 =	vor.u32 s30, v3;
	_ =	sdelay $0x3  }
0x282: {  	[tilespmem:s25+$0x140A0] =	vst v33  }
0x283: {  	v33 =	vld.idx.msk [tilespmem:v50+s16+$0x0], $0xffff  }
0x284: {  	v51 =	vor.u32 s30, v4;
	_ =	sdelay $0x3  }
0x285: {  	[tilespmem:s25+$0x140B0] =	vst v33  }
0x286: {  	v33 =	vld.idx.msk [tilespmem:v51+s16+$0x0], $0xffff  }
0x287: {  	v52 =	vor.u32 s30, v5;
	_ =	sdelay $0x3  }
0x288: {  	[tilespmem:s25+$0x140C0] =	vst v33  }
0x289: {  	v33 =	vld.idx.msk [tilespmem:v52+s16+$0x0], $0xffff  }
0x28a: {  	v53 =	vor.u32 s30, v6;
	_ =	sdelay $0x1  }
0x28b: {  	v54 =	vor.u32 s26, v7;
	_ =	sdelay $0x1  }
0x28c: {  	[tilespmem:s25+$0x140D0] =	vst v33  }
0x28d: {  	v34 =	vld.idx.msk [tilespmem:v53+s16+$0x0], $0xffff  }
0x28e: {  	v35 =	vor.u32 s30, v7;
	[tilespmem:s25+$0x14060] =	vst v32  }
0x28f: {  	v32 =	vld.idx.msk [tilespmem:v54+s16+$0x0], $0xffff  }
0x290: {  	v55 =	vor.u32 s26, v8;
	_ =	sdelay $0x1  }
0x291: {  	[tilespmem:s25+$0x140E0] =	vst v34  }
0x292: {  	v34 =	vld.idx.msk [tilespmem:v35+s16+$0x0], $0xffff  }
0x293: {  	v56 =	vor.u32 s30, v8;
	[tilespmem:s25+$0x14070] =	vst v32  }
0x294: {  	v32 =	vld.idx.msk [tilespmem:v55+s16+$0x0], $0xffff  }
0x295: {  	v57 =	vor.u32 s26, v9;
	_ =	sdelay $0x1  }
0x296: {  	[tilespmem:s25+$0x140F0] =	vst v34  }
0x297: {  	v34 =	vld.idx.msk [tilespmem:v56+s16+$0x0], $0xffff  }
0x298: {  	v58 =	vor.u32 s30, v9;
	[tilespmem:s25+$0x14400] =	vst v32  }
0x299: {  	v32 =	vld.idx.msk [tilespmem:v57+s16+$0x0], $0xffff  }
0x29a: {  	v59 =	vor.u32 s26, v10;
	_ =	sdelay $0x1  }
0x29b: {  	[tilespmem:s25+$0x14480] =	vst v34  }
0x29c: {  	v34 =	vld.idx.msk [tilespmem:v58+s16+$0x0], $0xffff  }
0x29d: {  	v60 =	vor.u32 s30, v10;
	[tilespmem:s25+$0x14410] =	vst v32  }
0x29e: {  	v32 =	vld.idx.msk [tilespmem:v59+s16+$0x0], $0xffff  }
0x29f: {  	v61 =	vor.u32 s26, v11;
	_ =	sdelay $0x1  }
0x2a0: {  	[tilespmem:s25+$0x14490] =	vst v34  }
0x2a1: {  	v34 =	vld.idx.msk [tilespmem:v60+s16+$0x0], $0xffff  }
0x2a2: {  	v62 =	vor.u32 s30, v11;
	[tilespmem:s25+$0x14420] =	vst v32  }
0x2a3: {  	v32 =	vld.idx.msk [tilespmem:v61+s16+$0x0], $0xffff  }
0x2a4: {  	v63 =	vor.u32 s26, v12;
	_ =	sdelay $0x1  }
0x2a5: {  	[tilespmem:s25+$0x144A0] =	vst v34  }
0x2a6: {  	v34 =	vld.idx.msk [tilespmem:v62+s16+$0x0], $0xffff  }
0x2a7: {  	v36 =	vor.u32 s30, v12;
	[tilespmem:s25+$0x14430] =	vst v32  }
0x2a8: {  	v32 =	vld.idx.msk [tilespmem:v63+s16+$0x0], $0xffff  }
0x2a9: {  	v37 =	vor.u32 s26, v13;
	_ =	sdelay $0x1  }
0x2aa: {  	[tilespmem:s25+$0x144B0] =	vst v34  }
0x2ab: {  	v34 =	vld.idx.msk [tilespmem:v36+s16+$0x0], $0xffff  }
0x2ac: {  	v38 =	vor.u32 s30, v13;
	[tilespmem:s25+$0x14440] =	vst v32  }
0x2ad: {  	v32 =	vld.idx.msk [tilespmem:v37+s16+$0x0], $0xffff  }
0x2ae: {  	v39 =	vor.u32 s26, v14;
	_ =	sdelay $0x1  }
0x2af: {  	[tilespmem:s25+$0x144C0] =	vst v34  }
0x2b0: {  	v34 =	vld.idx.msk [tilespmem:v38+s16+$0x0], $0xffff  }
0x2b1: {  	v40 =	vor.u32 s30, v14;
	[tilespmem:s25+$0x14450] =	vst v32  }
0x2b2: {  	v32 =	vld.idx.msk [tilespmem:v39+s16+$0x0], $0xffff  }
0x2b3: {  	v41 =	vor.u32 s26, v15;
	_ =	sdelay $0x1  }
0x2b4: {  	[tilespmem:s25+$0x144D0] =	vst v34  }
0x2b5: {  	v34 =	vld.idx.msk [tilespmem:v40+s16+$0x0], $0xffff  }
0x2b6: {  	v42 =	vor.u32 s30, v15;
	[tilespmem:s25+$0x14460] =	vst v32  }
0x2b7: {  	v32 =	vld.idx.msk [tilespmem:v41+s16+$0x0], $0xffff  }
0x2b8: {  	v43 =	vor.u32 s26, v16;
	_ =	sdelay $0x1  }
0x2b9: {  	[tilespmem:s25+$0x144E0] =	vst v34  }
0x2ba: {  	v34 =	vld.idx.msk [tilespmem:v42+s16+$0x0], $0xffff  }
0x2bb: {  	v44 =	vor.u32 s30, v16;
	[tilespmem:s25+$0x14470] =	vst v32  }
0x2bc: {  	v32 =	vld.idx.msk [tilespmem:v43+s16+$0x0], $0xffff  }
0x2bd: {  	v45 =	vor.u32 s26, v17;
	_ =	sdelay $0x1  }
0x2be: {  	[tilespmem:s25+$0x144F0] =	vst v34  }
0x2bf: {  	v34 =	vld.idx.msk [tilespmem:v44+s16+$0x0], $0xffff  }
0x2c0: {  	v46 =	vor.u32 s30, v17;
	[tilespmem:s25+$0x14800] =	vst v32  }
0x2c1: {  	v32 =	vld.idx.msk [tilespmem:v45+s16+$0x0], $0xffff  }
0x2c2: {  	v47 =	vor.u32 s26, v18;
	_ =	sdelay $0x1  }
0x2c3: {  	[tilespmem:s25+$0x14880] =	vst v34  }
0x2c4: {  	v34 =	vld.idx.msk [tilespmem:v46+s16+$0x0], $0xffff  }
0x2c5: {  	v48 =	vor.u32 s30, v18;
	[tilespmem:s25+$0x14810] =	vst v32  }
0x2c6: {  	v32 =	vld.idx.msk [tilespmem:v47+s16+$0x0], $0xffff  }
0x2c7: {  	v49 =	vor.u32 s26, v19;
	_ =	sdelay $0x1  }
0x2c8: {  	[tilespmem:s25+$0x14890] =	vst v34  }
0x2c9: {  	v34 =	vld.idx.msk [tilespmem:v48+s16+$0x0], $0xffff  }
0x2ca: {  	v50 =	vor.u32 s30, v19;
	[tilespmem:s25+$0x14820] =	vst v32  }
0x2cb: {  	v32 =	vld.idx.msk [tilespmem:v49+s16+$0x0], $0xffff  }
0x2cc: {  	v51 =	vor.u32 s26, v20;
	_ =	sdelay $0x1  }
0x2cd: {  	[tilespmem:s25+$0x148A0] =	vst v34  }
0x2ce: {  	v34 =	vld.idx.msk [tilespmem:v50+s16+$0x0], $0xffff  }
0x2cf: {  	v52 =	vor.u32 s30, v20;
	[tilespmem:s25+$0x14830] =	vst v32  }
0x2d0: {  	v32 =	vld.idx.msk [tilespmem:v51+s16+$0x0], $0xffff  }
0x2d1: {  	v53 =	vor.u32 s26, v21;
	_ =	sdelay $0x1  }
0x2d2: {  	[tilespmem:s25+$0x148B0] =	vst v34  }
0x2d3: {  	v34 =	vld.idx.msk [tilespmem:v52+s16+$0x0], $0xffff  }
0x2d4: {  	v54 =	vor.u32 s30, v21;
	[tilespmem:s25+$0x14840] =	vst v32  }
0x2d5: {  	v32 =	vld.idx.msk [tilespmem:v53+s16+$0x0], $0xffff  }
0x2d6: {  	v55 =	vor.u32 s26, v22;
	_ =	sdelay $0x1  }
0x2d7: {  	[tilespmem:s25+$0x148C0] =	vst v34  }
0x2d8: {  	v34 =	vld.idx.msk [tilespmem:v54+s16+$0x0], $0xffff  }
0x2d9: {  	v56 =	vor.u32 s30, v22;
	[tilespmem:s25+$0x14850] =	vst v32  }
0x2da: {  	v32 =	vld.idx.msk [tilespmem:v55+s16+$0x0], $0xffff  }
0x2db: {  	v57 =	vor.u32 s26, v23;
	_ =	sdelay $0x1  }
0x2dc: {  	[tilespmem:s25+$0x148D0] =	vst v34  }
0x2dd: {  	v34 =	vld.idx.msk [tilespmem:v56+s16+$0x0], $0xffff  }
0x2de: {  	v58 =	vor.u32 s30, v23;
	[tilespmem:s25+$0x14860] =	vst v32  }
0x2df: {  	v32 =	vld.idx.msk [tilespmem:v57+s16+$0x0], $0xffff  }
0x2e0: {  	v59 =	vor.u32 s26, v24;
	_ =	sdelay $0x1  }
0x2e1: {  	[tilespmem:s25+$0x148E0] =	vst v34  }
0x2e2: {  	v34 =	vld.idx.msk [tilespmem:v58+s16+$0x0], $0xffff  }
0x2e3: {  	v60 =	vor.u32 s30, v24;
	[tilespmem:s25+$0x14870] =	vst v32  }
0x2e4: {  	v32 =	vld.idx.msk [tilespmem:v59+s16+$0x0], $0xffff  }
0x2e5: {  	v61 =	vor.u32 s26, v25;
	_ =	sdelay $0x1  }
0x2e6: {  	[tilespmem:s25+$0x148F0] =	vst v34  }
0x2e7: {  	v34 =	vld.idx.msk [tilespmem:v60+s16+$0x0], $0xffff  }
0x2e8: {  	v62 =	vor.u32 s30, v25;
	[tilespmem:s25+$0x14C00] =	vst v32  }
0x2e9: {  	v32 =	vld.idx.msk [tilespmem:v61+s16+$0x0], $0xffff  }
0x2ea: {  	v63 =	vor.u32 s26, v26;
	_ =	sdelay $0x1  }
0x2eb: {  	[tilespmem:s25+$0x14C80] =	vst v34  }
0x2ec: {  	v34 =	vld.idx.msk [tilespmem:v62+s16+$0x0], $0xffff  }
0x2ed: {  	v36 =	vor.u32 s30, v26;
	[tilespmem:s25+$0x14C10] =	vst v32  }
0x2ee: {  	v32 =	vld.idx.msk [tilespmem:v63+s16+$0x0], $0xffff  }
0x2ef: {  	v37 =	vor.u32 s26, v27;
	_ =	sdelay $0x1  }
0x2f0: {  	[tilespmem:s25+$0x14C90] =	vst v34  }
0x2f1: {  	v34 =	vld.idx.msk [tilespmem:v36+s16+$0x0], $0xffff  }
0x2f2: {  	v38 =	vor.u32 s30, v27;
	[tilespmem:s25+$0x14C20] =	vst v32  }
0x2f3: {  	v32 =	vld.idx.msk [tilespmem:v37+s16+$0x0], $0xffff  }
0x2f4: {  	v39 =	vor.u32 s26, v28;
	_ =	sdelay $0x1  }
0x2f5: {  	[tilespmem:s25+$0x14CA0] =	vst v34  }
0x2f6: {  	v34 =	vld.idx.msk [tilespmem:v38+s16+$0x0], $0xffff  }
0x2f7: {  	v40 =	vor.u32 s30, v28;
	[tilespmem:s25+$0x14C30] =	vst v32  }
0x2f8: {  	v32 =	vld.idx.msk [tilespmem:v39+s16+$0x0], $0xffff  }
0x2f9: {  	v41 =	vor.u32 s26, v29;
	_ =	sdelay $0x1  }
0x2fa: {  	[tilespmem:s25+$0x14CB0] =	vst v34  }
0x2fb: {  	v34 =	vld.idx.msk [tilespmem:v40+s16+$0x0], $0xffff  }
0x2fc: {  	v42 =	vor.u32 s30, v29;
	[tilespmem:s25+$0x14C40] =	vst v32  }
0x2fd: {  	v32 =	vld.idx.msk [tilespmem:v41+s16+$0x0], $0xffff  }
0x2fe: {  	s31 =	sor.u32 $0x6, s26;
	v43 =	vor.u32 s26, v30  }
0x2ff: {  	s3 =	sor.u32 $0x4, s26;
	s28 =	sor.u32 $0x8, s26;
	v45 =	vor.u32 s26, v31;
	v37 =	vor.u32 s31, v0  }
0x300: {  	s29 =	sor.u32 $0xA, s26;
	v44 =	vor.u32 s30, v30;
	v46 =	vor.u32 s30, v31;
	s30 =	sor.u32 $0xC, s26;
	s26 =	sor.u32 $0xE, s26;
	v36 =	vor.u32 s3, v0;
	[tilespmem:s25+$0x14CC0] =	vst v34  }
0x301: {  	v39 =	vor.u32 s26, v0;
	v34 =	vld.idx.msk [tilespmem:v42+s16+$0x0], $0xffff  }
0x302: {  	[tilespmem:s25+$0x14C50] =	vst v32  }
0x303: {  	v47 =	vor.u32 s28, v0;
	v32 =	vld.idx.msk [tilespmem:v43+s16+$0x0], $0xffff  }
0x304: {  	v37 =	vld.idx.msk [tilespmem:v37+s16+$0x0], $0xffff;
	v38 =	vor.u32 s30, v0  }
0x305: {  	v36 =	vld.idx.msk [tilespmem:v36+s16+$0x0], $0xffff  }
0x306: {  	v39 =	vld.idx.msk [tilespmem:v39+s16+$0x0], $0xffff;
	v40 =	vor.u32 s3, v1;
	[tilespmem:s25+$0x14CD0] =	vst v34  }
0x307: {  	v48 =	vor.u32 s29, v0;
	v34 =	vld.idx.msk [tilespmem:v44+s16+$0x0], $0xffff  }
0x308: {  	[tilespmem:s25+$0x14C60] =	vst v32;
	v32 =	vld.idx.msk [tilespmem:v47+s16+$0x0], $0xffff  }
0x309: {  	[tilespmem:s25+$0x14180] =	vst v37;
	v41 =	vor.u32 s31, v1;
	v38 =	vld.idx.msk [tilespmem:v38+s16+$0x0], $0xffff  }
0x30a: {  	v51 =	vor.u32 s30, v1;
	v33 =	vld.idx.msk [tilespmem:v45+s16+$0x0], $0xffff;
	[tilespmem:s25+$0x14100] =	vst v36  }
0x30b: {  	v52 =	vor.u32 s26, v1;
	[tilespmem:s25+$0x14380] =	vst v39;
	v40 =	vld.idx.msk [tilespmem:v40+s16+$0x0], $0xffff  }
0x30c: {  	v49 =	vor.u32 s28, v1;
	[tilespmem:s25+$0x14CE0] =	vst v34;
	v34 =	vld.idx.msk [tilespmem:v48+s16+$0x0], $0xffff  }
0x30d: {  	v50 =	vor.u32 s29, v1;
	[tilespmem:s25+$0x14200] =	vst v32;
	v35 =	vld.idx.msk [tilespmem:v46+s16+$0x0], $0xffff  }
0x30e: {  	v41 =	vld.idx.msk [tilespmem:v41+s16+$0x0], $0xffff;
	[tilespmem:s25+$0x14300] =	vst v38;
	v42 =	vor.u32 s3, v2  }
0x30f: {  	v53 =	vor.u32 s31, v2;
	[tilespmem:s25+$0x14C70] =	vst v33;
	v36 =	vld.idx.msk [tilespmem:v51+s16+$0x0], $0xffff  }
0x310: {  	v56 =	vor.u32 s30, v2;
	v37 =	vld.idx.msk [tilespmem:v52+s16+$0x0], $0xffff;
	[tilespmem:s25+$0x14110] =	vst v40  }
0x311: {  	v57 =	vor.u32 s26, v2;
	v33 =	vld.idx.msk [tilespmem:v49+s16+$0x0], $0xffff;
	[tilespmem:s25+$0x14280] =	vst v34  }
0x312: {  	v54 =	vor.u32 s28, v2;
	[tilespmem:s25+$0x14CF0] =	vst v35;
	v35 =	vld.idx.msk [tilespmem:v50+s16+$0x0], $0xffff  }
0x313: {  	v55 =	vor.u32 s29, v2;
	[tilespmem:s25+$0x14190] =	vst v41;
	v40 =	vld.idx.msk [tilespmem:v42+s16+$0x0], $0xffff  }
0x314: {  	v58 =	vor.u32 s3, v3;
	v32 =	vld.idx.msk [tilespmem:v53+s16+$0x0], $0xffff;
	[tilespmem:s25+$0x14310] =	vst v36  }
0x315: {  	v59 =	vor.u32 s31, v3;
	[tilespmem:s25+$0x14390] =	vst v37;
	v39 =	vld.idx.msk [tilespmem:v56+s16+$0x0], $0xffff  }
0x316: {  	v63 =	vld.idx.msk [tilespmem:v57+s16+$0x0], $0xffff;
	v62 =	vor.u32 s30, v3;
	[tilespmem:s25+$0x14210] =	vst v33  }
0x317: {  	v46 =	vor.u32 s26, v3;
	v34 =	vld.idx.msk [tilespmem:v54+s16+$0x0], $0xffff;
	[tilespmem:s25+$0x14290] =	vst v35  }
0x318: {  	v60 =	vor.u32 s28, v3;
	[tilespmem:s25+$0x14120] =	vst v40;
	v38 =	vld.idx.msk [tilespmem:v55+s16+$0x0], $0xffff  }
0x319: {  	v61 =	vor.u32 s29, v3;
	[tilespmem:s25+$0x141A0] =	vst v32;
	v45 =	vld.idx.msk [tilespmem:v58+s16+$0x0], $0xffff  }
0x31a: {  	v47 =	vor.u32 s3, v4;
	v33 =	vld.idx.msk [tilespmem:v59+s16+$0x0], $0xffff;
	[tilespmem:s25+$0x14320] =	vst v39  }
0x31b: {  	[tilespmem:s25+$0x143A0] =	vst v63;
	v48 =	vor.u32 s31, v4;
	v37 =	vld.idx.msk [tilespmem:v62+s16+$0x0], $0xffff  }
0x31c: {  	v51 =	vor.u32 s30, v4;
	v32 =	vld.idx.msk [tilespmem:v46+s16+$0x0], $0xffff;
	[tilespmem:s25+$0x14220] =	vst v34  }
0x31d: {  	v52 =	vor.u32 s26, v4;
	v35 =	vld.idx.msk [tilespmem:v60+s16+$0x0], $0xffff;
	[tilespmem:s25+$0x142A0] =	vst v38  }
0x31e: {  	v49 =	vor.u32 s28, v4;
	[tilespmem:s25+$0x14130] =	vst v45;
	v36 =	vld.idx.msk [tilespmem:v61+s16+$0x0], $0xffff  }
0x31f: {  	[tilespmem:s25+$0x141B0] =	vst v33;
	v50 =	vor.u32 s29, v4;
	v41 =	vld.idx.msk [tilespmem:v47+s16+$0x0], $0xffff  }
0x320: {  	v53 =	vor.u32 s3, v5;
	[tilespmem:s25+$0x14330] =	vst v37;
	v34 =	vld.idx.msk [tilespmem:v48+s16+$0x0], $0xffff  }
0x321: {  	v54 =	vor.u32 s31, v5;
	v40 =	vld.idx.msk [tilespmem:v51+s16+$0x0], $0xffff;
	[tilespmem:s25+$0x143B0] =	vst v32  }
0x322: {  	v57 =	vor.u32 s30, v5;
	v33 =	vld.idx.msk [tilespmem:v52+s16+$0x0], $0xffff;
	[tilespmem:s25+$0x14230] =	vst v35  }
0x323: {  	v58 =	vor.u32 s26, v5;
	v38 =	vld.idx.msk [tilespmem:v49+s16+$0x0], $0xffff;
	[tilespmem:s25+$0x142B0] =	vst v36  }
0x324: {  	[tilespmem:s25+$0x14140] =	vst v41;
	v55 =	vor.u32 s28, v5;
	v39 =	vld.idx.msk [tilespmem:v50+s16+$0x0], $0xffff  }
0x325: {  	v56 =	vor.u32 s29, v5;
	v41 =	vld.idx.msk [tilespmem:v53+s16+$0x0], $0xffff;
	[tilespmem:s25+$0x141C0] =	vst v34  }
0x326: {  	v59 =	vor.u32 s3, v6;
	[tilespmem:s25+$0x14340] =	vst v40;
	v35 =	vld.idx.msk [tilespmem:v54+s16+$0x0], $0xffff  }
0x327: {  	v60 =	vor.u32 s31, v6;
	v32 =	vld.idx.msk [tilespmem:v57+s16+$0x0], $0xffff;
	[tilespmem:s25+$0x143C0] =	vst v33  }
0x328: {  	v63 =	vor.u32 s30, v6;
	v34 =	vld.idx.msk [tilespmem:v58+s16+$0x0], $0xffff;
	[tilespmem:s25+$0x14240] =	vst v38  }
0x329: {  	v45 =	vor.u32 s26, v6;
	v36 =	vld.idx.msk [tilespmem:v55+s16+$0x0], $0xffff;
	[tilespmem:s25+$0x142C0] =	vst v39  }
0x32a: {  	[tilespmem:s25+$0x14150] =	vst v41;
	v61 =	vor.u32 s28, v6;
	v37 =	vld.idx.msk [tilespmem:v56+s16+$0x0], $0xffff  }
0x32b: {  	v62 =	vor.u32 s29, v6;
	v41 =	vld.idx.msk [tilespmem:v59+s16+$0x0], $0xffff;
	[tilespmem:s25+$0x141D0] =	vst v35  }
0x32c: {  	v46 =	vor.u32 s3, v7;
	[tilespmem:s25+$0x14350] =	vst v32;
	v38 =	vld.idx.msk [tilespmem:v60+s16+$0x0], $0xffff  }
0x32d: {  	v47 =	vor.u32 s31, v7;
	v33 =	vld.idx.msk [tilespmem:v63+s16+$0x0], $0xffff;
	[tilespmem:s25+$0x143D0] =	vst v34  }
0x32e: {  	v50 =	vor.u32 s30, v7;
	v35 =	vld.idx.msk [tilespmem:v45+s16+$0x0], $0xffff;
	[tilespmem:s25+$0x14250] =	vst v36  }
0x32f: {  	v51 =	vor.u32 s26, v7;
	v39 =	vld.idx.msk [tilespmem:v61+s16+$0x0], $0xffff;
	[tilespmem:s25+$0x142D0] =	vst v37  }
0x330: {  	v48 =	vor.u32 s28, v7;
	[tilespmem:s25+$0x14160] =	vst v41;
	v40 =	vld.idx.msk [tilespmem:v62+s16+$0x0], $0xffff  }
0x331: {  	v49 =	vor.u32 s29, v7;
	v41 =	vld.idx.msk [tilespmem:v46+s16+$0x0], $0xffff;
	[tilespmem:s25+$0x141E0] =	vst v38  }
0x332: {  	v52 =	vor.u32 s3, v8;
	[tilespmem:s25+$0x14360] =	vst v33;
	v36 =	vld.idx.msk [tilespmem:v47+s16+$0x0], $0xffff  }
0x333: {  	v53 =	vor.u32 s31, v8;
	v34 =	vld.idx.msk [tilespmem:v50+s16+$0x0], $0xffff;
	[tilespmem:s25+$0x143E0] =	vst v35  }
0x334: {  	v56 =	vor.u32 s30, v8;
	v38 =	vld.idx.msk [tilespmem:v51+s16+$0x0], $0xffff;
	[tilespmem:s25+$0x14260] =	vst v39  }
0x335: {  	v57 =	vor.u32 s26, v8;
	v37 =	vld.idx.msk [tilespmem:v48+s16+$0x0], $0xffff;
	[tilespmem:s25+$0x142E0] =	vst v40  }
0x336: {  	v54 =	vor.u32 s28, v8;
	[tilespmem:s25+$0x14170] =	vst v41;
	v32 =	vld.idx.msk [tilespmem:v49+s16+$0x0], $0xffff  }
0x337: {  	v55 =	vor.u32 s29, v8;
	v41 =	vld.idx.msk [tilespmem:v52+s16+$0x0], $0xffff;
	[tilespmem:s25+$0x141F0] =	vst v36  }
0x338: {  	v58 =	vor.u32 s3, v9;
	v39 =	vld.idx.msk [tilespmem:v53+s16+$0x0], $0xffff;
	[tilespmem:s25+$0x14370] =	vst v34  }
0x339: {  	v59 =	vor.u32 s31, v9;
	v35 =	vld.idx.msk [tilespmem:v56+s16+$0x0], $0xffff;
	[tilespmem:s25+$0x143F0] =	vst v38  }
0x33a: {  	v62 =	vor.u32 s30, v9;
	v36 =	vld.idx.msk [tilespmem:v57+s16+$0x0], $0xffff;
	[tilespmem:s25+$0x14270] =	vst v37  }
0x33b: {  	v63 =	vor.u32 s26, v9;
	v40 =	vld.idx.msk [tilespmem:v54+s16+$0x0], $0xffff;
	[tilespmem:s25+$0x142F0] =	vst v32  }
0x33c: {  	v60 =	vor.u32 s28, v9;
	[tilespmem:s25+$0x14500] =	vst v41;
	v33 =	vld.idx.msk [tilespmem:v55+s16+$0x0], $0xffff  }
0x33d: {  	v61 =	vor.u32 s29, v9;
	v41 =	vld.idx.msk [tilespmem:v58+s16+$0x0], $0xffff;
	[tilespmem:s25+$0x14580] =	vst v39  }
0x33e: {  	v45 =	vor.u32 s3, v10;
	v37 =	vld.idx.msk [tilespmem:v59+s16+$0x0], $0xffff;
	[tilespmem:s25+$0x14700] =	vst v35  }
0x33f: {  	v46 =	vor.u32 s31, v10;
	v38 =	vld.idx.msk [tilespmem:v62+s16+$0x0], $0xffff;
	[tilespmem:s25+$0x14780] =	vst v36  }
0x340: {  	v49 =	vor.u32 s30, v10;
	v39 =	vld.idx.msk [tilespmem:v63+s16+$0x0], $0xffff;
	[tilespmem:s25+$0x14600] =	vst v40  }
0x341: {  	v50 =	vor.u32 s26, v10;
	v32 =	vld.idx.msk [tilespmem:v60+s16+$0x0], $0xffff;
	[tilespmem:s25+$0x14680] =	vst v33  }
0x342: {  	v47 =	vor.u32 s28, v10;
	[tilespmem:s25+$0x14510] =	vst v41;
	v34 =	vld.idx.msk [tilespmem:v61+s16+$0x0], $0xffff  }
0x343: {  	v48 =	vor.u32 s29, v10;
	v41 =	vld.idx.msk [tilespmem:v45+s16+$0x0], $0xffff;
	[tilespmem:s25+$0x14590] =	vst v37  }
0x344: {  	v51 =	vor.u32 s3, v11;
	v40 =	vld.idx.msk [tilespmem:v46+s16+$0x0], $0xffff;
	[tilespmem:s25+$0x14710] =	vst v38  }
0x345: {  	v52 =	vor.u32 s31, v11;
	v36 =	vld.idx.msk [tilespmem:v49+s16+$0x0], $0xffff;
	[tilespmem:s25+$0x14790] =	vst v39  }
0x346: {  	v55 =	vor.u32 s30, v11;
	v37 =	vld.idx.msk [tilespmem:v50+s16+$0x0], $0xffff;
	[tilespmem:s25+$0x14610] =	vst v32  }
0x347: {  	v56 =	vor.u32 s26, v11;
	v33 =	vld.idx.msk [tilespmem:v47+s16+$0x0], $0xffff;
	[tilespmem:s25+$0x14690] =	vst v34  }
0x348: {  	v53 =	vor.u32 s28, v11;
	[tilespmem:s25+$0x14520] =	vst v41;
	v35 =	vld.idx.msk [tilespmem:v48+s16+$0x0], $0xffff  }
0x349: {  	v54 =	vor.u32 s29, v11;
	v41 =	vld.idx.msk [tilespmem:v51+s16+$0x0], $0xffff;
	[tilespmem:s25+$0x145A0] =	vst v40  }
0x34a: {  	v57 =	vor.u32 s3, v12;
	v32 =	vld.idx.msk [tilespmem:v52+s16+$0x0], $0xffff;
	[tilespmem:s25+$0x14720] =	vst v36  }
0x34b: {  	v58 =	vor.u32 s31, v12;
	v39 =	vld.idx.msk [tilespmem:v55+s16+$0x0], $0xffff;
	[tilespmem:s25+$0x147A0] =	vst v37  }
0x34c: {  	v61 =	vor.u32 s30, v12;
	v40 =	vld.idx.msk [tilespmem:v56+s16+$0x0], $0xffff;
	[tilespmem:s25+$0x14620] =	vst v33  }
0x34d: {  	v62 =	vor.u32 s26, v12;
	v34 =	vld.idx.msk [tilespmem:v53+s16+$0x0], $0xffff;
	[tilespmem:s25+$0x146A0] =	vst v35  }
0x34e: {  	v59 =	vor.u32 s28, v12;
	[tilespmem:s25+$0x14530] =	vst v41;
	v38 =	vld.idx.msk [tilespmem:v54+s16+$0x0], $0xffff  }
0x34f: {  	v60 =	vor.u32 s29, v12;
	v41 =	vld.idx.msk [tilespmem:v57+s16+$0x0], $0xffff;
	[tilespmem:s25+$0x145B0] =	vst v32  }
0x350: {  	v63 =	vor.u32 s3, v13;
	v33 =	vld.idx.msk [tilespmem:v58+s16+$0x0], $0xffff;
	[tilespmem:s25+$0x14730] =	vst v39  }
0x351: {  	v45 =	vor.u32 s31, v13;
	v37 =	vld.idx.msk [tilespmem:v61+s16+$0x0], $0xffff;
	[tilespmem:s25+$0x147B0] =	vst v40  }
0x352: {  	v48 =	vor.u32 s30, v13;
	v32 =	vld.idx.msk [tilespmem:v62+s16+$0x0], $0xffff;
	[tilespmem:s25+$0x14630] =	vst v34  }
0x353: {  	v49 =	vor.u32 s26, v13;
	v35 =	vld.idx.msk [tilespmem:v59+s16+$0x0], $0xffff;
	[tilespmem:s25+$0x146B0] =	vst v38  }
0x354: {  	v46 =	vor.u32 s28, v13;
	[tilespmem:s25+$0x14540] =	vst v41;
	v36 =	vld.idx.msk [tilespmem:v60+s16+$0x0], $0xffff  }
0x355: {  	v47 =	vor.u32 s29, v13;
	v41 =	vld.idx.msk [tilespmem:v63+s16+$0x0], $0xffff;
	[tilespmem:s25+$0x145C0] =	vst v33  }
0x356: {  	v50 =	vor.u32 s3, v14;
	v34 =	vld.idx.msk [tilespmem:v45+s16+$0x0], $0xffff;
	[tilespmem:s25+$0x14740] =	vst v37  }
0x357: {  	v51 =	vor.u32 s31, v14;
	v40 =	vld.idx.msk [tilespmem:v48+s16+$0x0], $0xffff;
	[tilespmem:s25+$0x147C0] =	vst v32  }
0x358: {  	v54 =	vor.u32 s30, v14;
	v33 =	vld.idx.msk [tilespmem:v49+s16+$0x0], $0xffff;
	[tilespmem:s25+$0x14640] =	vst v35  }
0x359: {  	v55 =	vor.u32 s26, v14;
	v38 =	vld.idx.msk [tilespmem:v46+s16+$0x0], $0xffff;
	[tilespmem:s25+$0x146C0] =	vst v36  }
0x35a: {  	v52 =	vor.u32 s28, v14;
	[tilespmem:s25+$0x14550] =	vst v41;
	v39 =	vld.idx.msk [tilespmem:v47+s16+$0x0], $0xffff  }
0x35b: {  	v53 =	vor.u32 s29, v14;
	v41 =	vld.idx.msk [tilespmem:v50+s16+$0x0], $0xffff;
	[tilespmem:s25+$0x145D0] =	vst v34  }
0x35c: {  	v56 =	vor.u32 s3, v15;
	v35 =	vld.idx.msk [tilespmem:v51+s16+$0x0], $0xffff;
	[tilespmem:s25+$0x14750] =	vst v40  }
0x35d: {  	v57 =	vor.u32 s31, v15;
	v32 =	vld.idx.msk [tilespmem:v54+s16+$0x0], $0xffff;
	[tilespmem:s25+$0x147D0] =	vst v33  }
0x35e: {  	v60 =	vor.u32 s30, v15;
	v34 =	vld.idx.msk [tilespmem:v55+s16+$0x0], $0xffff;
	[tilespmem:s25+$0x14650] =	vst v38  }
0x35f: {  	v61 =	vor.u32 s26, v15;
	v36 =	vld.idx.msk [tilespmem:v52+s16+$0x0], $0xffff;
	[tilespmem:s25+$0x146D0] =	vst v39  }
0x360: {  	v58 =	vor.u32 s28, v15;
	[tilespmem:s25+$0x14560] =	vst v41;
	v37 =	vld.idx.msk [tilespmem:v53+s16+$0x0], $0xffff  }
0x361: {  	v59 =	vor.u32 s29, v15;
	v41 =	vld.idx.msk [tilespmem:v56+s16+$0x0], $0xffff;
	[tilespmem:s25+$0x145E0] =	vst v35  }
0x362: {  	v62 =	vor.u32 s3, v16;
	v38 =	vld.idx.msk [tilespmem:v57+s16+$0x0], $0xffff;
	[tilespmem:s25+$0x14760] =	vst v32  }
0x363: {  	v63 =	vor.u32 s31, v16;
	v33 =	vld.idx.msk [tilespmem:v60+s16+$0x0], $0xffff;
	[tilespmem:s25+$0x147E0] =	vst v34  }
0x364: {  	v47 =	vor.u32 s30, v16;
	v35 =	vld.idx.msk [tilespmem:v61+s16+$0x0], $0xffff;
	[tilespmem:s25+$0x14660] =	vst v36  }
0x365: {  	v48 =	vor.u32 s26, v16;
	v39 =	vld.idx.msk [tilespmem:v58+s16+$0x0], $0xffff;
	[tilespmem:s25+$0x146E0] =	vst v37  }
0x366: {  	v45 =	vor.u32 s28, v16;
	[tilespmem:s25+$0x14570] =	vst v41;
	v40 =	vld.idx.msk [tilespmem:v59+s16+$0x0], $0xffff  }
0x367: {  	v46 =	vor.u32 s29, v16;
	v41 =	vld.idx.msk [tilespmem:v62+s16+$0x0], $0xffff;
	[tilespmem:s25+$0x145F0] =	vst v38  }
0x368: {  	v49 =	vor.u32 s3, v17;
	v36 =	vld.idx.msk [tilespmem:v63+s16+$0x0], $0xffff;
	[tilespmem:s25+$0x14770] =	vst v33  }
0x369: {  	v50 =	vor.u32 s31, v17;
	v34 =	vld.idx.msk [tilespmem:v47+s16+$0x0], $0xffff;
	[tilespmem:s25+$0x147F0] =	vst v35  }
0x36a: {  	v53 =	vor.u32 s30, v17;
	v38 =	vld.idx.msk [tilespmem:v48+s16+$0x0], $0xffff;
	[tilespmem:s25+$0x14670] =	vst v39  }
0x36b: {  	v54 =	vor.u32 s26, v17;
	v37 =	vld.idx.msk [tilespmem:v45+s16+$0x0], $0xffff;
	[tilespmem:s25+$0x146F0] =	vst v40  }
0x36c: {  	v51 =	vor.u32 s28, v17;
	[tilespmem:s25+$0x14900] =	vst v41;
	v32 =	vld.idx.msk [tilespmem:v46+s16+$0x0], $0xffff  }
0x36d: {  	v52 =	vor.u32 s29, v17;
	v41 =	vld.idx.msk [tilespmem:v49+s16+$0x0], $0xffff;
	[tilespmem:s25+$0x14980] =	vst v36  }
0x36e: {  	v55 =	vor.u32 s3, v18;
	v39 =	vld.idx.msk [tilespmem:v50+s16+$0x0], $0xffff;
	[tilespmem:s25+$0x14B00] =	vst v34  }
0x36f: {  	v56 =	vor.u32 s31, v18;
	v35 =	vld.idx.msk [tilespmem:v53+s16+$0x0], $0xffff;
	[tilespmem:s25+$0x14B80] =	vst v38  }
0x370: {  	v59 =	vor.u32 s30, v18;
	v36 =	vld.idx.msk [tilespmem:v54+s16+$0x0], $0xffff;
	[tilespmem:s25+$0x14A00] =	vst v37  }
0x371: {  	v60 =	vor.u32 s26, v18;
	v40 =	vld.idx.msk [tilespmem:v51+s16+$0x0], $0xffff;
	[tilespmem:s25+$0x14A80] =	vst v32  }
0x372: {  	v57 =	vor.u32 s28, v18;
	[tilespmem:s25+$0x14910] =	vst v41;
	v33 =	vld.idx.msk [tilespmem:v52+s16+$0x0], $0xffff  }
0x373: {  	v58 =	vor.u32 s29, v18;
	v41 =	vld.idx.msk [tilespmem:v55+s16+$0x0], $0xffff;
	[tilespmem:s25+$0x14990] =	vst v39  }
0x374: {  	v61 =	vor.u32 s3, v19;
	v37 =	vld.idx.msk [tilespmem:v56+s16+$0x0], $0xffff;
	[tilespmem:s25+$0x14B10] =	vst v35  }
0x375: {  	v62 =	vor.u32 s31, v19;
	v38 =	vld.idx.msk [tilespmem:v59+s16+$0x0], $0xffff;
	[tilespmem:s25+$0x14B90] =	vst v36  }
0x376: {  	v46 =	vor.u32 s30, v19;
	v39 =	vld.idx.msk [tilespmem:v60+s16+$0x0], $0xffff;
	[tilespmem:s25+$0x14A10] =	vst v40  }
0x377: {  	v47 =	vor.u32 s26, v19;
	v32 =	vld.idx.msk [tilespmem:v57+s16+$0x0], $0xffff;
	[tilespmem:s25+$0x14A90] =	vst v33  }
0x378: {  	v63 =	vor.u32 s28, v19;
	[tilespmem:s25+$0x14920] =	vst v41;
	v34 =	vld.idx.msk [tilespmem:v58+s16+$0x0], $0xffff  }
0x379: {  	v45 =	vor.u32 s29, v19;
	v41 =	vld.idx.msk [tilespmem:v61+s16+$0x0], $0xffff;
	[tilespmem:s25+$0x149A0] =	vst v37  }
0x37a: {  	v48 =	vor.u32 s3, v20;
	v40 =	vld.idx.msk [tilespmem:v62+s16+$0x0], $0xffff;
	[tilespmem:s25+$0x14B20] =	vst v38  }
0x37b: {  	v49 =	vor.u32 s31, v20;
	v36 =	vld.idx.msk [tilespmem:v46+s16+$0x0], $0xffff;
	[tilespmem:s25+$0x14BA0] =	vst v39  }
0x37c: {  	v52 =	vor.u32 s30, v20;
	v37 =	vld.idx.msk [tilespmem:v47+s16+$0x0], $0xffff;
	[tilespmem:s25+$0x14A20] =	vst v32  }
0x37d: {  	v53 =	vor.u32 s26, v20;
	v33 =	vld.idx.msk [tilespmem:v63+s16+$0x0], $0xffff;
	[tilespmem:s25+$0x14AA0] =	vst v34  }
0x37e: {  	v50 =	vor.u32 s28, v20;
	[tilespmem:s25+$0x14930] =	vst v41;
	v35 =	vld.idx.msk [tilespmem:v45+s16+$0x0], $0xffff  }
0x37f: {  	v51 =	vor.u32 s29, v20;
	v41 =	vld.idx.msk [tilespmem:v48+s16+$0x0], $0xffff;
	[tilespmem:s25+$0x149B0] =	vst v40  }
0x380: {  	v54 =	vor.u32 s3, v21;
	v32 =	vld.idx.msk [tilespmem:v49+s16+$0x0], $0xffff;
	[tilespmem:s25+$0x14B30] =	vst v36  }
0x381: {  	v55 =	vor.u32 s31, v21;
	v39 =	vld.idx.msk [tilespmem:v52+s16+$0x0], $0xffff;
	[tilespmem:s25+$0x14BB0] =	vst v37  }
0x382: {  	v58 =	vor.u32 s30, v21;
	v40 =	vld.idx.msk [tilespmem:v53+s16+$0x0], $0xffff;
	[tilespmem:s25+$0x14A30] =	vst v33  }
0x383: {  	v59 =	vor.u32 s26, v21;
	v34 =	vld.idx.msk [tilespmem:v50+s16+$0x0], $0xffff;
	[tilespmem:s25+$0x14AB0] =	vst v35  }
0x384: {  	v56 =	vor.u32 s28, v21;
	[tilespmem:s25+$0x14940] =	vst v41;
	v38 =	vld.idx.msk [tilespmem:v51+s16+$0x0], $0xffff  }
0x385: {  	v57 =	vor.u32 s29, v21;
	v41 =	vld.idx.msk [tilespmem:v54+s16+$0x0], $0xffff;
	[tilespmem:s25+$0x149C0] =	vst v32  }
0x386: {  	v60 =	vor.u32 s3, v22;
	v33 =	vld.idx.msk [tilespmem:v55+s16+$0x0], $0xffff;
	[tilespmem:s25+$0x14B40] =	vst v39  }
0x387: {  	v61 =	vor.u32 s31, v22;
	v37 =	vld.idx.msk [tilespmem:v58+s16+$0x0], $0xffff;
	[tilespmem:s25+$0x14BC0] =	vst v40  }
0x388: {  	v45 =	vor.u32 s30, v22;
	v32 =	vld.idx.msk [tilespmem:v59+s16+$0x0], $0xffff;
	[tilespmem:s25+$0x14A40] =	vst v34  }
0x389: {  	v46 =	vor.u32 s26, v22;
	v35 =	vld.idx.msk [tilespmem:v56+s16+$0x0], $0xffff;
	[tilespmem:s25+$0x14AC0] =	vst v38  }
0x38a: {  	v62 =	vor.u32 s28, v22;
	[tilespmem:s25+$0x14950] =	vst v41;
	v36 =	vld.idx.msk [tilespmem:v57+s16+$0x0], $0xffff  }
0x38b: {  	v63 =	vor.u32 s29, v22;
	v41 =	vld.idx.msk [tilespmem:v60+s16+$0x0], $0xffff;
	[tilespmem:s25+$0x149D0] =	vst v33  }
0x38c: {  	v47 =	vor.u32 s3, v23;
	v34 =	vld.idx.msk [tilespmem:v61+s16+$0x0], $0xffff;
	[tilespmem:s25+$0x14B50] =	vst v37  }
0x38d: {  	v48 =	vor.u32 s31, v23;
	v40 =	vld.idx.msk [tilespmem:v45+s16+$0x0], $0xffff;
	[tilespmem:s25+$0x14BD0] =	vst v32  }
0x38e: {  	v51 =	vor.u32 s30, v23;
	v33 =	vld.idx.msk [tilespmem:v46+s16+$0x0], $0xffff;
	[tilespmem:s25+$0x14A50] =	vst v35  }
0x38f: {  	v52 =	vor.u32 s26, v23;
	v38 =	vld.idx.msk [tilespmem:v62+s16+$0x0], $0xffff;
	[tilespmem:s25+$0x14AD0] =	vst v36  }
0x390: {  	v49 =	vor.u32 s28, v23;
	[tilespmem:s25+$0x14960] =	vst v41;
	v39 =	vld.idx.msk [tilespmem:v63+s16+$0x0], $0xffff  }
0x391: {  	v50 =	vor.u32 s29, v23;
	v41 =	vld.idx.msk [tilespmem:v47+s16+$0x0], $0xffff;
	[tilespmem:s25+$0x149E0] =	vst v34  }
0x392: {  	v53 =	vor.u32 s3, v24;
	v35 =	vld.idx.msk [tilespmem:v48+s16+$0x0], $0xffff;
	[tilespmem:s25+$0x14B60] =	vst v40  }
0x393: {  	v54 =	vor.u32 s31, v24;
	v32 =	vld.idx.msk [tilespmem:v51+s16+$0x0], $0xffff;
	[tilespmem:s25+$0x14BE0] =	vst v33  }
0x394: {  	v57 =	vor.u32 s30, v24;
	v34 =	vld.idx.msk [tilespmem:v52+s16+$0x0], $0xffff;
	[tilespmem:s25+$0x14A60] =	vst v38  }
0x395: {  	v58 =	vor.u32 s26, v24;
	v36 =	vld.idx.msk [tilespmem:v49+s16+$0x0], $0xffff;
	[tilespmem:s25+$0x14AE0] =	vst v39  }
0x396: {  	v55 =	vor.u32 s28, v24;
	[tilespmem:s25+$0x14970] =	vst v41;
	v37 =	vld.idx.msk [tilespmem:v50+s16+$0x0], $0xffff  }
0x397: {  	v56 =	vor.u32 s29, v24;
	v41 =	vld.idx.msk [tilespmem:v53+s16+$0x0], $0xffff;
	[tilespmem:s25+$0x149F0] =	vst v35  }
0x398: {  	v59 =	vor.u32 s3, v25;
	v38 =	vld.idx.msk [tilespmem:v54+s16+$0x0], $0xffff;
	[tilespmem:s25+$0x14B70] =	vst v32  }
0x399: {  	v60 =	vor.u32 s31, v25;
	v33 =	vld.idx.msk [tilespmem:v57+s16+$0x0], $0xffff;
	[tilespmem:s25+$0x14BF0] =	vst v34  }
0x39a: {  	v63 =	vor.u32 s30, v25;
	v35 =	vld.idx.msk [tilespmem:v58+s16+$0x0], $0xffff;
	[tilespmem:s25+$0x14A70] =	vst v36  }
0x39b: {  	v45 =	vor.u32 s26, v25;
	v39 =	vld.idx.msk [tilespmem:v55+s16+$0x0], $0xffff;
	[tilespmem:s25+$0x14AF0] =	vst v37  }
0x39c: {  	v61 =	vor.u32 s28, v25;
	[tilespmem:s25+$0x14D00] =	vst v41;
	v40 =	vld.idx.msk [tilespmem:v56+s16+$0x0], $0xffff  }
0x39d: {  	v62 =	vor.u32 s29, v25;
	v41 =	vld.idx.msk [tilespmem:v59+s16+$0x0], $0xffff;
	[tilespmem:s25+$0x14D80] =	vst v38  }
0x39e: {  	v46 =	vor.u32 s3, v26;
	v36 =	vld.idx.msk [tilespmem:v60+s16+$0x0], $0xffff;
	[tilespmem:s25+$0x14F00] =	vst v33  }
0x39f: {  	v47 =	vor.u32 s31, v26;
	v34 =	vld.idx.msk [tilespmem:v63+s16+$0x0], $0xffff;
	[tilespmem:s25+$0x14F80] =	vst v35  }
0x3a0: {  	v50 =	vor.u32 s30, v26;
	v38 =	vld.idx.msk [tilespmem:v45+s16+$0x0], $0xffff;
	[tilespmem:s25+$0x14E00] =	vst v39  }
0x3a1: {  	v51 =	vor.u32 s26, v26;
	v37 =	vld.idx.msk [tilespmem:v61+s16+$0x0], $0xffff;
	[tilespmem:s25+$0x14E80] =	vst v40  }
0x3a2: {  	v48 =	vor.u32 s28, v26;
	[tilespmem:s25+$0x14D10] =	vst v41;
	v32 =	vld.idx.msk [tilespmem:v62+s16+$0x0], $0xffff  }
0x3a3: {  	v49 =	vor.u32 s29, v26;
	v41 =	vld.idx.msk [tilespmem:v46+s16+$0x0], $0xffff;
	[tilespmem:s25+$0x14D90] =	vst v36  }
0x3a4: {  	v52 =	vor.u32 s3, v27;
	v39 =	vld.idx.msk [tilespmem:v47+s16+$0x0], $0xffff;
	[tilespmem:s25+$0x14F10] =	vst v34  }
0x3a5: {  	v53 =	vor.u32 s31, v27;
	v35 =	vld.idx.msk [tilespmem:v50+s16+$0x0], $0xffff;
	[tilespmem:s25+$0x14F90] =	vst v38  }
0x3a6: {  	v56 =	vor.u32 s30, v27;
	v36 =	vld.idx.msk [tilespmem:v51+s16+$0x0], $0xffff;
	[tilespmem:s25+$0x14E10] =	vst v37  }
0x3a7: {  	v57 =	vor.u32 s26, v27;
	v40 =	vld.idx.msk [tilespmem:v48+s16+$0x0], $0xffff;
	[tilespmem:s25+$0x14E90] =	vst v32  }
0x3a8: {  	v54 =	vor.u32 s28, v27;
	[tilespmem:s25+$0x14D20] =	vst v41;
	v33 =	vld.idx.msk [tilespmem:v49+s16+$0x0], $0xffff  }
0x3a9: {  	v55 =	vor.u32 s29, v27;
	v41 =	vld.idx.msk [tilespmem:v52+s16+$0x0], $0xffff;
	[tilespmem:s25+$0x14DA0] =	vst v39  }
0x3aa: {  	v58 =	vor.u32 s3, v28;
	v37 =	vld.idx.msk [tilespmem:v53+s16+$0x0], $0xffff;
	[tilespmem:s25+$0x14F20] =	vst v35  }
0x3ab: {  	v59 =	vor.u32 s31, v28;
	v38 =	vld.idx.msk [tilespmem:v56+s16+$0x0], $0xffff;
	[tilespmem:s25+$0x14FA0] =	vst v36  }
0x3ac: {  	v62 =	vor.u32 s30, v28;
	v39 =	vld.idx.msk [tilespmem:v57+s16+$0x0], $0xffff;
	[tilespmem:s25+$0x14E20] =	vst v40  }
0x3ad: {  	v63 =	vor.u32 s26, v28;
	v32 =	vld.idx.msk [tilespmem:v54+s16+$0x0], $0xffff;
	[tilespmem:s25+$0x14EA0] =	vst v33  }
0x3ae: {  	v60 =	vor.u32 s28, v28;
	[tilespmem:s25+$0x14D30] =	vst v41;
	v34 =	vld.idx.msk [tilespmem:v55+s16+$0x0], $0xffff  }
0x3af: {  	v61 =	vor.u32 s29, v28;
	v41 =	vld.idx.msk [tilespmem:v58+s16+$0x0], $0xffff;
	[tilespmem:s25+$0x14DB0] =	vst v37  }
0x3b0: {  	v45 =	vor.u32 s3, v29;
	v40 =	vld.idx.msk [tilespmem:v59+s16+$0x0], $0xffff;
	[tilespmem:s25+$0x14F30] =	vst v38  }
0x3b1: {  	v46 =	vor.u32 s31, v29;
	v36 =	vld.idx.msk [tilespmem:v62+s16+$0x0], $0xffff;
	[tilespmem:s25+$0x14FB0] =	vst v39  }
0x3b2: {  	v49 =	vor.u32 s30, v29;
	v37 =	vld.idx.msk [tilespmem:v63+s16+$0x0], $0xffff;
	[tilespmem:s25+$0x14E30] =	vst v32  }
0x3b3: {  	v50 =	vor.u32 s26, v29;
	v33 =	vld.idx.msk [tilespmem:v60+s16+$0x0], $0xffff;
	[tilespmem:s25+$0x14EB0] =	vst v34  }
0x3b4: {  	v47 =	vor.u32 s28, v29;
	[tilespmem:s25+$0x14D40] =	vst v41;
	v35 =	vld.idx.msk [tilespmem:v61+s16+$0x0], $0xffff  }
0x3b5: {  	v48 =	vor.u32 s29, v29;
	v41 =	vld.idx.msk [tilespmem:v45+s16+$0x0], $0xffff;
	[tilespmem:s25+$0x14DC0] =	vst v40  }
0x3b6: {  	v51 =	vor.u32 s3, v30;
	v32 =	vld.idx.msk [tilespmem:v46+s16+$0x0], $0xffff;
	[tilespmem:s25+$0x14F40] =	vst v36  }
0x3b7: {  	v52 =	vor.u32 s31, v30;
	v39 =	vld.idx.msk [tilespmem:v49+s16+$0x0], $0xffff;
	[tilespmem:s25+$0x14FC0] =	vst v37  }
0x3b8: {  	v55 =	vor.u32 s30, v30;
	v40 =	vld.idx.msk [tilespmem:v50+s16+$0x0], $0xffff;
	[tilespmem:s25+$0x14E40] =	vst v33  }
0x3b9: {  	v56 =	vor.u32 s26, v30;
	v34 =	vld.idx.msk [tilespmem:v47+s16+$0x0], $0xffff;
	[tilespmem:s25+$0x14EC0] =	vst v35  }
0x3ba: {  	v53 =	vor.u32 s28, v30;
	[tilespmem:s25+$0x14D50] =	vst v41;
	v38 =	vld.idx.msk [tilespmem:v48+s16+$0x0], $0xffff  }
0x3bb: {  	v54 =	vor.u32 s29, v30;
	v41 =	vld.idx.msk [tilespmem:v51+s16+$0x0], $0xffff;
	[tilespmem:s25+$0x14DD0] =	vst v32  }
0x3bc: {  	v57 =	vor.u32 s3, v31;
	v33 =	vld.idx.msk [tilespmem:v52+s16+$0x0], $0xffff;
	[tilespmem:s25+$0x14F50] =	vst v39  }
0x3bd: {  	v58 =	vor.u32 s31, v31;
	[tilespmem:s25+$0x14FD0] =	vst v40;
	v37 =	vld.idx.msk [tilespmem:v55+s16+$0x0], $0xffff  }
0x3be: {  	v61 =	vor.u32 s30, v31;
	v32 =	vld.idx.msk [tilespmem:v56+s16+$0x0], $0xffff;
	[tilespmem:s25+$0x14E50] =	vst v34  }
0x3bf: {  	v62 =	vor.u32 s26, v31;
	v35 =	vld.idx.msk [tilespmem:v53+s16+$0x0], $0xffff;
	[tilespmem:s25+$0x14ED0] =	vst v38  }
0x3c0: {  	v59 =	vor.u32 s28, v31;
	[tilespmem:s25+$0x14D60] =	vst v41;
	v36 =	vld.idx.msk [tilespmem:v54+s16+$0x0], $0xffff  }
0x3c1: {  	v60 =	vor.u32 s29, v31;
	v41 =	vld.idx.msk [tilespmem:v57+s16+$0x0], $0xffff;
	[tilespmem:s25+$0x14DE0] =	vst v33  }
0x3c2: {  	v34 =	vld.idx.msk [tilespmem:v58+s16+$0x0], $0xffff;
	[tilespmem:s25+$0x14F60] =	vst v37  }
0x3c3: {  	[tilespmem:s25+$0x14FE0] =	vst v32;
	v63 =	vld.idx.msk [tilespmem:v61+s16+$0x0], $0xffff  }
0x3c4: {  	v33 =	vld.idx.msk [tilespmem:v62+s16+$0x0], $0xffff;
	[tilespmem:s25+$0x14E60] =	vst v35  }
0x3c5: {  	v35 =	vld.idx.msk [tilespmem:v59+s16+$0x0], $0xffff;
	[tilespmem:s25+$0x14EE0] =	vst v36  }
0x3c6: {  	p0 =	slt.u32 s24, $0x18;
	[tilespmem:s25+$0x14D70] =	vst v41;
	v36 =	vld.idx.msk [tilespmem:v60+s16+$0x0], $0xffff  }
.Ltmp9:
0x3c7: {  	[tilespmem:s25+$0x14DF0] =	vst v34;
	(pc) =	sbr.rel @p0 .LBB2_14-.Ltmp9, $4  }
0x3c8: {  	[tilespmem:s25+$0x14F70] =	vst v63  }
0x3c9: {  	[tilespmem:s25+$0x14FF0] =	vst v33  }
0x3ca: {  	s31 =	sadd.s32 $0x8, s24;
	[tilespmem:s25+$0x14E70] =	vst v35  }
0x3cb: {  	s24 =	smov.u32 s31;
	[tilespmem:s25+$0x14EF0] =	vst v36  }
0x3cc: {  	p0 =	seq.s32 s20, $0x1F  }
.Ltmp10:
0x3cd: {  	_ = 	snop;
	(pc) =	sbr.rel @!p0 .LBB2_16-.Ltmp10, $4  }
0x3ce: {  	s3 =	sadd.s32 s23, s4  }
0x3cf: {  	s3 =	sadd.s32 s22, s3  }
0x3d0: {  	s3 =	sadd.s32 $0x800, s3  }
0x3d1: {  	[hbm4b:s3+s5] =	stream.linear.scatter [tilespmem:s17], [sflag:$0x4], $0x4000, $0x38;
	[tilespmem:$0x18000] =	vst v63  }
0x3d2: {  	s19 =	sadd.s32 $0x1, s19  }
0x3d3: {  	_ =	swait.ge [sflag:s18], $0x4000;
	p0 =	sne.s32 s19, s9  }
.Ltmp11:
0x3d4: {  	[sflag:s18] =	ssyncset.done $0x0;
	(pc) =	sbr.rel @p0 .LBB2_1-.Ltmp11, $4  }
0x3d5: {  	[sflag:s18] =	ssyncadd.s32 $0xFFFFC000  }
0x3d6: {  	_ =	swait.ge [sflag:s15], $0x4000  }
0x3d7: {  	[sflag:s15] =	ssyncset.done $0x0  }
0x3d8: {  	[sflag:s15] =	ssyncadd.s32 $0xFFFFC000  }
0x3d9: {  	_ =	sfence.sel $0x180000  }
0x3da: {  	[bflag:$0x0] =	sbarrier.arrive $0xFFFF  }
0x3db: {  	_ =	strace $0x90000047  }
0x3dc: {  	[bflag:$0x2] =	sbarrier.arrive $0xFFFF  }
0x3dd: {  	p0 =	sne.s32 s0, $0x0;
	s0 =	rddreg [dreg:$0x2]  }
0x3de: {  	s0 =	sadd.s32 @!p0 $0x100000, s0  }
0x3df: {  	[sflag:s0] =	ssyncadd.tile.s32 @!p0 $0x1;
	_ =	shalt  }
.Lfunc_end2:
_tile_overlayer_lowered:
.L_overlay_start_2:
0x3e0: {  	(tag) =	ssettag $0x2  }
0x3e1: {  	s0 =	rddreg [dreg:$0x0];
	s2 =	stileid.u32  }
0x3e2: {  	s1 =	rddreg [dreg:$0x1];
	p0 =	sne.s32 s2, $0x0  }
0x3e3: {  	s3 =	rddreg [dreg:$0x2];
	[bflag:$0x3] =	sbarrier.arrive $0xFFFF;
	s2 =	simm.s32 @!p0 $0x1C05  }
0x3e4: {  	[timem:s3], [sflag:s2] =	dma.local @!p0 [hbm:s0], s1  }
0x3e5: {  	s0 =	simm.s32 @!p0 $0x5  }
0x3e6: {  	_ =	swait.ge @!p0 [sflag:s0], s1  }
0x3e7: {  	s1 =	ssub.s32 @!p0 $0x0, s1;
	[sflag:s0] =	ssyncset.done @!p0 $0x0  }
0x3e8: {  	[sflag:s0] =	ssyncadd.s32 @!p0 s1  }
0x3e9: {  	[bflag:$0x3] =	sbarrier.arrive $0xFFFF  }
0x3ea: {  	_ =	shalt  }

</sc_bundles>
